<compile_context>
chip_gen: v7x
topology: tpu7x:2x2x1
jax: 0.10.2.dev20260603
libtpu: 0.0.44.dev20260713+nightly
codegen_flags: <defaults>
</compile_context>

<pallas_src>
import functools

import jax
import jax.numpy as jnp
from jax import lax
from jax.experimental import pallas as pl
from jax.experimental.pallas import tpu as pltpu
from jax.experimental.pallas import tpu_sc as plsc

NB = 32
EPS = 1e-08
H, W = 4096, 4096
N = H * W
NC, NS, L = 2, 16, 16
NW = NC * NS
PER_W = N // NW
ROWS_W = H // NW
CROWS = 2
CHUNK = CROWS * W
NCHUNK = ROWS_W // CROWS
VECS = CHUNK // L
HB = NB + 1
HSZ = HB * HB
HPAD = 1104
PART = HPAD + 2 * L

_LN2 = 0.6931471805599453


def _ln(x):
    bits = plsc.bitcast(x, jnp.int32)
    e = (bits >> 23) - 127
    m_bits = (bits & jnp.int32(0x007FFFFF)) | jnp.int32(0x3F800000)
    m = plsc.bitcast(m_bits, jnp.float32)
    z = (m - 1.0) / (m + 1.0)
    z2 = z * z
    p = 2.0 / 7.0
    p = p * z2 + 2.0 / 5.0
    p = p * z2 + 2.0 / 3.0
    p = p * z2 + 2.0
    return z * p + e.astype(jnp.float32) * _LN2


@functools.partial(
    pl.kernel,
    out_type=jax.ShapeDtypeStruct((NW, PART), jnp.float32),
    mesh=plsc.VectorSubcoreMesh(
        core_axis_name="c", subcore_axis_name="s", num_cores=NC,
        num_subcores=NS),
    scratch_types=[
        pltpu.VMEM((2, CROWS, W), jnp.float32),
        pltpu.VMEM((2, CROWS, W), jnp.float32),
        pltpu.VMEM((2, CROWS, W), jnp.float32),
        pltpu.VMEM((HSZ * L,), jnp.float32),
        pltpu.VMEM((PART,), jnp.float32),
        pltpu.VMEM((CHUNK + L,), jnp.float32),
        pltpu.SemaphoreType.DMA,
        pltpu.SemaphoreType.DMA,
    ],
    compiler_params=pltpu.CompilerParams(needs_layout_passes=False),
)
def _sc_pass(s_hbm, t_hbm, u_hbm, part_hbm, sbuf, tbuf, ubuf, hist, acc,
             tvals, sem0, sem1):
    cid = lax.axis_index("c")
    sid = lax.axis_index("s")
    wid = sid * NC + cid
    base = wid * ROWS_W
    sems = (sem0, sem1)

    zero = jnp.zeros((L,), jnp.float32)
    ones = jnp.ones((L,), jnp.float32)
    nbf = jnp.float32(NB)
    upper = jnp.float32(1.0 - EPS)
    iot = lax.iota(jnp.int32, L)

    for i in range(PART // L):
        acc[pl.ds(i * L, L)] = zero

    @plsc.parallel_loop(0, HSZ, unroll=8)
    def _hzero(j):
        hist[pl.ds(j * L, L)] = zero

    def _issue(idx, b):
        off = pl.multiple_of(base + idx * CROWS, CROWS)
        pltpu.async_copy(s_hbm.at[pl.ds(off, CROWS), :], sbuf.at[b], sems[b])
        pltpu.async_copy(t_hbm.at[pl.ds(off, CROWS), :], tbuf.at[b], sems[b])
        pltpu.async_copy(u_hbm.at[pl.ds(off, CROWS), :], ubuf.at[b], sems[b])

    def _drain(b):
        pltpu.make_async_copy(s_hbm.at[pl.ds(0, CROWS), :], sbuf.at[b],
                              sems[b]).wait()
        pltpu.make_async_copy(t_hbm.at[pl.ds(0, CROWS), :], tbuf.at[b],
                              sems[b]).wait()
        pltpu.make_async_copy(u_hbm.at[pl.ds(0, CROWS), :], ubuf.at[b],
                              sems[b]).wait()

    _issue(0, 0)
    _issue(1, 1)

    @pl.loop(0, NCHUNK, step=2, init_carry=jnp.int32(0))
    def _pair(k, cnt_tot):
        for b in range(2):
            idx = k + b
            _drain(b)

            @plsc.parallel_loop(0, VECS, unroll=8, carry=jnp.int32(0))
            def _vec(i, ptr):
                r = i >> 8
                o = pl.multiple_of((i & 255) * L, L)
                s = sbuf[b, r, pl.ds(o, L)]
                t = tbuf[b, r, pl.ds(o, L)]
                u = ubuf[b, r, pl.ds(o, L)]
                topo = 1.0 - jnp.abs(s - t)
                conf = 1.0 - u
                tf = topo * nbf
                cf = conf * nbf
                flat = tf.astype(jnp.int32) * HB + cf.astype(jnp.int32)
                plsc.addupdate_scatter(hist, [flat * L + iot], ones)
                msk = conf > 0.8
                plsc.store_compressed(tvals.at[pl.ds(ptr, L)], topo,
                                      mask=msk)
                pc = plsc.all_reduce_population_count(msk)
                return ptr + pc[0]

            tvals[pl.ds(_vec, L)] = ones
            nv = (_vec + L - 1) >> 4

            @plsc.parallel_loop(0, nv, unroll=4)
            def _ent(j):
                v = tvals[pl.ds(j * L, L)]
                tc = jnp.minimum(jnp.maximum(v, EPS), upper)
                plsc.addupdate(acc.at[pl.ds(HPAD, L)],
                               tc * _ln(tc + EPS))

            cnt_tot = cnt_tot + _vec

            @pl.when(idx + 2 < NCHUNK)
            def _():
                _issue(idx + 2, b)
        return cnt_tot

    p8 = (iot + 8) & 15
    p4 = (iot + 4) & 15
    p2 = (iot + 2) & 15
    p1 = (iot + 1) & 15
    lane0 = iot == 0

    @plsc.parallel_loop(0, HSZ, unroll=8)
    def _fold(bn):
        v = hist[pl.ds(bn * L, L)]
        v = v + v.at[p8].get(mode="promise_in_bounds")
        v = v + v.at[p4].get(mode="promise_in_bounds")
        v = v + v.at[p2].get(mode="promise_in_bounds")
        v = v + v.at[p1].get(mode="promise_in_bounds")
        plsc.store_compressed(acc.at[pl.ds(bn, L)], v, mask=lane0)

    acc[pl.ds(HPAD + L, L)] = jnp.where(
        iot == 0, _pair.astype(jnp.float32), 0.0)
    pltpu.sync_copy(acc, part_hbm.at[wid])


def _fin_body(hists_ref, tails_ref, out_ref):
    joint = jnp.sum(hists_ref[...], axis=0)[:NB, :NB]
    total = jnp.sum(joint)
    jp = joint / (total + EPS)
    mt = jnp.sum(jp, axis=1, keepdims=True)
    mc = jnp.sum(jp, axis=0, keepdims=True)
    denom = mt * mc + EPS
    term = jnp.where(jp > EPS, jp * jnp.log(jp / denom + EPS), 0.0)
    mi = jnp.where(total < EPS, 0.0, jnp.sum(term))
    ent_sum = -jnp.sum(tails_ref[:, :L])
    cnt = jnp.sum(tails_ref[:, L:])
    ent_loss = jnp.where(cnt > 10.0, ent_sum / jnp.maximum(cnt, 1.0), 0.0)
    out_ref[...] = jnp.broadcast_to(-mi + 0.1 * ent_loss, (1, 1))


def kernel(stu_tensor, tea_tensor, stu_uncertainty):
    parts = _sc_pass(stu_tensor, tea_tensor, stu_uncertainty)
    hists = parts[:, :HSZ].reshape(NW, HB, HB)
    tails = parts[:, HPAD:]
    out = pl.pallas_call(
        _fin_body,
        out_shape=jax.ShapeDtypeStruct((1, 1), jnp.float32),
    )(hists, tails)
    return out.reshape(())

# --- scband reference (transcript-rebuilt; emitter-appended) ---
"""Pipeline reference for scband-uncertainty-aware-topology-loss-v2-90091234000992 (READ-ONLY COPY).

The authoritative reference and input builder live on the scoring server;
editing this copy changes nothing except your own understanding.
"""

import jax, jax.numpy as jnp
import numpy as np

NUM_BINS = 32
EPS = 1e-08
H, W = 4096, 4096


def setup_inputs(seed: int = 0) -> dict:
    key = jax.random.key(seed)
    k1, k2, k3 = jax.random.split(key, 3)
    stu = jax.random.uniform(k1, (H, W), dtype=jnp.float32)
    tea = jax.random.uniform(k2, (H, W), dtype=jnp.float32)
    unc = jax.random.uniform(k3, (H, W), dtype=jnp.float32)
    return {"stu_tensor": stu, "tea_tensor": tea, "stu_uncertainty": unc}


def _mutual_information(topo, conf):
    nb = NUM_BINS
    bins = jnp.linspace(0.0, 1.0, nb + 1)
    tf = topo.reshape(-1)
    cf = conf.reshape(-1)
    # bin i covers [bins[i], bins[i+1]) exactly as the torch double loop does
    it = jnp.searchsorted(bins, tf, side='right') - 1
    ic = jnp.searchsorted(bins, cf, side='right') - 1
    valid = (it >= 0) & (it < nb) & (ic >= 0) & (ic < nb)
    flat = jnp.where(valid, it * nb + ic, nb * nb)
    joint_hist = jnp.bincount(flat, length=nb * nb + 1)[: nb * nb].astype(jnp.float32).reshape(nb, nb)
    total_samples = joint_hist.sum()
    joint_prob = joint_hist / (total_samples + EPS)
    marginal_topo = joint_prob.sum(axis=1)
    marginal_conf = joint_prob.sum(axis=0)
    denom = marginal_topo[:, None] * marginal_conf[None, :] + EPS
    term = jnp.where(joint_prob > EPS, joint_prob * jnp.log(joint_prob / denom + EPS), 0.0)
    mi = term.sum()
    mi = jnp.where(total_samples < EPS, 0.0, mi)
    return mi


def reference(stu_tensor, tea_tensor, stu_uncertainty):
    topo_consistency = 1.0 - jnp.abs(stu_tensor - tea_tensor)
    confidence = 1.0 - stu_uncertainty
    mi_loss = -_mutual_information(topo_consistency, confidence)
    high_conf_mask = confidence > 0.8
    cnt = high_conf_mask.sum()
    topo_clamp = jnp.clip(topo_consistency, EPS, 1.0 - EPS)
    ent_vals = -(topo_clamp * jnp.log(topo_clamp + EPS))
    masked_mean = jnp.sum(jnp.where(high_conf_mask, ent_vals, 0.0)) / jnp.maximum(cnt, 1).astype(jnp.float32)
    entropy_loss = jnp.where(cnt > 10, masked_mean, 0.0)
    total_loss = mi_loss + 0.1 * entropy_loss
    return total_loss

if __name__ == "__main__":
    import jax
    _d = setup_inputs()
    print(jax.jit(kernel)(*tuple(_d.values())))

</pallas_src>

<mosaic_0001>
#map = affine_map<(d0, d1) -> (0, 0)>
module attributes {stable_mosaic.version = 14 : i64} {
  func.func @_sc_pass(%arg0: i32, %arg1: i32, %arg2: memref<4096x4096xf32, #tpu.memory_space<hbm>>, %arg3: memref<4096x4096xf32, #tpu.memory_space<hbm>>, %arg4: memref<4096x4096xf32, #tpu.memory_space<hbm>>, %arg5: memref<32x1136xf32, #tpu.memory_space<hbm>>, %arg6: memref<2x2x4096xf32, #tpu.memory_space<vmem>>, %arg7: memref<2x2x4096xf32, #tpu.memory_space<vmem>>, %arg8: memref<2x2x4096xf32, #tpu.memory_space<vmem>>, %arg9: memref<17424xf32, #tpu.memory_space<vmem>>, %arg10: memref<1136xf32, #tpu.memory_space<vmem>>, %arg11: memref<8208xf32, #tpu.memory_space<vmem>>, %arg12: memref<!tpu.dma_semaphore, #tpu.memory_space<semaphore_mem>>, %arg13: memref<!tpu.dma_semaphore, #tpu.memory_space<semaphore_mem>>) attributes {dimension_semantics = [#tpu.dimension_semantics<core_parallel>, #tpu.dimension_semantics<subcore_parallel>], iteration_bounds = array<i64: 2, 16>, scalar_prefetch = 0 : i64, scratch_operands = 8 : i64, tpu.core_type = #tpu.core_type<sc_vector_subcore>, window_params = [{transform_indices = #map}, {transform_indices = #map}, {transform_indices = #map}, {transform_indices = #map}]} {
    %mul3A = arith.constant 2 : i32
    %mul3A_0 = arith.muli %arg1, %mul3A : i32
    %add3A = arith.addi %mul3A_0, %arg0 : i32
    %mul3A_1 = arith.constant 128 : i32
    %mul3A_2 = arith.muli %add3A, %mul3A_1 : i32
    %broadcast_in_dim3A = arith.constant 0.000000e+00 : f32
    %broadcast_in_dim3A_3 = vector.broadcast %broadcast_in_dim3A : f32 to vector<16xf32>
    %broadcast_in_dim3A_4 = arith.constant 1.000000e+00 : f32
    %broadcast_in_dim3A_5 = vector.broadcast %broadcast_in_dim3A_4 : f32 to vector<16xf32>
    %iota3A = tpu.iota {dimensions = array<i32: 0>} : vector<16xi32>
    %swap3A = arith.constant 0 : index
    %swap3A_6 = tpu.vector_load %arg10[%swap3A] {strides = array<i32>} : memref<1136xf32, #tpu.memory_space<vmem>>, vector<16xf32>,
    tpu.vector_store %arg10[%swap3A], %broadcast_in_dim3A_3 {strides = array<i32>} : memref<1136xf32, #tpu.memory_space<vmem>>, vector<16xf32>,
    %swap3A_7 = arith.constant 16 : index
    %swap3A_8 = tpu.vector_load %arg10[%swap3A_7] {strides = array<i32>} : memref<1136xf32, #tpu.memory_space<vmem>>, vector<16xf32>,
    tpu.vector_store %arg10[%swap3A_7], %broadcast_in_dim3A_3 {strides = array<i32>} : memref<1136xf32, #tpu.memory_space<vmem>>, vector<16xf32>,
    %swap3A_9 = arith.constant 32 : index
    %swap3A_10 = tpu.vector_load %arg10[%swap3A_9] {strides = array<i32>} : memref<1136xf32, #tpu.memory_space<vmem>>, vector<16xf32>,
    tpu.vector_store %arg10[%swap3A_9], %broadcast_in_dim3A_3 {strides = array<i32>} : memref<1136xf32, #tpu.memory_space<vmem>>, vector<16xf32>,
    %swap3A_11 = arith.constant 48 : index
    %swap3A_12 = tpu.vector_load %arg10[%swap3A_11] {strides = array<i32>} : memref<1136xf32, #tpu.memory_space<vmem>>, vector<16xf32>,
    tpu.vector_store %arg10[%swap3A_11], %broadcast_in_dim3A_3 {strides = array<i32>} : memref<1136xf32, #tpu.memory_space<vmem>>, vector<16xf32>,
    %swap3A_13 = arith.constant 64 : index
    %swap3A_14 = tpu.vector_load %arg10[%swap3A_13] {strides = array<i32>} : memref<1136xf32, #tpu.memory_space<vmem>>, vector<16xf32>,
    tpu.vector_store %arg10[%swap3A_13], %broadcast_in_dim3A_3 {strides = array<i32>} : memref<1136xf32, #tpu.memory_space<vmem>>, vector<16xf32>,
    %swap3A_15 = arith.constant 80 : index
    %swap3A_16 = tpu.vector_load %arg10[%swap3A_15] {strides = array<i32>} : memref<1136xf32, #tpu.memory_space<vmem>>, vector<16xf32>,
    tpu.vector_store %arg10[%swap3A_15], %broadcast_in_dim3A_3 {strides = array<i32>} : memref<1136xf32, #tpu.memory_space<vmem>>, vector<16xf32>,
    %swap3A_17 = arith.constant 96 : index
    %swap3A_18 = tpu.vector_load %arg10[%swap3A_17] {strides = array<i32>} : memref<1136xf32, #tpu.memory_space<vmem>>, vector<16xf32>,
    tpu.vector_store %arg10[%swap3A_17], %broadcast_in_dim3A_3 {strides = array<i32>} : memref<1136xf32, #tpu.memory_space<vmem>>, vector<16xf32>,
    %swap3A_19 = arith.constant 112 : index
    %swap3A_20 = tpu.vector_load %arg10[%swap3A_19] {strides = array<i32>} : memref<1136xf32, #tpu.memory_space<vmem>>, vector<16xf32>,
    tpu.vector_store %arg10[%swap3A_19], %broadcast_in_dim3A_3 {strides = array<i32>} : memref<1136xf32, #tpu.memory_space<vmem>>, vector<16xf32>,
    %swap3A_21 = arith.constant 128 : index
    %swap3A_22 = tpu.vector_load %arg10[%swap3A_21] {strides = array<i32>} : memref<1136xf32, #tpu.memory_space<vmem>>, vector<16xf32>,
    tpu.vector_store %arg10[%swap3A_21], %broadcast_in_dim3A_3 {strides = array<i32>} : memref<1136xf32, #tpu.memory_space<vmem>>, vector<16xf32>,
    %swap3A_23 = arith.constant 144 : index
    %swap3A_24 = tpu.vector_load %arg10[%swap3A_23] {strides = array<i32>} : memref<1136xf32, #tpu.memory_space<vmem>>, vector<16xf32>,
    tpu.vector_store %arg10[%swap3A_23], %broadcast_in_dim3A_3 {strides = array<i32>} : memref<1136xf32, #tpu.memory_space<vmem>>, vector<16xf32>,
    %swap3A_25 = arith.constant 160 : index
    %swap3A_26 = tpu.vector_load %arg10[%swap3A_25] {strides = array<i32>} : memref<1136xf32, #tpu.memory_space<vmem>>, vector<16xf32>,
    tpu.vector_store %arg10[%swap3A_25], %broadcast_in_dim3A_3 {strides = array<i32>} : memref<1136xf32, #tpu.memory_space<vmem>>, vector<16xf32>,
    %swap3A_27 = arith.constant 176 : index
    %swap3A_28 = tpu.vector_load %arg10[%swap3A_27] {strides = array<i32>} : memref<1136xf32, #tpu.memory_space<vmem>>, vector<16xf32>,
    tpu.vector_store %arg10[%swap3A_27], %broadcast_in_dim3A_3 {strides = array<i32>} : memref<1136xf32, #tpu.memory_space<vmem>>, vector<16xf32>,
    %swap3A_29 = arith.constant 192 : index
    %swap3A_30 = tpu.vector_load %arg10[%swap3A_29] {strides = array<i32>} : memref<1136xf32, #tpu.memory_space<vmem>>, vector<16xf32>,
    tpu.vector_store %arg10[%swap3A_29], %broadcast_in_dim3A_3 {strides = array<i32>} : memref<1136xf32, #tpu.memory_space<vmem>>, vector<16xf32>,
    %swap3A_31 = arith.constant 208 : index
    %swap3A_32 = tpu.vector_load %arg10[%swap3A_31] {strides = array<i32>} : memref<1136xf32, #tpu.memory_space<vmem>>, vector<16xf32>,
    tpu.vector_store %arg10[%swap3A_31], %broadcast_in_dim3A_3 {strides = array<i32>} : memref<1136xf32, #tpu.memory_space<vmem>>, vector<16xf32>,
    %swap3A_33 = arith.constant 224 : index
    %swap3A_34 = tpu.vector_load %arg10[%swap3A_33] {strides = array<i32>} : memref<1136xf32, #tpu.memory_space<vmem>>, vector<16xf32>,
    tpu.vector_store %arg10[%swap3A_33], %broadcast_in_dim3A_3 {strides = array<i32>} : memref<1136xf32, #tpu.memory_space<vmem>>, vector<16xf32>,
    %swap3A_35 = arith.constant 240 : index
    %swap3A_36 = tpu.vector_load %arg10[%swap3A_35] {strides = array<i32>} : memref<1136xf32, #tpu.memory_space<vmem>>, vector<16xf32>,
    tpu.vector_store %arg10[%swap3A_35], %broadcast_in_dim3A_3 {strides = array<i32>} : memref<1136xf32, #tpu.memory_space<vmem>>, vector<16xf32>,
    %swap3A_37 = arith.constant 256 : index
    %swap3A_38 = tpu.vector_load %arg10[%swap3A_37] {strides = array<i32>} : memref<1136xf32, #tpu.memory_space<vmem>>, vector<16xf32>,
    tpu.vector_store %arg10[%swap3A_37], %broadcast_in_dim3A_3 {strides = array<i32>} : memref<1136xf32, #tpu.memory_space<vmem>>, vector<16xf32>,
    %swap3A_39 = arith.constant 272 : index
    %swap3A_40 = tpu.vector_load %arg10[%swap3A_39] {strides = array<i32>} : memref<1136xf32, #tpu.memory_space<vmem>>, vector<16xf32>,
    tpu.vector_store %arg10[%swap3A_39], %broadcast_in_dim3A_3 {strides = array<i32>} : memref<1136xf32, #tpu.memory_space<vmem>>, vector<16xf32>,
    %swap3A_41 = arith.constant 288 : index
    %swap3A_42 = tpu.vector_load %arg10[%swap3A_41] {strides = array<i32>} : memref<1136xf32, #tpu.memory_space<vmem>>, vector<16xf32>,
    tpu.vector_store %arg10[%swap3A_41], %broadcast_in_dim3A_3 {strides = array<i32>} : memref<1136xf32, #tpu.memory_space<vmem>>, vector<16xf32>,
    %swap3A_43 = arith.constant 304 : index
    %swap3A_44 = tpu.vector_load %arg10[%swap3A_43] {strides = array<i32>} : memref<1136xf32, #tpu.memory_space<vmem>>, vector<16xf32>,
    tpu.vector_store %arg10[%swap3A_43], %broadcast_in_dim3A_3 {strides = array<i32>} : memref<1136xf32, #tpu.memory_space<vmem>>, vector<16xf32>,
    %swap3A_45 = arith.constant 320 : index
    %swap3A_46 = tpu.vector_load %arg10[%swap3A_45] {strides = array<i32>} : memref<1136xf32, #tpu.memory_space<vmem>>, vector<16xf32>,
    tpu.vector_store %arg10[%swap3A_45], %broadcast_in_dim3A_3 {strides = array<i32>} : memref<1136xf32, #tpu.memory_space<vmem>>, vector<16xf32>,
    %swap3A_47 = arith.constant 336 : index
    %swap3A_48 = tpu.vector_load %arg10[%swap3A_47] {strides = array<i32>} : memref<1136xf32, #tpu.memory_space<vmem>>, vector<16xf32>,
    tpu.vector_store %arg10[%swap3A_47], %broadcast_in_dim3A_3 {strides = array<i32>} : memref<1136xf32, #tpu.memory_space<vmem>>, vector<16xf32>,
    %swap3A_49 = arith.constant 352 : index
    %swap3A_50 = tpu.vector_load %arg10[%swap3A_49] {strides = array<i32>} : memref<1136xf32, #tpu.memory_space<vmem>>, vector<16xf32>,
    tpu.vector_store %arg10[%swap3A_49], %broadcast_in_dim3A_3 {strides = array<i32>} : memref<1136xf32, #tpu.memory_space<vmem>>, vector<16xf32>,
    %swap3A_51 = arith.constant 368 : index
    %swap3A_52 = tpu.vector_load %arg10[%swap3A_51] {strides = array<i32>} : memref<1136xf32, #tpu.memory_space<vmem>>, vector<16xf32>,
    tpu.vector_store %arg10[%swap3A_51], %broadcast_in_dim3A_3 {strides = array<i32>} : memref<1136xf32, #tpu.memory_space<vmem>>, vector<16xf32>,
    %swap3A_53 = arith.constant 384 : index
    %swap3A_54 = tpu.vector_load %arg10[%swap3A_53] {strides = array<i32>} : memref<1136xf32, #tpu.memory_space<vmem>>, vector<16xf32>,
    tpu.vector_store %arg10[%swap3A_53], %broadcast_in_dim3A_3 {strides = array<i32>} : memref<1136xf32, #tpu.memory_space<vmem>>, vector<16xf32>,
    %swap3A_55 = arith.constant 400 : index
    %swap3A_56 = tpu.vector_load %arg10[%swap3A_55] {strides = array<i32>} : memref<1136xf32, #tpu.memory_space<vmem>>, vector<16xf32>,
    tpu.vector_store %arg10[%swap3A_55], %broadcast_in_dim3A_3 {strides = array<i32>} : memref<1136xf32, #tpu.memory_space<vmem>>, vector<16xf32>,
    %swap3A_57 = arith.constant 416 : index
    %swap3A_58 = tpu.vector_load %arg10[%swap3A_57] {strides = array<i32>} : memref<1136xf32, #tpu.memory_space<vmem>>, vector<16xf32>,
    tpu.vector_store %arg10[%swap3A_57], %broadcast_in_dim3A_3 {strides = array<i32>} : memref<1136xf32, #tpu.memory_space<vmem>>, vector<16xf32>,
    %swap3A_59 = arith.constant 432 : index
    %swap3A_60 = tpu.vector_load %arg10[%swap3A_59] {strides = array<i32>} : memref<1136xf32, #tpu.memory_space<vmem>>, vector<16xf32>,
    tpu.vector_store %arg10[%swap3A_59], %broadcast_in_dim3A_3 {strides = array<i32>} : memref<1136xf32, #tpu.memory_space<vmem>>, vector<16xf32>,
    %swap3A_61 = arith.constant 448 : index
    %swap3A_62 = tpu.vector_load %arg10[%swap3A_61] {strides = array<i32>} : memref<1136xf32, #tpu.memory_space<vmem>>, vector<16xf32>,
    tpu.vector_store %arg10[%swap3A_61], %broadcast_in_dim3A_3 {strides = array<i32>} : memref<1136xf32, #tpu.memory_space<vmem>>, vector<16xf32>,
    %swap3A_63 = arith.constant 464 : index
    %swap3A_64 = tpu.vector_load %arg10[%swap3A_63] {strides = array<i32>} : memref<1136xf32, #tpu.memory_space<vmem>>, vector<16xf32>,
    tpu.vector_store %arg10[%swap3A_63], %broadcast_in_dim3A_3 {strides = array<i32>} : memref<1136xf32, #tpu.memory_space<vmem>>, vector<16xf32>,
    %swap3A_65 = arith.constant 480 : index
    %swap3A_66 = tpu.vector_load %arg10[%swap3A_65] {strides = array<i32>} : memref<1136xf32, #tpu.memory_space<vmem>>, vector<16xf32>,
    tpu.vector_store %arg10[%swap3A_65], %broadcast_in_dim3A_3 {strides = array<i32>} : memref<1136xf32, #tpu.memory_space<vmem>>, vector<16xf32>,
    %swap3A_67 = arith.constant 496 : index
    %swap3A_68 = tpu.vector_load %arg10[%swap3A_67] {strides = array<i32>} : memref<1136xf32, #tpu.memory_space<vmem>>, vector<16xf32>,
    tpu.vector_store %arg10[%swap3A_67], %broadcast_in_dim3A_3 {strides = array<i32>} : memref<1136xf32, #tpu.memory_space<vmem>>, vector<16xf32>,
    %swap3A_69 = arith.constant 512 : index
    %swap3A_70 = tpu.vector_load %arg10[%swap3A_69] {strides = array<i32>} : memref<1136xf32, #tpu.memory_space<vmem>>, vector<16xf32>,
    tpu.vector_store %arg10[%swap3A_69], %broadcast_in_dim3A_3 {strides = array<i32>} : memref<1136xf32, #tpu.memory_space<vmem>>, vector<16xf32>,
    %swap3A_71 = arith.constant 528 : index
    %swap3A_72 = tpu.vector_load %arg10[%swap3A_71] {strides = array<i32>} : memref<1136xf32, #tpu.memory_space<vmem>>, vector<16xf32>,
    tpu.vector_store %arg10[%swap3A_71], %broadcast_in_dim3A_3 {strides = array<i32>} : memref<1136xf32, #tpu.memory_space<vmem>>, vector<16xf32>,
    %swap3A_73 = arith.constant 544 : index
    %swap3A_74 = tpu.vector_load %arg10[%swap3A_73] {strides = array<i32>} : memref<1136xf32, #tpu.memory_space<vmem>>, vector<16xf32>,
    tpu.vector_store %arg10[%swap3A_73], %broadcast_in_dim3A_3 {strides = array<i32>} : memref<1136xf32, #tpu.memory_space<vmem>>, vector<16xf32>,
    %swap3A_75 = arith.constant 560 : index
    %swap3A_76 = tpu.vector_load %arg10[%swap3A_75] {strides = array<i32>} : memref<1136xf32, #tpu.memory_space<vmem>>, vector<16xf32>,
    tpu.vector_store %arg10[%swap3A_75], %broadcast_in_dim3A_3 {strides = array<i32>} : memref<1136xf32, #tpu.memory_space<vmem>>, vector<16xf32>,
    %swap3A_77 = arith.constant 576 : index
    %swap3A_78 = tpu.vector_load %arg10[%swap3A_77] {strides = array<i32>} : memref<1136xf32, #tpu.memory_space<vmem>>, vector<16xf32>,
    tpu.vector_store %arg10[%swap3A_77], %broadcast_in_dim3A_3 {strides = array<i32>} : memref<1136xf32, #tpu.memory_space<vmem>>, vector<16xf32>,
    %swap3A_79 = arith.constant 592 : index
    %swap3A_80 = tpu.vector_load %arg10[%swap3A_79] {strides = array<i32>} : memref<1136xf32, #tpu.memory_space<vmem>>, vector<16xf32>,
    tpu.vector_store %arg10[%swap3A_79], %broadcast_in_dim3A_3 {strides = array<i32>} : memref<1136xf32, #tpu.memory_space<vmem>>, vector<16xf32>,
    %swap3A_81 = arith.constant 608 : index
    %swap3A_82 = tpu.vector_load %arg10[%swap3A_81] {strides = array<i32>} : memref<1136xf32, #tpu.memory_space<vmem>>, vector<16xf32>,
    tpu.vector_store %arg10[%swap3A_81], %broadcast_in_dim3A_3 {strides = array<i32>} : memref<1136xf32, #tpu.memory_space<vmem>>, vector<16xf32>,
    %swap3A_83 = arith.constant 624 : index
    %swap3A_84 = tpu.vector_load %arg10[%swap3A_83] {strides = array<i32>} : memref<1136xf32, #tpu.memory_space<vmem>>, vector<16xf32>,
    tpu.vector_store %arg10[%swap3A_83], %broadcast_in_dim3A_3 {strides = array<i32>} : memref<1136xf32, #tpu.memory_space<vmem>>, vector<16xf32>,
    %swap3A_85 = arith.constant 640 : index
    %swap3A_86 = tpu.vector_load %arg10[%swap3A_85] {strides = array<i32>} : memref<1136xf32, #tpu.memory_space<vmem>>, vector<16xf32>,
    tpu.vector_store %arg10[%swap3A_85], %broadcast_in_dim3A_3 {strides = array<i32>} : memref<1136xf32, #tpu.memory_space<vmem>>, vector<16xf32>,
    %swap3A_87 = arith.constant 656 : index
    %swap3A_88 = tpu.vector_load %arg10[%swap3A_87] {strides = array<i32>} : memref<1136xf32, #tpu.memory_space<vmem>>, vector<16xf32>,
    tpu.vector_store %arg10[%swap3A_87], %broadcast_in_dim3A_3 {strides = array<i32>} : memref<1136xf32, #tpu.memory_space<vmem>>, vector<16xf32>,
    %swap3A_89 = arith.constant 672 : index
    %swap3A_90 = tpu.vector_load %arg10[%swap3A_89] {strides = array<i32>} : memref<1136xf32, #tpu.memory_space<vmem>>, vector<16xf32>,
    tpu.vector_store %arg10[%swap3A_89], %broadcast_in_dim3A_3 {strides = array<i32>} : memref<1136xf32, #tpu.memory_space<vmem>>, vector<16xf32>,
    %swap3A_91 = arith.constant 688 : index
    %swap3A_92 = tpu.vector_load %arg10[%swap3A_91] {strides = array<i32>} : memref<1136xf32, #tpu.memory_space<vmem>>, vector<16xf32>,
    tpu.vector_store %arg10[%swap3A_91], %broadcast_in_dim3A_3 {strides = array<i32>} : memref<1136xf32, #tpu.memory_space<vmem>>, vector<16xf32>,
    %swap3A_93 = arith.constant 704 : index
    %swap3A_94 = tpu.vector_load %arg10[%swap3A_93] {strides = array<i32>} : memref<1136xf32, #tpu.memory_space<vmem>>, vector<16xf32>,
    tpu.vector_store %arg10[%swap3A_93], %broadcast_in_dim3A_3 {strides = array<i32>} : memref<1136xf32, #tpu.memory_space<vmem>>, vector<16xf32>,
    %swap3A_95 = arith.constant 720 : index
    %swap3A_96 = tpu.vector_load %arg10[%swap3A_95] {strides = array<i32>} : memref<1136xf32, #tpu.memory_space<vmem>>, vector<16xf32>,
    tpu.vector_store %arg10[%swap3A_95], %broadcast_in_dim3A_3 {strides = array<i32>} : memref<1136xf32, #tpu.memory_space<vmem>>, vector<16xf32>,
    %swap3A_97 = arith.constant 736 : index
    %swap3A_98 = tpu.vector_load %arg10[%swap3A_97] {strides = array<i32>} : memref<1136xf32, #tpu.memory_space<vmem>>, vector<16xf32>,
    tpu.vector_store %arg10[%swap3A_97], %broadcast_in_dim3A_3 {strides = array<i32>} : memref<1136xf32, #tpu.memory_space<vmem>>, vector<16xf32>,
    %swap3A_99 = arith.constant 752 : index
    %swap3A_100 = tpu.vector_load %arg10[%swap3A_99] {strides = array<i32>} : memref<1136xf32, #tpu.memory_space<vmem>>, vector<16xf32>,
    tpu.vector_store %arg10[%swap3A_99], %broadcast_in_dim3A_3 {strides = array<i32>} : memref<1136xf32, #tpu.memory_space<vmem>>, vector<16xf32>,
    %swap3A_101 = arith.constant 768 : index
    %swap3A_102 = tpu.vector_load %arg10[%swap3A_101] {strides = array<i32>} : memref<1136xf32, #tpu.memory_space<vmem>>, vector<16xf32>,
    tpu.vector_store %arg10[%swap3A_101], %broadcast_in_dim3A_3 {strides = array<i32>} : memref<1136xf32, #tpu.memory_space<vmem>>, vector<16xf32>,
    %swap3A_103 = arith.constant 784 : index
    %swap3A_104 = tpu.vector_load %arg10[%swap3A_103] {strides = array<i32>} : memref<1136xf32, #tpu.memory_space<vmem>>, vector<16xf32>,
    tpu.vector_store %arg10[%swap3A_103], %broadcast_in_dim3A_3 {strides = array<i32>} : memref<1136xf32, #tpu.memory_space<vmem>>, vector<16xf32>,
    %swap3A_105 = arith.constant 800 : index
    %swap3A_106 = tpu.vector_load %arg10[%swap3A_105] {strides = array<i32>} : memref<1136xf32, #tpu.memory_space<vmem>>, vector<16xf32>,
    tpu.vector_store %arg10[%swap3A_105], %broadcast_in_dim3A_3 {strides = array<i32>} : memref<1136xf32, #tpu.memory_space<vmem>>, vector<16xf32>,
    %swap3A_107 = arith.constant 816 : index
    %swap3A_108 = tpu.vector_load %arg10[%swap3A_107] {strides = array<i32>} : memref<1136xf32, #tpu.memory_space<vmem>>, vector<16xf32>,
    tpu.vector_store %arg10[%swap3A_107], %broadcast_in_dim3A_3 {strides = array<i32>} : memref<1136xf32, #tpu.memory_space<vmem>>, vector<16xf32>,
    %swap3A_109 = arith.constant 832 : index
    %swap3A_110 = tpu.vector_load %arg10[%swap3A_109] {strides = array<i32>} : memref<1136xf32, #tpu.memory_space<vmem>>, vector<16xf32>,
    tpu.vector_store %arg10[%swap3A_109], %broadcast_in_dim3A_3 {strides = array<i32>} : memref<1136xf32, #tpu.memory_space<vmem>>, vector<16xf32>,
    %swap3A_111 = arith.constant 848 : index
    %swap3A_112 = tpu.vector_load %arg10[%swap3A_111] {strides = array<i32>} : memref<1136xf32, #tpu.memory_space<vmem>>, vector<16xf32>,
    tpu.vector_store %arg10[%swap3A_111], %broadcast_in_dim3A_3 {strides = array<i32>} : memref<1136xf32, #tpu.memory_space<vmem>>, vector<16xf32>,
    %swap3A_113 = arith.constant 864 : index
    %swap3A_114 = tpu.vector_load %arg10[%swap3A_113] {strides = array<i32>} : memref<1136xf32, #tpu.memory_space<vmem>>, vector<16xf32>,
    tpu.vector_store %arg10[%swap3A_113], %broadcast_in_dim3A_3 {strides = array<i32>} : memref<1136xf32, #tpu.memory_space<vmem>>, vector<16xf32>,
    %swap3A_115 = arith.constant 880 : index
    %swap3A_116 = tpu.vector_load %arg10[%swap3A_115] {strides = array<i32>} : memref<1136xf32, #tpu.memory_space<vmem>>, vector<16xf32>,
    tpu.vector_store %arg10[%swap3A_115], %broadcast_in_dim3A_3 {strides = array<i32>} : memref<1136xf32, #tpu.memory_space<vmem>>, vector<16xf32>,
    %swap3A_117 = arith.constant 896 : index
    %swap3A_118 = tpu.vector_load %arg10[%swap3A_117] {strides = array<i32>} : memref<1136xf32, #tpu.memory_space<vmem>>, vector<16xf32>,
    tpu.vector_store %arg10[%swap3A_117], %broadcast_in_dim3A_3 {strides = array<i32>} : memref<1136xf32, #tpu.memory_space<vmem>>, vector<16xf32>,
    %swap3A_119 = arith.constant 912 : index
    %swap3A_120 = tpu.vector_load %arg10[%swap3A_119] {strides = array<i32>} : memref<1136xf32, #tpu.memory_space<vmem>>, vector<16xf32>,
    tpu.vector_store %arg10[%swap3A_119], %broadcast_in_dim3A_3 {strides = array<i32>} : memref<1136xf32, #tpu.memory_space<vmem>>, vector<16xf32>,
    %swap3A_121 = arith.constant 928 : index
    %swap3A_122 = tpu.vector_load %arg10[%swap3A_121] {strides = array<i32>} : memref<1136xf32, #tpu.memory_space<vmem>>, vector<16xf32>,
    tpu.vector_store %arg10[%swap3A_121], %broadcast_in_dim3A_3 {strides = array<i32>} : memref<1136xf32, #tpu.memory_space<vmem>>, vector<16xf32>,
    %swap3A_123 = arith.constant 944 : index
    %swap3A_124 = tpu.vector_load %arg10[%swap3A_123] {strides = array<i32>} : memref<1136xf32, #tpu.memory_space<vmem>>, vector<16xf32>,
    tpu.vector_store %arg10[%swap3A_123], %broadcast_in_dim3A_3 {strides = array<i32>} : memref<1136xf32, #tpu.memory_space<vmem>>, vector<16xf32>,
    %swap3A_125 = arith.constant 960 : index
    %swap3A_126 = tpu.vector_load %arg10[%swap3A_125] {strides = array<i32>} : memref<1136xf32, #tpu.memory_space<vmem>>, vector<16xf32>,
    tpu.vector_store %arg10[%swap3A_125], %broadcast_in_dim3A_3 {strides = array<i32>} : memref<1136xf32, #tpu.memory_space<vmem>>, vector<16xf32>,
    %swap3A_127 = arith.constant 976 : index
    %swap3A_128 = tpu.vector_load %arg10[%swap3A_127] {strides = array<i32>} : memref<1136xf32, #tpu.memory_space<vmem>>, vector<16xf32>,
    tpu.vector_store %arg10[%swap3A_127], %broadcast_in_dim3A_3 {strides = array<i32>} : memref<1136xf32, #tpu.memory_space<vmem>>, vector<16xf32>,
    %swap3A_129 = arith.constant 992 : index
    %swap3A_130 = tpu.vector_load %arg10[%swap3A_129] {strides = array<i32>} : memref<1136xf32, #tpu.memory_space<vmem>>, vector<16xf32>,
    tpu.vector_store %arg10[%swap3A_129], %broadcast_in_dim3A_3 {strides = array<i32>} : memref<1136xf32, #tpu.memory_space<vmem>>, vector<16xf32>,
    %swap3A_131 = arith.constant 1008 : index
    %swap3A_132 = tpu.vector_load %arg10[%swap3A_131] {strides = array<i32>} : memref<1136xf32, #tpu.memory_space<vmem>>, vector<16xf32>,
    tpu.vector_store %arg10[%swap3A_131], %broadcast_in_dim3A_3 {strides = array<i32>} : memref<1136xf32, #tpu.memory_space<vmem>>, vector<16xf32>,
    %swap3A_133 = arith.constant 1024 : index
    %swap3A_134 = tpu.vector_load %arg10[%swap3A_133] {strides = array<i32>} : memref<1136xf32, #tpu.memory_space<vmem>>, vector<16xf32>,
    tpu.vector_store %arg10[%swap3A_133], %broadcast_in_dim3A_3 {strides = array<i32>} : memref<1136xf32, #tpu.memory_space<vmem>>, vector<16xf32>,
    %swap3A_135 = arith.constant 1040 : index
    %swap3A_136 = tpu.vector_load %arg10[%swap3A_135] {strides = array<i32>} : memref<1136xf32, #tpu.memory_space<vmem>>, vector<16xf32>,
    tpu.vector_store %arg10[%swap3A_135], %broadcast_in_dim3A_3 {strides = array<i32>} : memref<1136xf32, #tpu.memory_space<vmem>>, vector<16xf32>,
    %swap3A_137 = arith.constant 1056 : index
    %swap3A_138 = tpu.vector_load %arg10[%swap3A_137] {strides = array<i32>} : memref<1136xf32, #tpu.memory_space<vmem>>, vector<16xf32>,
    tpu.vector_store %arg10[%swap3A_137], %broadcast_in_dim3A_3 {strides = array<i32>} : memref<1136xf32, #tpu.memory_space<vmem>>, vector<16xf32>,
    %swap3A_139 = arith.constant 1072 : index
    %swap3A_140 = tpu.vector_load %arg10[%swap3A_139] {strides = array<i32>} : memref<1136xf32, #tpu.memory_space<vmem>>, vector<16xf32>,
    tpu.vector_store %arg10[%swap3A_139], %broadcast_in_dim3A_3 {strides = array<i32>} : memref<1136xf32, #tpu.memory_space<vmem>>, vector<16xf32>,
    %swap3A_141 = arith.constant 1088 : index
    %swap3A_142 = tpu.vector_load %arg10[%swap3A_141] {strides = array<i32>} : memref<1136xf32, #tpu.memory_space<vmem>>, vector<16xf32>,
    tpu.vector_store %arg10[%swap3A_141], %broadcast_in_dim3A_3 {strides = array<i32>} : memref<1136xf32, #tpu.memory_space<vmem>>, vector<16xf32>,
    %swap3A_143 = arith.constant 1104 : index
    %swap3A_144 = tpu.vector_load %arg10[%swap3A_143] {strides = array<i32>} : memref<1136xf32, #tpu.memory_space<vmem>>, vector<16xf32>,
    tpu.vector_store %arg10[%swap3A_143], %broadcast_in_dim3A_3 {strides = array<i32>} : memref<1136xf32, #tpu.memory_space<vmem>>, vector<16xf32>,
    %swap3A_145 = arith.constant 1120 : index
    %swap3A_146 = tpu.vector_load %arg10[%swap3A_145] {strides = array<i32>} : memref<1136xf32, #tpu.memory_space<vmem>>, vector<16xf32>,
    tpu.vector_store %arg10[%swap3A_145], %broadcast_in_dim3A_3 {strides = array<i32>} : memref<1136xf32, #tpu.memory_space<vmem>>, vector<16xf32>,
    %parallel_loop3A = arith.constant 0 : i32
    %parallel_loop3A_147 = arith.constant 1089 : i32
    %parallel_loop3A_148 = arith.constant 1 : i32
    scf.for %parallel_loop3A_274 = %parallel_loop3A to %parallel_loop3A_147 step %parallel_loop3A_148  : i32 {
      %parallel_loop3A_275 = arith.constant 16 : i32
      %parallel_loop3A_276 = arith.muli %parallel_loop3A_274, %parallel_loop3A_275 : i32
      %parallel_loop3A_277 = arith.index_cast %parallel_loop3A_276 : i32 to index
      %parallel_loop3A_278 = tpu.vector_load %arg9[%parallel_loop3A_277] {strides = array<i32>} : memref<17424xf32, #tpu.memory_space<vmem>>, vector<16xf32>,
      tpu.vector_store %arg9[%parallel_loop3A_277], %broadcast_in_dim3A_3 {strides = array<i32>} : memref<17424xf32, #tpu.memory_space<vmem>>, vector<16xf32>,
    } {sc.loop_unroll_factor = 8 : i64, sc.parallel_access}
    %add3A_149 = arith.constant 0 : i32
    %add3A_150 = arith.addi %mul3A_2, %add3A_149 : i32
    %multiple_of3A = tpu.assume_multiple %add3A_150, 2 : i32
    %dma_start3A = arith.constant 0 : i32
    %dma_start3A_151 = arith.constant 0 : i32
    %dma_start3A_152 = arith.constant 0 : i32
    %dma_start3A_153 = tpu.memref_slice %arg6[%dma_start3A, %dma_start3A_151, %dma_start3A_152] : memref<2x2x4096xf32, #tpu.memory_space<vmem>> -> memref<1x2x4096xf32, #tpu.memory_space<vmem>>
    %dma_start3A_154 = tpu.memref_squeeze %dma_start3A_153 : memref<1x2x4096xf32, #tpu.memory_space<vmem>> -> memref<2x4096xf32, #tpu.memory_space<vmem>>
    %dma_start3A_155 = arith.constant 0 : i32
    %dma_start3A_156 = tpu.memref_slice %arg2[%multiple_of3A, %dma_start3A_155] : memref<4096x4096xf32, #tpu.memory_space<hbm>> -> memref<2x4096xf32, #tpu.memory_space<hbm>>
    %dma_start3A_157 = arith.constant 0 : i32
    %dma_start3A_158 = arith.constant 0 : i32
    %dma_start3A_159 = tpu.memref_slice %arg6[%dma_start3A, %dma_start3A_157, %dma_start3A_158] : memref<2x2x4096xf32, #tpu.memory_space<vmem>> -> memref<1x2x4096xf32, #tpu.memory_space<vmem>>
    %dma_start3A_160 = tpu.memref_squeeze %dma_start3A_159 : memref<1x2x4096xf32, #tpu.memory_space<vmem>> -> memref<2x4096xf32, #tpu.memory_space<vmem>>
    %dma_start3A_161 = arith.constant 0 : i32
    %dma_start3A_162 = tpu.memref_slice %arg2[%multiple_of3A, %dma_start3A_161] : memref<4096x4096xf32, #tpu.memory_space<hbm>> -> memref<2x4096xf32, #tpu.memory_space<hbm>>
    tpu.enqueue_dma source(%dma_start3A_162 : memref<2x4096xf32, #tpu.memory_space<hbm>>) target(%dma_start3A_160 : memref<2x4096xf32, #tpu.memory_space<vmem>>) target_semaphore(%arg12 : memref<!tpu.dma_semaphore, #tpu.memory_space<semaphore_mem>>)
    %dma_start3A_163 = arith.constant 0 : i32
    %dma_start3A_164 = arith.constant 0 : i32
    %dma_start3A_165 = arith.constant 0 : i32
    %dma_start3A_166 = tpu.memref_slice %arg7[%dma_start3A_163, %dma_start3A_164, %dma_start3A_165] : memref<2x2x4096xf32, #tpu.memory_space<vmem>> -> memref<1x2x4096xf32, #tpu.memory_space<vmem>>
    %dma_start3A_167 = tpu.memref_squeeze %dma_start3A_166 : memref<1x2x4096xf32, #tpu.memory_space<vmem>> -> memref<2x4096xf32, #tpu.memory_space<vmem>>
    %dma_start3A_168 = arith.constant 0 : i32
    %dma_start3A_169 = tpu.memref_slice %arg3[%multiple_of3A, %dma_start3A_168] : memref<4096x4096xf32, #tpu.memory_space<hbm>> -> memref<2x4096xf32, #tpu.memory_space<hbm>>
    %dma_start3A_170 = arith.constant 0 : i32
    %dma_start3A_171 = arith.constant 0 : i32
    %dma_start3A_172 = tpu.memref_slice %arg7[%dma_start3A_163, %dma_start3A_170, %dma_start3A_171] : memref<2x2x4096xf32, #tpu.memory_space<vmem>> -> memref<1x2x4096xf32, #tpu.memory_space<vmem>>
    %dma_start3A_173 = tpu.memref_squeeze %dma_start3A_172 : memref<1x2x4096xf32, #tpu.memory_space<vmem>> -> memref<2x4096xf32, #tpu.memory_space<vmem>>
    %dma_start3A_174 = arith.constant 0 : i32
    %dma_start3A_175 = tpu.memref_slice %arg3[%multiple_of3A, %dma_start3A_174] : memref<4096x4096xf32, #tpu.memory_space<hbm>> -> memref<2x4096xf32, #tpu.memory_space<hbm>>
    tpu.enqueue_dma source(%dma_start3A_175 : memref<2x4096xf32, #tpu.memory_space<hbm>>) target(%dma_start3A_173 : memref<2x4096xf32, #tpu.memory_space<vmem>>) target_semaphore(%arg12 : memref<!tpu.dma_semaphore, #tpu.memory_space<semaphore_mem>>)
    %dma_start3A_176 = arith.constant 0 : i32
    %dma_start3A_177 = arith.constant 0 : i32
    %dma_start3A_178 = arith.constant 0 : i32
    %dma_start3A_179 = tpu.memref_slice %arg8[%dma_start3A_176, %dma_start3A_177, %dma_start3A_178] : memref<2x2x4096xf32, #tpu.memory_space<vmem>> -> memref<1x2x4096xf32, #tpu.memory_space<vmem>>
    %dma_start3A_180 = tpu.memref_squeeze %dma_start3A_179 : memref<1x2x4096xf32, #tpu.memory_space<vmem>> -> memref<2x4096xf32, #tpu.memory_space<vmem>>
    %dma_start3A_181 = arith.constant 0 : i32
    %dma_start3A_182 = tpu.memref_slice %arg4[%multiple_of3A, %dma_start3A_181] : memref<4096x4096xf32, #tpu.memory_space<hbm>> -> memref<2x4096xf32, #tpu.memory_space<hbm>>
    %dma_start3A_183 = arith.constant 0 : i32
    %dma_start3A_184 = arith.constant 0 : i32
    %dma_start3A_185 = tpu.memref_slice %arg8[%dma_start3A_176, %dma_start3A_183, %dma_start3A_184] : memref<2x2x4096xf32, #tpu.memory_space<vmem>> -> memref<1x2x4096xf32, #tpu.memory_space<vmem>>
    %dma_start3A_186 = tpu.memref_squeeze %dma_start3A_185 : memref<1x2x4096xf32, #tpu.memory_space<vmem>> -> memref<2x4096xf32, #tpu.memory_space<vmem>>
    %dma_start3A_187 = arith.constant 0 : i32
    %dma_start3A_188 = tpu.memref_slice %arg4[%multiple_of3A, %dma_start3A_187] : memref<4096x4096xf32, #tpu.memory_space<hbm>> -> memref<2x4096xf32, #tpu.memory_space<hbm>>
    tpu.enqueue_dma source(%dma_start3A_188 : memref<2x4096xf32, #tpu.memory_space<hbm>>) target(%dma_start3A_186 : memref<2x4096xf32, #tpu.memory_space<vmem>>) target_semaphore(%arg12 : memref<!tpu.dma_semaphore, #tpu.memory_space<semaphore_mem>>)
    %add3A_189 = arith.constant 2 : i32
    %add3A_190 = arith.addi %mul3A_2, %add3A_189 : i32
    %multiple_of3A_191 = tpu.assume_multiple %add3A_190, 2 : i32
    %dma_start3A_192 = arith.constant 1 : i32
    %dma_start3A_193 = arith.constant 0 : i32
    %dma_start3A_194 = arith.constant 0 : i32
    %dma_start3A_195 = tpu.memref_slice %arg6[%dma_start3A_192, %dma_start3A_193, %dma_start3A_194] : memref<2x2x4096xf32, #tpu.memory_space<vmem>> -> memref<1x2x4096xf32, #tpu.memory_space<vmem>>
    %dma_start3A_196 = tpu.memref_squeeze %dma_start3A_195 : memref<1x2x4096xf32, #tpu.memory_space<vmem>> -> memref<2x4096xf32, #tpu.memory_space<vmem>>
    %dma_start3A_197 = arith.constant 0 : i32
    %dma_start3A_198 = tpu.memref_slice %arg2[%multiple_of3A_191, %dma_start3A_197] : memref<4096x4096xf32, #tpu.memory_space<hbm>> -> memref<2x4096xf32, #tpu.memory_space<hbm>>
    %dma_start3A_199 = arith.constant 0 : i32
    %dma_start3A_200 = arith.constant 0 : i32
    %dma_start3A_201 = tpu.memref_slice %arg6[%dma_start3A_192, %dma_start3A_199, %dma_start3A_200] : memref<2x2x4096xf32, #tpu.memory_space<vmem>> -> memref<1x2x4096xf32, #tpu.memory_space<vmem>>
    %dma_start3A_202 = tpu.memref_squeeze %dma_start3A_201 : memref<1x2x4096xf32, #tpu.memory_space<vmem>> -> memref<2x4096xf32, #tpu.memory_space<vmem>>
    %dma_start3A_203 = arith.constant 0 : i32
    %dma_start3A_204 = tpu.memref_slice %arg2[%multiple_of3A_191, %dma_start3A_203] : memref<4096x4096xf32, #tpu.memory_space<hbm>> -> memref<2x4096xf32, #tpu.memory_space<hbm>>
    tpu.enqueue_dma source(%dma_start3A_204 : memref<2x4096xf32, #tpu.memory_space<hbm>>) target(%dma_start3A_202 : memref<2x4096xf32, #tpu.memory_space<vmem>>) target_semaphore(%arg13 : memref<!tpu.dma_semaphore, #tpu.memory_space<semaphore_mem>>)
    %dma_start3A_205 = arith.constant 1 : i32
    %dma_start3A_206 = arith.constant 0 : i32
    %dma_start3A_207 = arith.constant 0 : i32
    %dma_start3A_208 = tpu.memref_slice %arg7[%dma_start3A_205, %dma_start3A_206, %dma_start3A_207] : memref<2x2x4096xf32, #tpu.memory_space<vmem>> -> memref<1x2x4096xf32, #tpu.memory_space<vmem>>
    %dma_start3A_209 = tpu.memref_squeeze %dma_start3A_208 : memref<1x2x4096xf32, #tpu.memory_space<vmem>> -> memref<2x4096xf32, #tpu.memory_space<vmem>>
    %dma_start3A_210 = arith.constant 0 : i32
    %dma_start3A_211 = tpu.memref_slice %arg3[%multiple_of3A_191, %dma_start3A_210] : memref<4096x4096xf32, #tpu.memory_space<hbm>> -> memref<2x4096xf32, #tpu.memory_space<hbm>>
    %dma_start3A_212 = arith.constant 0 : i32
    %dma_start3A_213 = arith.constant 0 : i32
    %dma_start3A_214 = tpu.memref_slice %arg7[%dma_start3A_205, %dma_start3A_212, %dma_start3A_213] : memref<2x2x4096xf32, #tpu.memory_space<vmem>> -> memref<1x2x4096xf32, #tpu.memory_space<vmem>>
    %dma_start3A_215 = tpu.memref_squeeze %dma_start3A_214 : memref<1x2x4096xf32, #tpu.memory_space<vmem>> -> memref<2x4096xf32, #tpu.memory_space<vmem>>
    %dma_start3A_216 = arith.constant 0 : i32
    %dma_start3A_217 = tpu.memref_slice %arg3[%multiple_of3A_191, %dma_start3A_216] : memref<4096x4096xf32, #tpu.memory_space<hbm>> -> memref<2x4096xf32, #tpu.memory_space<hbm>>
    tpu.enqueue_dma source(%dma_start3A_217 : memref<2x4096xf32, #tpu.memory_space<hbm>>) target(%dma_start3A_215 : memref<2x4096xf32, #tpu.memory_space<vmem>>) target_semaphore(%arg13 : memref<!tpu.dma_semaphore, #tpu.memory_space<semaphore_mem>>)
    %dma_start3A_218 = arith.constant 1 : i32
    %dma_start3A_219 = arith.constant 0 : i32
    %dma_start3A_220 = arith.constant 0 : i32
    %dma_start3A_221 = tpu.memref_slice %arg8[%dma_start3A_218, %dma_start3A_219, %dma_start3A_220] : memref<2x2x4096xf32, #tpu.memory_space<vmem>> -> memref<1x2x4096xf32, #tpu.memory_space<vmem>>
    %dma_start3A_222 = tpu.memref_squeeze %dma_start3A_221 : memref<1x2x4096xf32, #tpu.memory_space<vmem>> -> memref<2x4096xf32, #tpu.memory_space<vmem>>
    %dma_start3A_223 = arith.constant 0 : i32
    %dma_start3A_224 = tpu.memref_slice %arg4[%multiple_of3A_191, %dma_start3A_223] : memref<4096x4096xf32, #tpu.memory_space<hbm>> -> memref<2x4096xf32, #tpu.memory_space<hbm>>
    %dma_start3A_225 = arith.constant 0 : i32
    %dma_start3A_226 = arith.constant 0 : i32
    %dma_start3A_227 = tpu.memref_slice %arg8[%dma_start3A_218, %dma_start3A_225, %dma_start3A_226] : memref<2x2x4096xf32, #tpu.memory_space<vmem>> -> memref<1x2x4096xf32, #tpu.memory_space<vmem>>
    %dma_start3A_228 = tpu.memref_squeeze %dma_start3A_227 : memref<1x2x4096xf32, #tpu.memory_space<vmem>> -> memref<2x4096xf32, #tpu.memory_space<vmem>>
    %dma_start3A_229 = arith.constant 0 : i32
    %dma_start3A_230 = tpu.memref_slice %arg4[%multiple_of3A_191, %dma_start3A_229] : memref<4096x4096xf32, #tpu.memory_space<hbm>> -> memref<2x4096xf32, #tpu.memory_space<hbm>>
    tpu.enqueue_dma source(%dma_start3A_230 : memref<2x4096xf32, #tpu.memory_space<hbm>>) target(%dma_start3A_228 : memref<2x4096xf32, #tpu.memory_space<vmem>>) target_semaphore(%arg13 : memref<!tpu.dma_semaphore, #tpu.memory_space<semaphore_mem>>)
    %scan3A = arith.constant 3.200000e+01 : f32
    %scan3A_231 = arith.constant 1.000000e+00 : f32
    %scan3A_232 = arith.constant 0 : i32
    %scan3A_233 = arith.constant 0 : i32
    %scan3A_234 = arith.constant 32 : i32
    %scan3A_235 = arith.addi %scan3A_233, %scan3A_234 : i32
    %scan3A_236 = arith.constant 1 : i32
    %scan3A_237 = scf.for %scan3A_274 = %scan3A_233 to %scan3A_235 step %scan3A_236 iter_args(%scan3A_275 = %scan3A_232) -> (i32)  : i32 {
      %mul3A_276 = arith.constant 2 : i32
      %mul3A_277 = arith.muli %scan3A_274, %mul3A_276 : i32
      %add3A_278 = arith.constant 0 : i32
      %add3A_279 = arith.addi %add3A_278, %mul3A_277 : i32
      %add3A_280 = arith.constant 0 : i32
      %add3A_281 = arith.addi %add3A_279, %add3A_280 : i32
      %dma_wait3A = arith.constant 0 : i32
      %dma_wait3A_282 = arith.constant 0 : i32
      %dma_wait3A_283 = arith.constant 0 : i32
      %dma_wait3A_284 = tpu.memref_slice %arg6[%dma_wait3A, %dma_wait3A_282, %dma_wait3A_283] : memref<2x2x4096xf32, #tpu.memory_space<vmem>> -> memref<1x2x4096xf32, #tpu.memory_space<vmem>>
      %dma_wait3A_285 = tpu.memref_squeeze %dma_wait3A_284 : memref<1x2x4096xf32, #tpu.memory_space<vmem>> -> memref<2x4096xf32, #tpu.memory_space<vmem>>
      %dma_wait3A_286 = arith.constant 0 : i32
      %dma_wait3A_287 = arith.constant 0 : i32
      %dma_wait3A_288 = tpu.memref_slice %arg2[%dma_wait3A_286, %dma_wait3A_287] : memref<4096x4096xf32, #tpu.memory_space<hbm>> -> memref<2x4096xf32, #tpu.memory_space<hbm>>
      %dma_wait3A_289 = arith.constant 0 : i32
      %dma_wait3A_290 = arith.constant 0 : i32
      %dma_wait3A_291 = tpu.memref_slice %arg6[%dma_wait3A, %dma_wait3A_289, %dma_wait3A_290] : memref<2x2x4096xf32, #tpu.memory_space<vmem>> -> memref<1x2x4096xf32, #tpu.memory_space<vmem>>
      %dma_wait3A_292 = tpu.memref_squeeze %dma_wait3A_291 : memref<1x2x4096xf32, #tpu.memory_space<vmem>> -> memref<2x4096xf32, #tpu.memory_space<vmem>>
      %dma_wait3A_293 = arith.constant 0 : i32
      %dma_wait3A_294 = arith.constant 0 : i32
      %dma_wait3A_295 = tpu.memref_slice %arg2[%dma_wait3A_293, %dma_wait3A_294] : memref<4096x4096xf32, #tpu.memory_space<hbm>> -> memref<2x4096xf32, #tpu.memory_space<hbm>>
      tpu.wait_dma2 semaphore(%arg12 : memref<!tpu.dma_semaphore, #tpu.memory_space<semaphore_mem>>) src(%dma_wait3A_295 : memref<2x4096xf32, #tpu.memory_space<hbm>>) dst(%dma_wait3A_292 : memref<2x4096xf32, #tpu.memory_space<vmem>>)
      %dma_wait3A_296 = arith.constant 0 : i32
      %dma_wait3A_297 = arith.constant 0 : i32
      %dma_wait3A_298 = arith.constant 0 : i32
      %dma_wait3A_299 = tpu.memref_slice %arg7[%dma_wait3A_296, %dma_wait3A_297, %dma_wait3A_298] : memref<2x2x4096xf32, #tpu.memory_space<vmem>> -> memref<1x2x4096xf32, #tpu.memory_space<vmem>>
      %dma_wait3A_300 = tpu.memref_squeeze %dma_wait3A_299 : memref<1x2x4096xf32, #tpu.memory_space<vmem>> -> memref<2x4096xf32, #tpu.memory_space<vmem>>
      %dma_wait3A_301 = arith.constant 0 : i32
      %dma_wait3A_302 = arith.constant 0 : i32
      %dma_wait3A_303 = tpu.memref_slice %arg3[%dma_wait3A_301, %dma_wait3A_302] : memref<4096x4096xf32, #tpu.memory_space<hbm>> -> memref<2x4096xf32, #tpu.memory_space<hbm>>
      %dma_wait3A_304 = arith.constant 0 : i32
      %dma_wait3A_305 = arith.constant 0 : i32
      %dma_wait3A_306 = tpu.memref_slice %arg7[%dma_wait3A_296, %dma_wait3A_304, %dma_wait3A_305] : memref<2x2x4096xf32, #tpu.memory_space<vmem>> -> memref<1x2x4096xf32, #tpu.memory_space<vmem>>
      %dma_wait3A_307 = tpu.memref_squeeze %dma_wait3A_306 : memref<1x2x4096xf32, #tpu.memory_space<vmem>> -> memref<2x4096xf32, #tpu.memory_space<vmem>>
      %dma_wait3A_308 = arith.constant 0 : i32
      %dma_wait3A_309 = arith.constant 0 : i32
      %dma_wait3A_310 = tpu.memref_slice %arg3[%dma_wait3A_308, %dma_wait3A_309] : memref<4096x4096xf32, #tpu.memory_space<hbm>> -> memref<2x4096xf32, #tpu.memory_space<hbm>>
      tpu.wait_dma2 semaphore(%arg12 : memref<!tpu.dma_semaphore, #tpu.memory_space<semaphore_mem>>) src(%dma_wait3A_310 : memref<2x4096xf32, #tpu.memory_space<hbm>>) dst(%dma_wait3A_307 : memref<2x4096xf32, #tpu.memory_space<vmem>>)
      %dma_wait3A_311 = arith.constant 0 : i32
      %dma_wait3A_312 = arith.constant 0 : i32
      %dma_wait3A_313 = arith.constant 0 : i32
      %dma_wait3A_314 = tpu.memref_slice %arg8[%dma_wait3A_311, %dma_wait3A_312, %dma_wait3A_313] : memref<2x2x4096xf32, #tpu.memory_space<vmem>> -> memref<1x2x4096xf32, #tpu.memory_space<vmem>>
      %dma_wait3A_315 = tpu.memref_squeeze %dma_wait3A_314 : memref<1x2x4096xf32, #tpu.memory_space<vmem>> -> memref<2x4096xf32, #tpu.memory_space<vmem>>
      %dma_wait3A_316 = arith.constant 0 : i32
      %dma_wait3A_317 = arith.constant 0 : i32
      %dma_wait3A_318 = tpu.memref_slice %arg4[%dma_wait3A_316, %dma_wait3A_317] : memref<4096x4096xf32, #tpu.memory_space<hbm>> -> memref<2x4096xf32, #tpu.memory_space<hbm>>
      %dma_wait3A_319 = arith.constant 0 : i32
      %dma_wait3A_320 = arith.constant 0 : i32
      %dma_wait3A_321 = tpu.memref_slice %arg8[%dma_wait3A_311, %dma_wait3A_319, %dma_wait3A_320] : memref<2x2x4096xf32, #tpu.memory_space<vmem>> -> memref<1x2x4096xf32, #tpu.memory_space<vmem>>
      %dma_wait3A_322 = tpu.memref_squeeze %dma_wait3A_321 : memref<1x2x4096xf32, #tpu.memory_space<vmem>> -> memref<2x4096xf32, #tpu.memory_space<vmem>>
      %dma_wait3A_323 = arith.constant 0 : i32
      %dma_wait3A_324 = arith.constant 0 : i32
      %dma_wait3A_325 = tpu.memref_slice %arg4[%dma_wait3A_323, %dma_wait3A_324] : memref<4096x4096xf32, #tpu.memory_space<hbm>> -> memref<2x4096xf32, #tpu.memory_space<hbm>>
      tpu.wait_dma2 semaphore(%arg12 : memref<!tpu.dma_semaphore, #tpu.memory_space<semaphore_mem>>) src(%dma_wait3A_325 : memref<2x4096xf32, #tpu.memory_space<hbm>>) dst(%dma_wait3A_322 : memref<2x4096xf32, #tpu.memory_space<vmem>>)
      %parallel_loop3A_326 = arith.constant 0 : i32
      %parallel_loop3A_327 = arith.constant 512 : i32
      %parallel_loop3A_328 = arith.constant 1 : i32
      %parallel_loop3A_329 = arith.constant 0 : i32
      %parallel_loop3A_330 = scf.for %parallel_loop3A_415 = %parallel_loop3A_326 to %parallel_loop3A_327 step %parallel_loop3A_328 iter_args(%parallel_loop3A_416 = %parallel_loop3A_329) -> (i32)  : i32 {
        %parallel_loop3A_417 = arith.constant 8 : i32
        %parallel_loop3A_418 = arith.shrsi %parallel_loop3A_415, %parallel_loop3A_417 : i32
        %parallel_loop3A_419 = arith.constant 255 : i32
        %parallel_loop3A_420 = arith.andi %parallel_loop3A_415, %parallel_loop3A_419 : i32
        %parallel_loop3A_421 = arith.constant 16 : i32
        %parallel_loop3A_422 = arith.muli %parallel_loop3A_420, %parallel_loop3A_421 : i32
        %parallel_loop3A_423 = tpu.assume_multiple %parallel_loop3A_422, 16 : i32
        %parallel_loop3A_424 = arith.constant 0 : i32
        %parallel_loop3A_425 = arith.index_cast %parallel_loop3A_424 : i32 to index
        %parallel_loop3A_426 = arith.index_cast %parallel_loop3A_418 : i32 to index
        %parallel_loop3A_427 = arith.index_cast %parallel_loop3A_423 : i32 to index
        %parallel_loop3A_428 = tpu.vector_load %arg6[%parallel_loop3A_425, %parallel_loop3A_426, %parallel_loop3A_427] {strides = array<i32>} : memref<2x2x4096xf32, #tpu.memory_space<vmem>>, vector<16xf32>,
        %parallel_loop3A_429 = arith.constant 0 : i32
        %parallel_loop3A_430 = arith.index_cast %parallel_loop3A_429 : i32 to index
        %parallel_loop3A_431 = arith.index_cast %parallel_loop3A_418 : i32 to index
        %parallel_loop3A_432 = arith.index_cast %parallel_loop3A_423 : i32 to index
        %parallel_loop3A_433 = tpu.vector_load %arg7[%parallel_loop3A_430, %parallel_loop3A_431, %parallel_loop3A_432] {strides = array<i32>} : memref<2x2x4096xf32, #tpu.memory_space<vmem>>, vector<16xf32>,
        %parallel_loop3A_434 = arith.constant 0 : i32
        %parallel_loop3A_435 = arith.index_cast %parallel_loop3A_434 : i32 to index
        %parallel_loop3A_436 = arith.index_cast %parallel_loop3A_418 : i32 to index
        %parallel_loop3A_437 = arith.index_cast %parallel_loop3A_423 : i32 to index
        %parallel_loop3A_438 = tpu.vector_load %arg8[%parallel_loop3A_435, %parallel_loop3A_436, %parallel_loop3A_437] {strides = array<i32>} : memref<2x2x4096xf32, #tpu.memory_space<vmem>>, vector<16xf32>,
        %parallel_loop3A_439 = arith.subf %parallel_loop3A_428, %parallel_loop3A_433 : vector<16xf32>
        %parallel_loop3A_440 = math.absf %parallel_loop3A_439 : vector<16xf32>
        %parallel_loop3A_441 = arith.constant 1.000000e+00 : f32
        %parallel_loop3A_442 = vector.broadcast %parallel_loop3A_441 : f32 to vector<16xf32>
        %parallel_loop3A_443 = arith.subf %parallel_loop3A_442, %parallel_loop3A_440 : vector<16xf32>
        %parallel_loop3A_444 = arith.constant 1.000000e+00 : f32
        %parallel_loop3A_445 = vector.broadcast %parallel_loop3A_444 : f32 to vector<16xf32>
        %parallel_loop3A_446 = arith.subf %parallel_loop3A_445, %parallel_loop3A_438 : vector<16xf32>
        %parallel_loop3A_447 = vector.broadcast %scan3A : f32 to vector<16xf32>
        %parallel_loop3A_448 = arith.mulf %parallel_loop3A_443, %parallel_loop3A_447 : vector<16xf32>
        %parallel_loop3A_449 = vector.broadcast %scan3A : f32 to vector<16xf32>
        %parallel_loop3A_450 = arith.mulf %parallel_loop3A_446, %parallel_loop3A_449 : vector<16xf32>
        %parallel_loop3A_451 = arith.fptosi %parallel_loop3A_448 : vector<16xf32> to vector<16xi32>
        %parallel_loop3A_452 = arith.constant 33 : i32
        %parallel_loop3A_453 = vector.broadcast %parallel_loop3A_452 : i32 to vector<16xi32>
        %parallel_loop3A_454 = arith.muli %parallel_loop3A_451, %parallel_loop3A_453 : vector<16xi32>
        %parallel_loop3A_455 = arith.fptosi %parallel_loop3A_450 : vector<16xf32> to vector<16xi32>
        %parallel_loop3A_456 = arith.addi %parallel_loop3A_454, %parallel_loop3A_455 : vector<16xi32>
        %parallel_loop3A_457 = arith.constant 16 : i32
        %parallel_loop3A_458 = vector.broadcast %parallel_loop3A_457 : i32 to vector<16xi32>
        %parallel_loop3A_459 = arith.muli %parallel_loop3A_456, %parallel_loop3A_458 : vector<16xi32>
        %parallel_loop3A_460 = arith.addi %parallel_loop3A_459, %iota3A : vector<16xi32>
        tpu.vector_store_idx %arg9[%parallel_loop3A_460], %broadcast_in_dim3A_5 {add = true} : memref<17424xf32, #tpu.memory_space<vmem>>[vector<16xi32>], vector<16xf32>,
        %parallel_loop3A_461 = arith.constant 8.000000e-01 : f32
        %parallel_loop3A_462 = vector.broadcast %parallel_loop3A_461 : f32 to vector<16xf32>
        %parallel_loop3A_463 = arith.cmpf ogt, %parallel_loop3A_446, %parallel_loop3A_462 : vector<16xf32>
        %parallel_loop3A_464 = arith.index_cast %parallel_loop3A_416 : i32 to index
        %parallel_loop3A_465 = tpu.vector_load %arg11[%parallel_loop3A_464] masked %parallel_loop3A_463 {strides = array<i32>} : memref<8208xf32, #tpu.memory_space<vmem>>, vector<16xf32>, vector<16xi1>
        tpu.vector_store %arg11[%parallel_loop3A_464], %parallel_loop3A_443 masked %parallel_loop3A_463 {strides = array<i32>} : memref<8208xf32, #tpu.memory_space<vmem>>, vector<16xf32>, vector<16xi1>
        %parallel_loop3A_466 = tpu.all_reduce %parallel_loop3A_463 {dim = 0 : i64, kind = #tpu.reduction_kind<sum>} : vector<16xi1> -> vector<16xi32>
        %parallel_loop3A_467 = vector.extract_strided_slice %parallel_loop3A_466 {offsets = [0], sizes = [1], strides = [1]} : vector<16xi32> to vector<1xi32>
        %parallel_loop3A_468 = vector.extract %parallel_loop3A_467[0] : i32 from vector<1xi32>
        %parallel_loop3A_469 = arith.addi %parallel_loop3A_416, %parallel_loop3A_468 : i32
        scf.yield %parallel_loop3A_469 : i32
      } {sc.loop_unroll_factor = 8 : i64, sc.parallel_access}
      %swap3A_331 = arith.index_cast %parallel_loop3A_330 : i32 to index
      %swap3A_332 = tpu.vector_load %arg11[%swap3A_331] {strides = array<i32>} : memref<8208xf32, #tpu.memory_space<vmem>>, vector<16xf32>,
      tpu.vector_store %arg11[%swap3A_331], %broadcast_in_dim3A_5 {strides = array<i32>} : memref<8208xf32, #tpu.memory_space<vmem>>, vector<16xf32>,
      %add3A_333 = arith.constant 16 : i32
      %add3A_334 = arith.addi %parallel_loop3A_330, %add3A_333 : i32
      %sub3A = arith.constant 1 : i32
      %sub3A_335 = arith.subi %add3A_334, %sub3A : i32
      %shift_right_arithmetic3A = arith.constant 4 : i32
      %shift_right_arithmetic3A_336 = arith.shrsi %sub3A_335, %shift_right_arithmetic3A : i32
      %parallel_loop3A_337 = arith.constant 0 : i32
      %parallel_loop3A_338 = arith.constant 1 : i32
      scf.for %parallel_loop3A_415 = %parallel_loop3A_337 to %shift_right_arithmetic3A_336 step %parallel_loop3A_338  : i32 {
        %parallel_loop3A_416 = arith.constant 16 : i32
        %parallel_loop3A_417 = arith.muli %parallel_loop3A_415, %parallel_loop3A_416 : i32
        %parallel_loop3A_418 = arith.index_cast %parallel_loop3A_417 : i32 to index
        %parallel_loop3A_419 = tpu.vector_load %arg11[%parallel_loop3A_418] {strides = array<i32>} : memref<8208xf32, #tpu.memory_space<vmem>>, vector<16xf32>,
        %parallel_loop3A_420 = arith.constant 9.99999993E-9 : f32
        %parallel_loop3A_421 = vector.broadcast %parallel_loop3A_420 : f32 to vector<16xf32>
        %parallel_loop3A_422 = arith.maximumf %parallel_loop3A_419, %parallel_loop3A_421 : vector<16xf32>
        %parallel_loop3A_423 = vector.broadcast %scan3A_231 : f32 to vector<16xf32>
        %parallel_loop3A_424 = arith.minimumf %parallel_loop3A_422, %parallel_loop3A_423 : vector<16xf32>
        %parallel_loop3A_425 = arith.constant 9.99999993E-9 : f32
        %parallel_loop3A_426 = vector.broadcast %parallel_loop3A_425 : f32 to vector<16xf32>
        %parallel_loop3A_427 = arith.addf %parallel_loop3A_424, %parallel_loop3A_426 : vector<16xf32>
        %parallel_loop3A_428 = vector.bitcast %parallel_loop3A_427 : vector<16xf32> to vector<16xi32>
        %parallel_loop3A_429 = arith.constant 23 : i32
        %parallel_loop3A_430 = vector.broadcast %parallel_loop3A_429 : i32 to vector<16xi32>
        %parallel_loop3A_431 = arith.shrsi %parallel_loop3A_428, %parallel_loop3A_430 : vector<16xi32>
        %parallel_loop3A_432 = arith.constant 127 : i32
        %parallel_loop3A_433 = vector.broadcast %parallel_loop3A_432 : i32 to vector<16xi32>
        %parallel_loop3A_434 = arith.subi %parallel_loop3A_431, %parallel_loop3A_433 : vector<16xi32>
        %parallel_loop3A_435 = arith.constant 8388607 : i32
        %parallel_loop3A_436 = vector.broadcast %parallel_loop3A_435 : i32 to vector<16xi32>
        %parallel_loop3A_437 = arith.andi %parallel_loop3A_428, %parallel_loop3A_436 : vector<16xi32>
        %parallel_loop3A_438 = arith.constant 1065353216 : i32
        %parallel_loop3A_439 = vector.broadcast %parallel_loop3A_438 : i32 to vector<16xi32>
        %parallel_loop3A_440 = arith.ori %parallel_loop3A_437, %parallel_loop3A_439 : vector<16xi32>
        %parallel_loop3A_441 = vector.bitcast %parallel_loop3A_440 : vector<16xi32> to vector<16xf32>
        %parallel_loop3A_442 = arith.constant 1.000000e+00 : f32
        %parallel_loop3A_443 = vector.broadcast %parallel_loop3A_442 : f32 to vector<16xf32>
        %parallel_loop3A_444 = arith.subf %parallel_loop3A_441, %parallel_loop3A_443 : vector<16xf32>
        %parallel_loop3A_445 = arith.constant 1.000000e+00 : f32
        %parallel_loop3A_446 = vector.broadcast %parallel_loop3A_445 : f32 to vector<16xf32>
        %parallel_loop3A_447 = arith.addf %parallel_loop3A_441, %parallel_loop3A_446 : vector<16xf32>
        %parallel_loop3A_448 = arith.divf %parallel_loop3A_444, %parallel_loop3A_447 : vector<16xf32>
        %parallel_loop3A_449 = arith.mulf %parallel_loop3A_448, %parallel_loop3A_448 : vector<16xf32>
        %parallel_loop3A_450 = arith.constant 0.285714298 : f32
        %parallel_loop3A_451 = vector.broadcast %parallel_loop3A_450 : f32 to vector<16xf32>
        %parallel_loop3A_452 = arith.mulf %parallel_loop3A_451, %parallel_loop3A_449 : vector<16xf32>
        %parallel_loop3A_453 = arith.constant 4.000000e-01 : f32
        %parallel_loop3A_454 = vector.broadcast %parallel_loop3A_453 : f32 to vector<16xf32>
        %parallel_loop3A_455 = arith.addf %parallel_loop3A_452, %parallel_loop3A_454 : vector<16xf32>
        %parallel_loop3A_456 = arith.mulf %parallel_loop3A_455, %parallel_loop3A_449 : vector<16xf32>
        %parallel_loop3A_457 = arith.constant 0.666666686 : f32
        %parallel_loop3A_458 = vector.broadcast %parallel_loop3A_457 : f32 to vector<16xf32>
        %parallel_loop3A_459 = arith.addf %parallel_loop3A_456, %parallel_loop3A_458 : vector<16xf32>
        %parallel_loop3A_460 = arith.mulf %parallel_loop3A_459, %parallel_loop3A_449 : vector<16xf32>
        %parallel_loop3A_461 = arith.constant 2.000000e+00 : f32
        %parallel_loop3A_462 = vector.broadcast %parallel_loop3A_461 : f32 to vector<16xf32>
        %parallel_loop3A_463 = arith.addf %parallel_loop3A_460, %parallel_loop3A_462 : vector<16xf32>
        %parallel_loop3A_464 = arith.mulf %parallel_loop3A_448, %parallel_loop3A_463 : vector<16xf32>
        %parallel_loop3A_465 = arith.sitofp %parallel_loop3A_434 : vector<16xi32> to vector<16xf32>
        %parallel_loop3A_466 = arith.constant 0.693147182 : f32
        %parallel_loop3A_467 = vector.broadcast %parallel_loop3A_466 : f32 to vector<16xf32>
        %parallel_loop3A_468 = arith.mulf %parallel_loop3A_465, %parallel_loop3A_467 : vector<16xf32>
        %parallel_loop3A_469 = arith.addf %parallel_loop3A_464, %parallel_loop3A_468 : vector<16xf32>
        %parallel_loop3A_470 = arith.mulf %parallel_loop3A_424, %parallel_loop3A_469 : vector<16xf32>
        %parallel_loop3A_471 = arith.constant 1104 : index
        %parallel_loop3A_472 = tpu.vector_load %arg10[%parallel_loop3A_471] {strides = array<i32>} : memref<1136xf32, #tpu.memory_space<vmem>>, vector<16xf32>,
        tpu.vector_store %arg10[%parallel_loop3A_471], %parallel_loop3A_470 {add = true, strides = array<i32>} : memref<1136xf32, #tpu.memory_space<vmem>>, vector<16xf32>,
      } {sc.loop_unroll_factor = 4 : i64, sc.parallel_access}
      %add3A_339 = arith.addi %scan3A_275, %parallel_loop3A_330 : i32
      %add3A_340 = arith.constant 2 : i32
      %add3A_341 = arith.addi %add3A_281, %add3A_340 : i32
      %lt3A = arith.constant 64 : i32
      %lt3A_342 = arith.cmpi slt, %add3A_341, %lt3A : i32
      %convert_element_type3A_343 = arith.extui %lt3A_342 : i1 to i32
      %cond3A = arith.constant 0 : i32
      %cond3A_344 = arith.cmpi ne, %convert_element_type3A_343, %cond3A : i32
      scf.if %cond3A_344 {
        %add3A_415 = arith.constant 2 : i32
        %add3A_416 = arith.addi %add3A_281, %add3A_415 : i32
        %mul3A_417 = arith.constant 2 : i32
        %mul3A_418 = arith.muli %add3A_416, %mul3A_417 : i32
        %add3A_419 = arith.addi %mul3A_2, %mul3A_418 : i32
        %multiple_of3A_420 = tpu.assume_multiple %add3A_419, 2 : i32
        %dma_start3A_421 = arith.constant 0 : i32
        %dma_start3A_422 = arith.constant 0 : i32
        %dma_start3A_423 = arith.constant 0 : i32
        %dma_start3A_424 = tpu.memref_slice %arg6[%dma_start3A_421, %dma_start3A_422, %dma_start3A_423] : memref<2x2x4096xf32, #tpu.memory_space<vmem>> -> memref<1x2x4096xf32, #tpu.memory_space<vmem>>
        %dma_start3A_425 = tpu.memref_squeeze %dma_start3A_424 : memref<1x2x4096xf32, #tpu.memory_space<vmem>> -> memref<2x4096xf32, #tpu.memory_space<vmem>>
        %dma_start3A_426 = arith.constant 0 : i32
        %dma_start3A_427 = tpu.memref_slice %arg2[%multiple_of3A_420, %dma_start3A_426] : memref<4096x4096xf32, #tpu.memory_space<hbm>> -> memref<2x4096xf32, #tpu.memory_space<hbm>>
        %dma_start3A_428 = arith.constant 0 : i32
        %dma_start3A_429 = arith.constant 0 : i32
        %dma_start3A_430 = tpu.memref_slice %arg6[%dma_start3A_421, %dma_start3A_428, %dma_start3A_429] : memref<2x2x4096xf32, #tpu.memory_space<vmem>> -> memref<1x2x4096xf32, #tpu.memory_space<vmem>>
        %dma_start3A_431 = tpu.memref_squeeze %dma_start3A_430 : memref<1x2x4096xf32, #tpu.memory_space<vmem>> -> memref<2x4096xf32, #tpu.memory_space<vmem>>
        %dma_start3A_432 = arith.constant 0 : i32
        %dma_start3A_433 = tpu.memref_slice %arg2[%multiple_of3A_420, %dma_start3A_432] : memref<4096x4096xf32, #tpu.memory_space<hbm>> -> memref<2x4096xf32, #tpu.memory_space<hbm>>
        tpu.enqueue_dma source(%dma_start3A_433 : memref<2x4096xf32, #tpu.memory_space<hbm>>) target(%dma_start3A_431 : memref<2x4096xf32, #tpu.memory_space<vmem>>) target_semaphore(%arg12 : memref<!tpu.dma_semaphore, #tpu.memory_space<semaphore_mem>>)
        %dma_start3A_434 = arith.constant 0 : i32
        %dma_start3A_435 = arith.constant 0 : i32
        %dma_start3A_436 = arith.constant 0 : i32
        %dma_start3A_437 = tpu.memref_slice %arg7[%dma_start3A_434, %dma_start3A_435, %dma_start3A_436] : memref<2x2x4096xf32, #tpu.memory_space<vmem>> -> memref<1x2x4096xf32, #tpu.memory_space<vmem>>
        %dma_start3A_438 = tpu.memref_squeeze %dma_start3A_437 : memref<1x2x4096xf32, #tpu.memory_space<vmem>> -> memref<2x4096xf32, #tpu.memory_space<vmem>>
        %dma_start3A_439 = arith.constant 0 : i32
        %dma_start3A_440 = tpu.memref_slice %arg3[%multiple_of3A_420, %dma_start3A_439] : memref<4096x4096xf32, #tpu.memory_space<hbm>> -> memref<2x4096xf32, #tpu.memory_space<hbm>>
        %dma_start3A_441 = arith.constant 0 : i32
        %dma_start3A_442 = arith.constant 0 : i32
        %dma_start3A_443 = tpu.memref_slice %arg7[%dma_start3A_434, %dma_start3A_441, %dma_start3A_442] : memref<2x2x4096xf32, #tpu.memory_space<vmem>> -> memref<1x2x4096xf32, #tpu.memory_space<vmem>>
        %dma_start3A_444 = tpu.memref_squeeze %dma_start3A_443 : memref<1x2x4096xf32, #tpu.memory_space<vmem>> -> memref<2x4096xf32, #tpu.memory_space<vmem>>
        %dma_start3A_445 = arith.constant 0 : i32
        %dma_start3A_446 = tpu.memref_slice %arg3[%multiple_of3A_420, %dma_start3A_445] : memref<4096x4096xf32, #tpu.memory_space<hbm>> -> memref<2x4096xf32, #tpu.memory_space<hbm>>
        tpu.enqueue_dma source(%dma_start3A_446 : memref<2x4096xf32, #tpu.memory_space<hbm>>) target(%dma_start3A_444 : memref<2x4096xf32, #tpu.memory_space<vmem>>) target_semaphore(%arg12 : memref<!tpu.dma_semaphore, #tpu.memory_space<semaphore_mem>>)
        %dma_start3A_447 = arith.constant 0 : i32
        %dma_start3A_448 = arith.constant 0 : i32
        %dma_start3A_449 = arith.constant 0 : i32
        %dma_start3A_450 = tpu.memref_slice %arg8[%dma_start3A_447, %dma_start3A_448, %dma_start3A_449] : memref<2x2x4096xf32, #tpu.memory_space<vmem>> -> memref<1x2x4096xf32, #tpu.memory_space<vmem>>
        %dma_start3A_451 = tpu.memref_squeeze %dma_start3A_450 : memref<1x2x4096xf32, #tpu.memory_space<vmem>> -> memref<2x4096xf32, #tpu.memory_space<vmem>>
        %dma_start3A_452 = arith.constant 0 : i32
        %dma_start3A_453 = tpu.memref_slice %arg4[%multiple_of3A_420, %dma_start3A_452] : memref<4096x4096xf32, #tpu.memory_space<hbm>> -> memref<2x4096xf32, #tpu.memory_space<hbm>>
        %dma_start3A_454 = arith.constant 0 : i32
        %dma_start3A_455 = arith.constant 0 : i32
        %dma_start3A_456 = tpu.memref_slice %arg8[%dma_start3A_447, %dma_start3A_454, %dma_start3A_455] : memref<2x2x4096xf32, #tpu.memory_space<vmem>> -> memref<1x2x4096xf32, #tpu.memory_space<vmem>>
        %dma_start3A_457 = tpu.memref_squeeze %dma_start3A_456 : memref<1x2x4096xf32, #tpu.memory_space<vmem>> -> memref<2x4096xf32, #tpu.memory_space<vmem>>
        %dma_start3A_458 = arith.constant 0 : i32
        %dma_start3A_459 = tpu.memref_slice %arg4[%multiple_of3A_420, %dma_start3A_458] : memref<4096x4096xf32, #tpu.memory_space<hbm>> -> memref<2x4096xf32, #tpu.memory_space<hbm>>
        tpu.enqueue_dma source(%dma_start3A_459 : memref<2x4096xf32, #tpu.memory_space<hbm>>) target(%dma_start3A_457 : memref<2x4096xf32, #tpu.memory_space<vmem>>) target_semaphore(%arg12 : memref<!tpu.dma_semaphore, #tpu.memory_space<semaphore_mem>>)
      } else {
      }
      %add3A_345 = arith.constant 1 : i32
      %add3A_346 = arith.addi %add3A_279, %add3A_345 : i32
      %dma_wait3A_347 = arith.constant 1 : i32
      %dma_wait3A_348 = arith.constant 0 : i32
      %dma_wait3A_349 = arith.constant 0 : i32
      %dma_wait3A_350 = tpu.memref_slice %arg6[%dma_wait3A_347, %dma_wait3A_348, %dma_wait3A_349] : memref<2x2x4096xf32, #tpu.memory_space<vmem>> -> memref<1x2x4096xf32, #tpu.memory_space<vmem>>
      %dma_wait3A_351 = tpu.memref_squeeze %dma_wait3A_350 : memref<1x2x4096xf32, #tpu.memory_space<vmem>> -> memref<2x4096xf32, #tpu.memory_space<vmem>>
      %dma_wait3A_352 = arith.constant 0 : i32
      %dma_wait3A_353 = arith.constant 0 : i32
      %dma_wait3A_354 = tpu.memref_slice %arg2[%dma_wait3A_352, %dma_wait3A_353] : memref<4096x4096xf32, #tpu.memory_space<hbm>> -> memref<2x4096xf32, #tpu.memory_space<hbm>>
      %dma_wait3A_355 = arith.constant 0 : i32
      %dma_wait3A_356 = arith.constant 0 : i32
      %dma_wait3A_357 = tpu.memref_slice %arg6[%dma_wait3A_347, %dma_wait3A_355, %dma_wait3A_356] : memref<2x2x4096xf32, #tpu.memory_space<vmem>> -> memref<1x2x4096xf32, #tpu.memory_space<vmem>>
      %dma_wait3A_358 = tpu.memref_squeeze %dma_wait3A_357 : memref<1x2x4096xf32, #tpu.memory_space<vmem>> -> memref<2x4096xf32, #tpu.memory_space<vmem>>
      %dma_wait3A_359 = arith.constant 0 : i32
      %dma_wait3A_360 = arith.constant 0 : i32
      %dma_wait3A_361 = tpu.memref_slice %arg2[%dma_wait3A_359, %dma_wait3A_360] : memref<4096x4096xf32, #tpu.memory_space<hbm>> -> memref<2x4096xf32, #tpu.memory_space<hbm>>
      tpu.wait_dma2 semaphore(%arg13 : memref<!tpu.dma_semaphore, #tpu.memory_space<semaphore_mem>>) src(%dma_wait3A_361 : memref<2x4096xf32, #tpu.memory_space<hbm>>) dst(%dma_wait3A_358 : memref<2x4096xf32, #tpu.memory_space<vmem>>)
      %dma_wait3A_362 = arith.constant 1 : i32
      %dma_wait3A_363 = arith.constant 0 : i32
      %dma_wait3A_364 = arith.constant 0 : i32
      %dma_wait3A_365 = tpu.memref_slice %arg7[%dma_wait3A_362, %dma_wait3A_363, %dma_wait3A_364] : memref<2x2x4096xf32, #tpu.memory_space<vmem>> -> memref<1x2x4096xf32, #tpu.memory_space<vmem>>
      %dma_wait3A_366 = tpu.memref_squeeze %dma_wait3A_365 : memref<1x2x4096xf32, #tpu.memory_space<vmem>> -> memref<2x4096xf32, #tpu.memory_space<vmem>>
      %dma_wait3A_367 = arith.constant 0 : i32
      %dma_wait3A_368 = arith.constant 0 : i32
      %dma_wait3A_369 = tpu.memref_slice %arg3[%dma_wait3A_367, %dma_wait3A_368] : memref<4096x4096xf32, #tpu.memory_space<hbm>> -> memref<2x4096xf32, #tpu.memory_space<hbm>>
      %dma_wait3A_370 = arith.constant 0 : i32
      %dma_wait3A_371 = arith.constant 0 : i32
      %dma_wait3A_372 = tpu.memref_slice %arg7[%dma_wait3A_362, %dma_wait3A_370, %dma_wait3A_371] : memref<2x2x4096xf32, #tpu.memory_space<vmem>> -> memref<1x2x4096xf32, #tpu.memory_space<vmem>>
      %dma_wait3A_373 = tpu.memref_squeeze %dma_wait3A_372 : memref<1x2x4096xf32, #tpu.memory_space<vmem>> -> memref<2x4096xf32, #tpu.memory_space<vmem>>
      %dma_wait3A_374 = arith.constant 0 : i32
      %dma_wait3A_375 = arith.constant 0 : i32
      %dma_wait3A_376 = tpu.memref_slice %arg3[%dma_wait3A_374, %dma_wait3A_375] : memref<4096x4096xf32, #tpu.memory_space<hbm>> -> memref<2x4096xf32, #tpu.memory_space<hbm>>
      tpu.wait_dma2 semaphore(%arg13 : memref<!tpu.dma_semaphore, #tpu.memory_space<semaphore_mem>>) src(%dma_wait3A_376 : memref<2x4096xf32, #tpu.memory_space<hbm>>) dst(%dma_wait3A_373 : memref<2x4096xf32, #tpu.memory_space<vmem>>)
      %dma_wait3A_377 = arith.constant 1 : i32
      %dma_wait3A_378 = arith.constant 0 : i32
      %dma_wait3A_379 = arith.constant 0 : i32
      %dma_wait3A_380 = tpu.memref_slice %arg8[%dma_wait3A_377, %dma_wait3A_378, %dma_wait3A_379] : memref<2x2x4096xf32, #tpu.memory_space<vmem>> -> memref<1x2x4096xf32, #tpu.memory_space<vmem>>
      %dma_wait3A_381 = tpu.memref_squeeze %dma_wait3A_380 : memref<1x2x4096xf32, #tpu.memory_space<vmem>> -> memref<2x4096xf32, #tpu.memory_space<vmem>>
      %dma_wait3A_382 = arith.constant 0 : i32
      %dma_wait3A_383 = arith.constant 0 : i32
      %dma_wait3A_384 = tpu.memref_slice %arg4[%dma_wait3A_382, %dma_wait3A_383] : memref<4096x4096xf32, #tpu.memory_space<hbm>> -> memref<2x4096xf32, #tpu.memory_space<hbm>>
      %dma_wait3A_385 = arith.constant 0 : i32
      %dma_wait3A_386 = arith.constant 0 : i32
      %dma_wait3A_387 = tpu.memref_slice %arg8[%dma_wait3A_377, %dma_wait3A_385, %dma_wait3A_386] : memref<2x2x4096xf32, #tpu.memory_space<vmem>> -> memref<1x2x4096xf32, #tpu.memory_space<vmem>>
      %dma_wait3A_388 = tpu.memref_squeeze %dma_wait3A_387 : memref<1x2x4096xf32, #tpu.memory_space<vmem>> -> memref<2x4096xf32, #tpu.memory_space<vmem>>
      %dma_wait3A_389 = arith.constant 0 : i32
      %dma_wait3A_390 = arith.constant 0 : i32
      %dma_wait3A_391 = tpu.memref_slice %arg4[%dma_wait3A_389, %dma_wait3A_390] : memref<4096x4096xf32, #tpu.memory_space<hbm>> -> memref<2x4096xf32, #tpu.memory_space<hbm>>
      tpu.wait_dma2 semaphore(%arg13 : memref<!tpu.dma_semaphore, #tpu.memory_space<semaphore_mem>>) src(%dma_wait3A_391 : memref<2x4096xf32, #tpu.memory_space<hbm>>) dst(%dma_wait3A_388 : memref<2x4096xf32, #tpu.memory_space<vmem>>)
      %parallel_loop3A_392 = arith.constant 0 : i32
      %parallel_loop3A_393 = arith.constant 512 : i32
      %parallel_loop3A_394 = arith.constant 1 : i32
      %parallel_loop3A_395 = arith.constant 0 : i32
      %parallel_loop3A_396 = scf.for %parallel_loop3A_415 = %parallel_loop3A_392 to %parallel_loop3A_393 step %parallel_loop3A_394 iter_args(%parallel_loop3A_416 = %parallel_loop3A_395) -> (i32)  : i32 {
        %parallel_loop3A_417 = arith.constant 8 : i32
        %parallel_loop3A_418 = arith.shrsi %parallel_loop3A_415, %parallel_loop3A_417 : i32
        %parallel_loop3A_419 = arith.constant 255 : i32
        %parallel_loop3A_420 = arith.andi %parallel_loop3A_415, %parallel_loop3A_419 : i32
        %parallel_loop3A_421 = arith.constant 16 : i32
        %parallel_loop3A_422 = arith.muli %parallel_loop3A_420, %parallel_loop3A_421 : i32
        %parallel_loop3A_423 = tpu.assume_multiple %parallel_loop3A_422, 16 : i32
        %parallel_loop3A_424 = arith.constant 1 : i32
        %parallel_loop3A_425 = arith.index_cast %parallel_loop3A_424 : i32 to index
        %parallel_loop3A_426 = arith.index_cast %parallel_loop3A_418 : i32 to index
        %parallel_loop3A_427 = arith.index_cast %parallel_loop3A_423 : i32 to index
        %parallel_loop3A_428 = tpu.vector_load %arg6[%parallel_loop3A_425, %parallel_loop3A_426, %parallel_loop3A_427] {strides = array<i32>} : memref<2x2x4096xf32, #tpu.memory_space<vmem>>, vector<16xf32>,
        %parallel_loop3A_429 = arith.constant 1 : i32
        %parallel_loop3A_430 = arith.index_cast %parallel_loop3A_429 : i32 to index
        %parallel_loop3A_431 = arith.index_cast %parallel_loop3A_418 : i32 to index
        %parallel_loop3A_432 = arith.index_cast %parallel_loop3A_423 : i32 to index
        %parallel_loop3A_433 = tpu.vector_load %arg7[%parallel_loop3A_430, %parallel_loop3A_431, %parallel_loop3A_432] {strides = array<i32>} : memref<2x2x4096xf32, #tpu.memory_space<vmem>>, vector<16xf32>,
        %parallel_loop3A_434 = arith.constant 1 : i32
        %parallel_loop3A_435 = arith.index_cast %parallel_loop3A_434 : i32 to index
        %parallel_loop3A_436 = arith.index_cast %parallel_loop3A_418 : i32 to index
        %parallel_loop3A_437 = arith.index_cast %parallel_loop3A_423 : i32 to index
        %parallel_loop3A_438 = tpu.vector_load %arg8[%parallel_loop3A_435, %parallel_loop3A_436, %parallel_loop3A_437] {strides = array<i32>} : memref<2x2x4096xf32, #tpu.memory_space<vmem>>, vector<16xf32>,
        %parallel_loop3A_439 = arith.subf %parallel_loop3A_428, %parallel_loop3A_433 : vector<16xf32>
        %parallel_loop3A_440 = math.absf %parallel_loop3A_439 : vector<16xf32>
        %parallel_loop3A_441 = arith.constant 1.000000e+00 : f32
        %parallel_loop3A_442 = vector.broadcast %parallel_loop3A_441 : f32 to vector<16xf32>
        %parallel_loop3A_443 = arith.subf %parallel_loop3A_442, %parallel_loop3A_440 : vector<16xf32>
        %parallel_loop3A_444 = arith.constant 1.000000e+00 : f32
        %parallel_loop3A_445 = vector.broadcast %parallel_loop3A_444 : f32 to vector<16xf32>
        %parallel_loop3A_446 = arith.subf %parallel_loop3A_445, %parallel_loop3A_438 : vector<16xf32>
        %parallel_loop3A_447 = vector.broadcast %scan3A : f32 to vector<16xf32>
        %parallel_loop3A_448 = arith.mulf %parallel_loop3A_443, %parallel_loop3A_447 : vector<16xf32>
        %parallel_loop3A_449 = vector.broadcast %scan3A : f32 to vector<16xf32>
        %parallel_loop3A_450 = arith.mulf %parallel_loop3A_446, %parallel_loop3A_449 : vector<16xf32>
        %parallel_loop3A_451 = arith.fptosi %parallel_loop3A_448 : vector<16xf32> to vector<16xi32>
        %parallel_loop3A_452 = arith.constant 33 : i32
        %parallel_loop3A_453 = vector.broadcast %parallel_loop3A_452 : i32 to vector<16xi32>
        %parallel_loop3A_454 = arith.muli %parallel_loop3A_451, %parallel_loop3A_453 : vector<16xi32>
        %parallel_loop3A_455 = arith.fptosi %parallel_loop3A_450 : vector<16xf32> to vector<16xi32>
        %parallel_loop3A_456 = arith.addi %parallel_loop3A_454, %parallel_loop3A_455 : vector<16xi32>
        %parallel_loop3A_457 = arith.constant 16 : i32
        %parallel_loop3A_458 = vector.broadcast %parallel_loop3A_457 : i32 to vector<16xi32>
        %parallel_loop3A_459 = arith.muli %parallel_loop3A_456, %parallel_loop3A_458 : vector<16xi32>
        %parallel_loop3A_460 = arith.addi %parallel_loop3A_459, %iota3A : vector<16xi32>
        tpu.vector_store_idx %arg9[%parallel_loop3A_460], %broadcast_in_dim3A_5 {add = true} : memref<17424xf32, #tpu.memory_space<vmem>>[vector<16xi32>], vector<16xf32>,
        %parallel_loop3A_461 = arith.constant 8.000000e-01 : f32
        %parallel_loop3A_462 = vector.broadcast %parallel_loop3A_461 : f32 to vector<16xf32>
        %parallel_loop3A_463 = arith.cmpf ogt, %parallel_loop3A_446, %parallel_loop3A_462 : vector<16xf32>
        %parallel_loop3A_464 = arith.index_cast %parallel_loop3A_416 : i32 to index
        %parallel_loop3A_465 = tpu.vector_load %arg11[%parallel_loop3A_464] masked %parallel_loop3A_463 {strides = array<i32>} : memref<8208xf32, #tpu.memory_space<vmem>>, vector<16xf32>, vector<16xi1>
        tpu.vector_store %arg11[%parallel_loop3A_464], %parallel_loop3A_443 masked %parallel_loop3A_463 {strides = array<i32>} : memref<8208xf32, #tpu.memory_space<vmem>>, vector<16xf32>, vector<16xi1>
        %parallel_loop3A_466 = tpu.all_reduce %parallel_loop3A_463 {dim = 0 : i64, kind = #tpu.reduction_kind<sum>} : vector<16xi1> -> vector<16xi32>
        %parallel_loop3A_467 = vector.extract_strided_slice %parallel_loop3A_466 {offsets = [0], sizes = [1], strides = [1]} : vector<16xi32> to vector<1xi32>
        %parallel_loop3A_468 = vector.extract %parallel_loop3A_467[0] : i32 from vector<1xi32>
        %parallel_loop3A_469 = arith.addi %parallel_loop3A_416, %parallel_loop3A_468 : i32
        scf.yield %parallel_loop3A_469 : i32
      } {sc.loop_unroll_factor = 8 : i64, sc.parallel_access}
      %swap3A_397 = arith.index_cast %parallel_loop3A_396 : i32 to index
      %swap3A_398 = tpu.vector_load %arg11[%swap3A_397] {strides = array<i32>} : memref<8208xf32, #tpu.memory_space<vmem>>, vector<16xf32>,
      tpu.vector_store %arg11[%swap3A_397], %broadcast_in_dim3A_5 {strides = array<i32>} : memref<8208xf32, #tpu.memory_space<vmem>>, vector<16xf32>,
      %add3A_399 = arith.constant 16 : i32
      %add3A_400 = arith.addi %parallel_loop3A_396, %add3A_399 : i32
      %sub3A_401 = arith.constant 1 : i32
      %sub3A_402 = arith.subi %add3A_400, %sub3A_401 : i32
      %shift_right_arithmetic3A_403 = arith.constant 4 : i32
      %shift_right_arithmetic3A_404 = arith.shrsi %sub3A_402, %shift_right_arithmetic3A_403 : i32
      %parallel_loop3A_405 = arith.constant 0 : i32
      %parallel_loop3A_406 = arith.constant 1 : i32
      scf.for %parallel_loop3A_415 = %parallel_loop3A_405 to %shift_right_arithmetic3A_404 step %parallel_loop3A_406  : i32 {
        %parallel_loop3A_416 = arith.constant 16 : i32
        %parallel_loop3A_417 = arith.muli %parallel_loop3A_415, %parallel_loop3A_416 : i32
        %parallel_loop3A_418 = arith.index_cast %parallel_loop3A_417 : i32 to index
        %parallel_loop3A_419 = tpu.vector_load %arg11[%parallel_loop3A_418] {strides = array<i32>} : memref<8208xf32, #tpu.memory_space<vmem>>, vector<16xf32>,
        %parallel_loop3A_420 = arith.constant 9.99999993E-9 : f32
        %parallel_loop3A_421 = vector.broadcast %parallel_loop3A_420 : f32 to vector<16xf32>
        %parallel_loop3A_422 = arith.maximumf %parallel_loop3A_419, %parallel_loop3A_421 : vector<16xf32>
        %parallel_loop3A_423 = vector.broadcast %scan3A_231 : f32 to vector<16xf32>
        %parallel_loop3A_424 = arith.minimumf %parallel_loop3A_422, %parallel_loop3A_423 : vector<16xf32>
        %parallel_loop3A_425 = arith.constant 9.99999993E-9 : f32
        %parallel_loop3A_426 = vector.broadcast %parallel_loop3A_425 : f32 to vector<16xf32>
        %parallel_loop3A_427 = arith.addf %parallel_loop3A_424, %parallel_loop3A_426 : vector<16xf32>
        %parallel_loop3A_428 = vector.bitcast %parallel_loop3A_427 : vector<16xf32> to vector<16xi32>
        %parallel_loop3A_429 = arith.constant 23 : i32
        %parallel_loop3A_430 = vector.broadcast %parallel_loop3A_429 : i32 to vector<16xi32>
        %parallel_loop3A_431 = arith.shrsi %parallel_loop3A_428, %parallel_loop3A_430 : vector<16xi32>
        %parallel_loop3A_432 = arith.constant 127 : i32
        %parallel_loop3A_433 = vector.broadcast %parallel_loop3A_432 : i32 to vector<16xi32>
        %parallel_loop3A_434 = arith.subi %parallel_loop3A_431, %parallel_loop3A_433 : vector<16xi32>
        %parallel_loop3A_435 = arith.constant 8388607 : i32
        %parallel_loop3A_436 = vector.broadcast %parallel_loop3A_435 : i32 to vector<16xi32>
        %parallel_loop3A_437 = arith.andi %parallel_loop3A_428, %parallel_loop3A_436 : vector<16xi32>
        %parallel_loop3A_438 = arith.constant 1065353216 : i32
        %parallel_loop3A_439 = vector.broadcast %parallel_loop3A_438 : i32 to vector<16xi32>
        %parallel_loop3A_440 = arith.ori %parallel_loop3A_437, %parallel_loop3A_439 : vector<16xi32>
        %parallel_loop3A_441 = vector.bitcast %parallel_loop3A_440 : vector<16xi32> to vector<16xf32>
        %parallel_loop3A_442 = arith.constant 1.000000e+00 : f32
        %parallel_loop3A_443 = vector.broadcast %parallel_loop3A_442 : f32 to vector<16xf32>
        %parallel_loop3A_444 = arith.subf %parallel_loop3A_441, %parallel_loop3A_443 : vector<16xf32>
        %parallel_loop3A_445 = arith.constant 1.000000e+00 : f32
        %parallel_loop3A_446 = vector.broadcast %parallel_loop3A_445 : f32 to vector<16xf32>
        %parallel_loop3A_447 = arith.addf %parallel_loop3A_441, %parallel_loop3A_446 : vector<16xf32>
        %parallel_loop3A_448 = arith.divf %parallel_loop3A_444, %parallel_loop3A_447 : vector<16xf32>
        %parallel_loop3A_449 = arith.mulf %parallel_loop3A_448, %parallel_loop3A_448 : vector<16xf32>
        %parallel_loop3A_450 = arith.constant 0.285714298 : f32
        %parallel_loop3A_451 = vector.broadcast %parallel_loop3A_450 : f32 to vector<16xf32>
        %parallel_loop3A_452 = arith.mulf %parallel_loop3A_451, %parallel_loop3A_449 : vector<16xf32>
        %parallel_loop3A_453 = arith.constant 4.000000e-01 : f32
        %parallel_loop3A_454 = vector.broadcast %parallel_loop3A_453 : f32 to vector<16xf32>
        %parallel_loop3A_455 = arith.addf %parallel_loop3A_452, %parallel_loop3A_454 : vector<16xf32>
        %parallel_loop3A_456 = arith.mulf %parallel_loop3A_455, %parallel_loop3A_449 : vector<16xf32>
        %parallel_loop3A_457 = arith.constant 0.666666686 : f32
        %parallel_loop3A_458 = vector.broadcast %parallel_loop3A_457 : f32 to vector<16xf32>
        %parallel_loop3A_459 = arith.addf %parallel_loop3A_456, %parallel_loop3A_458 : vector<16xf32>
        %parallel_loop3A_460 = arith.mulf %parallel_loop3A_459, %parallel_loop3A_449 : vector<16xf32>
        %parallel_loop3A_461 = arith.constant 2.000000e+00 : f32
        %parallel_loop3A_462 = vector.broadcast %parallel_loop3A_461 : f32 to vector<16xf32>
        %parallel_loop3A_463 = arith.addf %parallel_loop3A_460, %parallel_loop3A_462 : vector<16xf32>
        %parallel_loop3A_464 = arith.mulf %parallel_loop3A_448, %parallel_loop3A_463 : vector<16xf32>
        %parallel_loop3A_465 = arith.sitofp %parallel_loop3A_434 : vector<16xi32> to vector<16xf32>
        %parallel_loop3A_466 = arith.constant 0.693147182 : f32
        %parallel_loop3A_467 = vector.broadcast %parallel_loop3A_466 : f32 to vector<16xf32>
        %parallel_loop3A_468 = arith.mulf %parallel_loop3A_465, %parallel_loop3A_467 : vector<16xf32>
        %parallel_loop3A_469 = arith.addf %parallel_loop3A_464, %parallel_loop3A_468 : vector<16xf32>
        %parallel_loop3A_470 = arith.mulf %parallel_loop3A_424, %parallel_loop3A_469 : vector<16xf32>
        %parallel_loop3A_471 = arith.constant 1104 : index
        %parallel_loop3A_472 = tpu.vector_load %arg10[%parallel_loop3A_471] {strides = array<i32>} : memref<1136xf32, #tpu.memory_space<vmem>>, vector<16xf32>,
        tpu.vector_store %arg10[%parallel_loop3A_471], %parallel_loop3A_470 {add = true, strides = array<i32>} : memref<1136xf32, #tpu.memory_space<vmem>>, vector<16xf32>,
      } {sc.loop_unroll_factor = 4 : i64, sc.parallel_access}
      %add3A_407 = arith.addi %add3A_339, %parallel_loop3A_396 : i32
      %add3A_408 = arith.constant 2 : i32
      %add3A_409 = arith.addi %add3A_346, %add3A_408 : i32
      %lt3A_410 = arith.constant 64 : i32
      %lt3A_411 = arith.cmpi slt, %add3A_409, %lt3A_410 : i32
      %convert_element_type3A_412 = arith.extui %lt3A_411 : i1 to i32
      %cond3A_413 = arith.constant 0 : i32
      %cond3A_414 = arith.cmpi ne, %convert_element_type3A_412, %cond3A_413 : i32
      scf.if %cond3A_414 {
        %add3A_415 = arith.constant 2 : i32
        %add3A_416 = arith.addi %add3A_346, %add3A_415 : i32
        %mul3A_417 = arith.constant 2 : i32
        %mul3A_418 = arith.muli %add3A_416, %mul3A_417 : i32
        %add3A_419 = arith.addi %mul3A_2, %mul3A_418 : i32
        %multiple_of3A_420 = tpu.assume_multiple %add3A_419, 2 : i32
        %dma_start3A_421 = arith.constant 1 : i32
        %dma_start3A_422 = arith.constant 0 : i32
        %dma_start3A_423 = arith.constant 0 : i32
        %dma_start3A_424 = tpu.memref_slice %arg6[%dma_start3A_421, %dma_start3A_422, %dma_start3A_423] : memref<2x2x4096xf32, #tpu.memory_space<vmem>> -> memref<1x2x4096xf32, #tpu.memory_space<vmem>>
        %dma_start3A_425 = tpu.memref_squeeze %dma_start3A_424 : memref<1x2x4096xf32, #tpu.memory_space<vmem>> -> memref<2x4096xf32, #tpu.memory_space<vmem>>
        %dma_start3A_426 = arith.constant 0 : i32
        %dma_start3A_427 = tpu.memref_slice %arg2[%multiple_of3A_420, %dma_start3A_426] : memref<4096x4096xf32, #tpu.memory_space<hbm>> -> memref<2x4096xf32, #tpu.memory_space<hbm>>
        %dma_start3A_428 = arith.constant 0 : i32
        %dma_start3A_429 = arith.constant 0 : i32
        %dma_start3A_430 = tpu.memref_slice %arg6[%dma_start3A_421, %dma_start3A_428, %dma_start3A_429] : memref<2x2x4096xf32, #tpu.memory_space<vmem>> -> memref<1x2x4096xf32, #tpu.memory_space<vmem>>
        %dma_start3A_431 = tpu.memref_squeeze %dma_start3A_430 : memref<1x2x4096xf32, #tpu.memory_space<vmem>> -> memref<2x4096xf32, #tpu.memory_space<vmem>>
        %dma_start3A_432 = arith.constant 0 : i32
        %dma_start3A_433 = tpu.memref_slice %arg2[%multiple_of3A_420, %dma_start3A_432] : memref<4096x4096xf32, #tpu.memory_space<hbm>> -> memref<2x4096xf32, #tpu.memory_space<hbm>>
        tpu.enqueue_dma source(%dma_start3A_433 : memref<2x4096xf32, #tpu.memory_space<hbm>>) target(%dma_start3A_431 : memref<2x4096xf32, #tpu.memory_space<vmem>>) target_semaphore(%arg13 : memref<!tpu.dma_semaphore, #tpu.memory_space<semaphore_mem>>)
        %dma_start3A_434 = arith.constant 1 : i32
        %dma_start3A_435 = arith.constant 0 : i32
        %dma_start3A_436 = arith.constant 0 : i32
        %dma_start3A_437 = tpu.memref_slice %arg7[%dma_start3A_434, %dma_start3A_435, %dma_start3A_436] : memref<2x2x4096xf32, #tpu.memory_space<vmem>> -> memref<1x2x4096xf32, #tpu.memory_space<vmem>>
        %dma_start3A_438 = tpu.memref_squeeze %dma_start3A_437 : memref<1x2x4096xf32, #tpu.memory_space<vmem>> -> memref<2x4096xf32, #tpu.memory_space<vmem>>
        %dma_start3A_439 = arith.constant 0 : i32
        %dma_start3A_440 = tpu.memref_slice %arg3[%multiple_of3A_420, %dma_start3A_439] : memref<4096x4096xf32, #tpu.memory_space<hbm>> -> memref<2x4096xf32, #tpu.memory_space<hbm>>
        %dma_start3A_441 = arith.constant 0 : i32
        %dma_start3A_442 = arith.constant 0 : i32
        %dma_start3A_443 = tpu.memref_slice %arg7[%dma_start3A_434, %dma_start3A_441, %dma_start3A_442] : memref<2x2x4096xf32, #tpu.memory_space<vmem>> -> memref<1x2x4096xf32, #tpu.memory_space<vmem>>
        %dma_start3A_444 = tpu.memref_squeeze %dma_start3A_443 : memref<1x2x4096xf32, #tpu.memory_space<vmem>> -> memref<2x4096xf32, #tpu.memory_space<vmem>>
        %dma_start3A_445 = arith.constant 0 : i32
        %dma_start3A_446 = tpu.memref_slice %arg3[%multiple_of3A_420, %dma_start3A_445] : memref<4096x4096xf32, #tpu.memory_space<hbm>> -> memref<2x4096xf32, #tpu.memory_space<hbm>>
        tpu.enqueue_dma source(%dma_start3A_446 : memref<2x4096xf32, #tpu.memory_space<hbm>>) target(%dma_start3A_444 : memref<2x4096xf32, #tpu.memory_space<vmem>>) target_semaphore(%arg13 : memref<!tpu.dma_semaphore, #tpu.memory_space<semaphore_mem>>)
        %dma_start3A_447 = arith.constant 1 : i32
        %dma_start3A_448 = arith.constant 0 : i32
        %dma_start3A_449 = arith.constant 0 : i32
        %dma_start3A_450 = tpu.memref_slice %arg8[%dma_start3A_447, %dma_start3A_448, %dma_start3A_449] : memref<2x2x4096xf32, #tpu.memory_space<vmem>> -> memref<1x2x4096xf32, #tpu.memory_space<vmem>>
        %dma_start3A_451 = tpu.memref_squeeze %dma_start3A_450 : memref<1x2x4096xf32, #tpu.memory_space<vmem>> -> memref<2x4096xf32, #tpu.memory_space<vmem>>
        %dma_start3A_452 = arith.constant 0 : i32
        %dma_start3A_453 = tpu.memref_slice %arg4[%multiple_of3A_420, %dma_start3A_452] : memref<4096x4096xf32, #tpu.memory_space<hbm>> -> memref<2x4096xf32, #tpu.memory_space<hbm>>
        %dma_start3A_454 = arith.constant 0 : i32
        %dma_start3A_455 = arith.constant 0 : i32
        %dma_start3A_456 = tpu.memref_slice %arg8[%dma_start3A_447, %dma_start3A_454, %dma_start3A_455] : memref<2x2x4096xf32, #tpu.memory_space<vmem>> -> memref<1x2x4096xf32, #tpu.memory_space<vmem>>
        %dma_start3A_457 = tpu.memref_squeeze %dma_start3A_456 : memref<1x2x4096xf32, #tpu.memory_space<vmem>> -> memref<2x4096xf32, #tpu.memory_space<vmem>>
        %dma_start3A_458 = arith.constant 0 : i32
        %dma_start3A_459 = tpu.memref_slice %arg4[%multiple_of3A_420, %dma_start3A_458] : memref<4096x4096xf32, #tpu.memory_space<hbm>> -> memref<2x4096xf32, #tpu.memory_space<hbm>>
        tpu.enqueue_dma source(%dma_start3A_459 : memref<2x4096xf32, #tpu.memory_space<hbm>>) target(%dma_start3A_457 : memref<2x4096xf32, #tpu.memory_space<vmem>>) target_semaphore(%arg13 : memref<!tpu.dma_semaphore, #tpu.memory_space<semaphore_mem>>)
      } else {
      }
      scf.yield %add3A_407 : i32
    }
    %scan3A_238 = arith.constant 32 : i32
    %add3A_239 = arith.constant 8 : i32
    %add3A_240 = vector.broadcast %add3A_239 : i32 to vector<16xi32>
    %add3A_241 = arith.addi %iota3A, %add3A_240 : vector<16xi32>
    %and3A = arith.constant 15 : i32
    %and3A_242 = vector.broadcast %and3A : i32 to vector<16xi32>
    %and3A_243 = arith.andi %add3A_241, %and3A_242 : vector<16xi32>
    %add3A_244 = arith.constant 4 : i32
    %add3A_245 = vector.broadcast %add3A_244 : i32 to vector<16xi32>
    %add3A_246 = arith.addi %iota3A, %add3A_245 : vector<16xi32>
    %and3A_247 = arith.constant 15 : i32
    %and3A_248 = vector.broadcast %and3A_247 : i32 to vector<16xi32>
    %and3A_249 = arith.andi %add3A_246, %and3A_248 : vector<16xi32>
    %add3A_250 = arith.constant 2 : i32
    %add3A_251 = vector.broadcast %add3A_250 : i32 to vector<16xi32>
    %add3A_252 = arith.addi %iota3A, %add3A_251 : vector<16xi32>
    %and3A_253 = arith.constant 15 : i32
    %and3A_254 = vector.broadcast %and3A_253 : i32 to vector<16xi32>
    %and3A_255 = arith.andi %add3A_252, %and3A_254 : vector<16xi32>
    %add3A_256 = arith.constant 1 : i32
    %add3A_257 = vector.broadcast %add3A_256 : i32 to vector<16xi32>
    %add3A_258 = arith.addi %iota3A, %add3A_257 : vector<16xi32>
    %and3A_259 = arith.constant 15 : i32
    %and3A_260 = vector.broadcast %and3A_259 : i32 to vector<16xi32>
    %and3A_261 = arith.andi %add3A_258, %and3A_260 : vector<16xi32>
    %eq3A = arith.constant 0 : i32
    %eq3A_262 = vector.broadcast %eq3A : i32 to vector<16xi32>
    %eq3A_263 = arith.cmpi eq, %iota3A, %eq3A_262 : vector<16xi32>
    %parallel_loop3A_264 = arith.constant 0 : i32
    %parallel_loop3A_265 = arith.constant 1089 : i32
    %parallel_loop3A_266 = arith.constant 1 : i32
    scf.for %parallel_loop3A_274 = %parallel_loop3A_264 to %parallel_loop3A_265 step %parallel_loop3A_266  : i32 {
      %parallel_loop3A_275 = arith.constant 16 : i32
      %parallel_loop3A_276 = arith.muli %parallel_loop3A_274, %parallel_loop3A_275 : i32
      %parallel_loop3A_277 = arith.index_cast %parallel_loop3A_276 : i32 to index
      %parallel_loop3A_278 = tpu.vector_load %arg9[%parallel_loop3A_277] {strides = array<i32>} : memref<17424xf32, #tpu.memory_space<vmem>>, vector<16xf32>,
      %parallel_loop3A_279 = arith.constant 0 : i32
      %parallel_loop3A_280 = vector.broadcast %parallel_loop3A_279 : i32 to vector<16xi32>
      %parallel_loop3A_281 = arith.cmpi slt, %and3A_243, %parallel_loop3A_280 : vector<16xi32>
      %parallel_loop3A_282 = arith.constant 16 : i32
      %parallel_loop3A_283 = vector.broadcast %parallel_loop3A_282 : i32 to vector<16xi32>
      %parallel_loop3A_284 = arith.addi %and3A_243, %parallel_loop3A_283 : vector<16xi32>
      %parallel_loop3A_285 = arith.select %parallel_loop3A_281, %parallel_loop3A_284, %and3A_243 : vector<16xi1>, vector<16xi32>
      %parallel_loop3A_286 = vector.shape_cast %parallel_loop3A_285 : vector<16xi32> to vector<16x1xi32>
      %parallel_loop3A_287 = vector.shape_cast %parallel_loop3A_286 : vector<16x1xi32> to vector<16xi32>
      %parallel_loop3A_288 = tpu.dynamic_gather %parallel_loop3A_278[%parallel_loop3A_287] in [0] : vector<16xf32>, vector<16xi32> -> vector<16xf32>
      %parallel_loop3A_289 = arith.addf %parallel_loop3A_278, %parallel_loop3A_288 : vector<16xf32>
      %parallel_loop3A_290 = arith.constant 0 : i32
      %parallel_loop3A_291 = vector.broadcast %parallel_loop3A_290 : i32 to vector<16xi32>
      %parallel_loop3A_292 = arith.cmpi slt, %and3A_249, %parallel_loop3A_291 : vector<16xi32>
      %parallel_loop3A_293 = arith.constant 16 : i32
      %parallel_loop3A_294 = vector.broadcast %parallel_loop3A_293 : i32 to vector<16xi32>
      %parallel_loop3A_295 = arith.addi %and3A_249, %parallel_loop3A_294 : vector<16xi32>
      %parallel_loop3A_296 = arith.select %parallel_loop3A_292, %parallel_loop3A_295, %and3A_249 : vector<16xi1>, vector<16xi32>
      %parallel_loop3A_297 = vector.shape_cast %parallel_loop3A_296 : vector<16xi32> to vector<16x1xi32>
      %parallel_loop3A_298 = vector.shape_cast %parallel_loop3A_297 : vector<16x1xi32> to vector<16xi32>
      %parallel_loop3A_299 = tpu.dynamic_gather %parallel_loop3A_289[%parallel_loop3A_298] in [0] : vector<16xf32>, vector<16xi32> -> vector<16xf32>
      %parallel_loop3A_300 = arith.addf %parallel_loop3A_289, %parallel_loop3A_299 : vector<16xf32>
      %parallel_loop3A_301 = arith.constant 0 : i32
      %parallel_loop3A_302 = vector.broadcast %parallel_loop3A_301 : i32 to vector<16xi32>
      %parallel_loop3A_303 = arith.cmpi slt, %and3A_255, %parallel_loop3A_302 : vector<16xi32>
      %parallel_loop3A_304 = arith.constant 16 : i32
      %parallel_loop3A_305 = vector.broadcast %parallel_loop3A_304 : i32 to vector<16xi32>
      %parallel_loop3A_306 = arith.addi %and3A_255, %parallel_loop3A_305 : vector<16xi32>
      %parallel_loop3A_307 = arith.select %parallel_loop3A_303, %parallel_loop3A_306, %and3A_255 : vector<16xi1>, vector<16xi32>
      %parallel_loop3A_308 = vector.shape_cast %parallel_loop3A_307 : vector<16xi32> to vector<16x1xi32>
      %parallel_loop3A_309 = vector.shape_cast %parallel_loop3A_308 : vector<16x1xi32> to vector<16xi32>
      %parallel_loop3A_310 = tpu.dynamic_gather %parallel_loop3A_300[%parallel_loop3A_309] in [0] : vector<16xf32>, vector<16xi32> -> vector<16xf32>
      %parallel_loop3A_311 = arith.addf %parallel_loop3A_300, %parallel_loop3A_310 : vector<16xf32>
      %parallel_loop3A_312 = arith.constant 0 : i32
      %parallel_loop3A_313 = vector.broadcast %parallel_loop3A_312 : i32 to vector<16xi32>
      %parallel_loop3A_314 = arith.cmpi slt, %and3A_261, %parallel_loop3A_313 : vector<16xi32>
      %parallel_loop3A_315 = arith.constant 16 : i32
      %parallel_loop3A_316 = vector.broadcast %parallel_loop3A_315 : i32 to vector<16xi32>
      %parallel_loop3A_317 = arith.addi %and3A_261, %parallel_loop3A_316 : vector<16xi32>
      %parallel_loop3A_318 = arith.select %parallel_loop3A_314, %parallel_loop3A_317, %and3A_261 : vector<16xi1>, vector<16xi32>
      %parallel_loop3A_319 = vector.shape_cast %parallel_loop3A_318 : vector<16xi32> to vector<16x1xi32>
      %parallel_loop3A_320 = vector.shape_cast %parallel_loop3A_319 : vector<16x1xi32> to vector<16xi32>
      %parallel_loop3A_321 = tpu.dynamic_gather %parallel_loop3A_311[%parallel_loop3A_320] in [0] : vector<16xf32>, vector<16xi32> -> vector<16xf32>
      %parallel_loop3A_322 = arith.addf %parallel_loop3A_311, %parallel_loop3A_321 : vector<16xf32>
      %parallel_loop3A_323 = arith.index_cast %parallel_loop3A_274 : i32 to index
      %parallel_loop3A_324 = tpu.vector_load %arg10[%parallel_loop3A_323] masked %eq3A_263 {strides = array<i32>} : memref<1136xf32, #tpu.memory_space<vmem>>, vector<16xf32>, vector<16xi1>
      tpu.vector_store %arg10[%parallel_loop3A_323], %parallel_loop3A_322 masked %eq3A_263 {strides = array<i32>} : memref<1136xf32, #tpu.memory_space<vmem>>, vector<16xf32>, vector<16xi1>
    } {sc.loop_unroll_factor = 8 : i64, sc.parallel_access}
    %eq3A_267 = arith.constant 0 : i32
    %eq3A_268 = vector.broadcast %eq3A_267 : i32 to vector<16xi32>
    %eq3A_269 = arith.cmpi eq, %iota3A, %eq3A_268 : vector<16xi32>
    %convert_element_type3A = arith.sitofp %scan3A_237 : i32 to f32
    %jit3A = arith.constant 0.000000e+00 : f32
    %broadcast_in_dim3A_270 = vector.broadcast %convert_element_type3A : f32 to vector<16xf32>
    %broadcast_in_dim3A_271 = vector.broadcast %jit3A : f32 to vector<16xf32>
    %select_n3A = arith.select %eq3A_269, %broadcast_in_dim3A_270, %broadcast_in_dim3A_271 : vector<16xi1>, vector<16xf32>
    %swap3A_272 = arith.constant 1120 : index
    %swap3A_273 = tpu.vector_load %arg10[%swap3A_272] {strides = array<i32>} : memref<1136xf32, #tpu.memory_space<vmem>>, vector<16xf32>,
    tpu.vector_store %arg10[%swap3A_272], %select_n3A {strides = array<i32>} : memref<1136xf32, #tpu.memory_space<vmem>>, vector<16xf32>,
    "tpu.region"() ({
      %run_scoped3A = tpu.sem_alloc : memref<!tpu.dma_semaphore, #tpu.memory_space<semaphore_mem>>
      %dma_start3A_274 = arith.constant 0 : i32
      %dma_start3A_275 = tpu.memref_slice %arg5[%add3A, %dma_start3A_274] : memref<32x1136xf32, #tpu.memory_space<hbm>> -> memref<1x1136xf32, #tpu.memory_space<hbm>>
      %dma_start3A_276 = tpu.memref_squeeze %dma_start3A_275 : memref<1x1136xf32, #tpu.memory_space<hbm>> -> memref<1136xf32, #tpu.memory_space<hbm>>
      %dma_start3A_277 = arith.constant 0 : i32
      %dma_start3A_278 = tpu.memref_slice %arg5[%add3A, %dma_start3A_277] : memref<32x1136xf32, #tpu.memory_space<hbm>> -> memref<1x1136xf32, #tpu.memory_space<hbm>>
      %dma_start3A_279 = tpu.memref_squeeze %dma_start3A_278 : memref<1x1136xf32, #tpu.memory_space<hbm>> -> memref<1136xf32, #tpu.memory_space<hbm>>
      tpu.enqueue_dma source(%arg10 : memref<1136xf32, #tpu.memory_space<vmem>>) target(%dma_start3A_279 : memref<1136xf32, #tpu.memory_space<hbm>>) target_semaphore(%run_scoped3A : memref<!tpu.dma_semaphore, #tpu.memory_space<semaphore_mem>>)
      %dma_wait3A = arith.constant 0 : i32
      %dma_wait3A_280 = tpu.memref_slice %arg5[%add3A, %dma_wait3A] : memref<32x1136xf32, #tpu.memory_space<hbm>> -> memref<1x1136xf32, #tpu.memory_space<hbm>>
      %dma_wait3A_281 = tpu.memref_squeeze %dma_wait3A_280 : memref<1x1136xf32, #tpu.memory_space<hbm>> -> memref<1136xf32, #tpu.memory_space<hbm>>
      %dma_wait3A_282 = arith.constant 0 : i32
      %dma_wait3A_283 = tpu.memref_slice %arg5[%add3A, %dma_wait3A_282] : memref<32x1136xf32, #tpu.memory_space<hbm>> -> memref<1x1136xf32, #tpu.memory_space<hbm>>
      %dma_wait3A_284 = tpu.memref_squeeze %dma_wait3A_283 : memref<1x1136xf32, #tpu.memory_space<hbm>> -> memref<1136xf32, #tpu.memory_space<hbm>>
      tpu.wait_dma2 semaphore(%run_scoped3A : memref<!tpu.dma_semaphore, #tpu.memory_space<semaphore_mem>>) src(%arg10 : memref<1136xf32, #tpu.memory_space<vmem>>) dst(%dma_wait3A_284 : memref<1136xf32, #tpu.memory_space<hbm>>)
      tpu.yield
    }) : () -> ()
    return
  }
}

module attributes {stable_mosaic.version = 14 : i64} {
  func.func @_fin_body(%arg0: memref<32x33x33xf32, #tpu.memory_space<vmem>>, %arg1: memref<32x32xf32, #tpu.memory_space<vmem>>, %arg2: memref<1x1xf32, #tpu.memory_space<vmem>>) attributes {dimension_semantics = [], scalar_prefetch = 0 : i64, scratch_operands = 0 : i64, tpu.core_type = #tpu.core_type<tc>} {
    %get3A = arith.constant 0 : index
    %get3A_0 = arith.constant 0 : index
    %get3A_1 = arith.constant 0 : index
    %get3A_2 = vector.load %arg0[%get3A, %get3A_0, %get3A_1] : memref<32x33x33xf32, #tpu.memory_space<vmem>>, vector<32x33x33xf32>
    %reduce_sum3A = arith.constant dense<0.000000e+00> : vector<33x33xf32>
    %reduce_sum3A_3 = vector.multi_reduction <add>, %get3A_2, %reduce_sum3A [0] : vector<32x33x33xf32> to vector<33x33xf32>
    %slice3A = vector.extract_strided_slice %reduce_sum3A_3 {offsets = [0, 0], sizes = [32, 32], strides = [1, 1]} : vector<33x33xf32> to vector<32x32xf32>
    %reduce_sum3A_4 = vector.shape_cast %slice3A : vector<32x32xf32> to vector<1x32x32xf32>
    %reduce_sum3A_5 = arith.constant dense<0.000000e+00> : vector<1xf32>
    %reduce_sum3A_6 = vector.multi_reduction <add>, %reduce_sum3A_4, %reduce_sum3A_5 [1, 2] : vector<1x32x32xf32> to vector<1xf32>
    %reduce_sum3A_7 = vector.shape_cast %reduce_sum3A_6 : vector<1xf32> to vector<1x1x1xf32>
    %reduce_sum3A_8 = vector.extract %reduce_sum3A_7[0, 0, 0] : f32 from vector<1x1x1xf32>
    %add3A = arith.constant 9.99999993E-9 : f32
    %add3A_9 = arith.addf %reduce_sum3A_8, %add3A : f32
    %div3A = vector.broadcast %add3A_9 : f32 to vector<32x32xf32>
    %div3A_10 = arith.divf %slice3A, %div3A : vector<32x32xf32>
    %reduce_sum3A_11 = arith.constant dense<0.000000e+00> : vector<32xf32>
    %reduce_sum3A_12 = vector.multi_reduction <add>, %div3A_10, %reduce_sum3A_11 [1] : vector<32x32xf32> to vector<32xf32>
    %broadcast_in_dim3A = vector.shape_cast %reduce_sum3A_12 : vector<32xf32> to vector<32x1xf32>
    %reduce_sum3A_13 = arith.constant dense<0.000000e+00> : vector<32xf32>
    %reduce_sum3A_14 = vector.multi_reduction <add>, %div3A_10, %reduce_sum3A_13 [0] : vector<32x32xf32> to vector<32xf32>
    %broadcast_in_dim3A_15 = vector.shape_cast %reduce_sum3A_14 : vector<32xf32> to vector<1x32xf32>
    %mul3A = vector.broadcast %broadcast_in_dim3A : vector<32x1xf32> to vector<32x32xf32>
    %mul3A_16 = vector.broadcast %broadcast_in_dim3A_15 : vector<1x32xf32> to vector<32x32xf32>
    %mul3A_17 = arith.mulf %mul3A, %mul3A_16 : vector<32x32xf32>
    %add3A_18 = arith.constant 9.99999993E-9 : f32
    %add3A_19 = vector.broadcast %add3A_18 : f32 to vector<32x32xf32>
    %add3A_20 = arith.addf %mul3A_17, %add3A_19 : vector<32x32xf32>
    %gt3A = arith.constant 9.99999993E-9 : f32
    %gt3A_21 = vector.broadcast %gt3A : f32 to vector<32x32xf32>
    %gt3A_22 = arith.cmpf ogt, %div3A_10, %gt3A_21 : vector<32x32xf32>
    %div3A_23 = arith.divf %div3A_10, %add3A_20 : vector<32x32xf32>
    %add3A_24 = arith.constant 9.99999993E-9 : f32
    %add3A_25 = vector.broadcast %add3A_24 : f32 to vector<32x32xf32>
    %add3A_26 = arith.addf %div3A_23, %add3A_25 : vector<32x32xf32>
    %log3A = math.log %add3A_26 : vector<32x32xf32>
    %mul3A_27 = arith.mulf %div3A_10, %log3A : vector<32x32xf32>
    %jit3A = arith.constant 0.000000e+00 : f32
    %broadcast_in_dim3A_28 = vector.broadcast %jit3A : f32 to vector<32x32xf32>
    %select_n3A = arith.select %gt3A_22, %mul3A_27, %broadcast_in_dim3A_28 : vector<32x32xi1>, vector<32x32xf32>
    %lt3A = arith.constant 9.99999993E-9 : f32
    %lt3A_29 = arith.cmpf olt, %reduce_sum3A_8, %lt3A : f32
    %reduce_sum3A_30 = vector.shape_cast %select_n3A : vector<32x32xf32> to vector<1x32x32xf32>
    %reduce_sum3A_31 = arith.constant dense<0.000000e+00> : vector<1xf32>
    %reduce_sum3A_32 = vector.multi_reduction <add>, %reduce_sum3A_30, %reduce_sum3A_31 [1, 2] : vector<1x32x32xf32> to vector<1xf32>
    %reduce_sum3A_33 = vector.shape_cast %reduce_sum3A_32 : vector<1xf32> to vector<1x1x1xf32>
    %reduce_sum3A_34 = vector.extract %reduce_sum3A_33[0, 0, 0] : f32 from vector<1x1x1xf32>
    %jit3A_35 = arith.constant 0.000000e+00 : f32
    %select_n3A_36 = arith.select %lt3A_29, %jit3A_35, %reduce_sum3A_34 : f32
    %get3A_37 = arith.constant 0 : index
    %get3A_38 = arith.constant 0 : index
    %get3A_39 = vector.load %arg1[%get3A_37, %get3A_38] : memref<32x32xf32, #tpu.memory_space<vmem>>, vector<32x16xf32>
    %reduce_sum3A_40 = vector.shape_cast %get3A_39 : vector<32x16xf32> to vector<1x32x16xf32>
    %reduce_sum3A_41 = arith.constant dense<0.000000e+00> : vector<1xf32>
    %reduce_sum3A_42 = vector.multi_reduction <add>, %reduce_sum3A_40, %reduce_sum3A_41 [1, 2] : vector<1x32x16xf32> to vector<1xf32>
    %reduce_sum3A_43 = vector.shape_cast %reduce_sum3A_42 : vector<1xf32> to vector<1x1x1xf32>
    %reduce_sum3A_44 = vector.extract %reduce_sum3A_43[0, 0, 0] : f32 from vector<1x1x1xf32>
    %neg3A = arith.constant 0.000000e+00 : f32
    %neg3A_45 = arith.subf %neg3A, %reduce_sum3A_44 : f32
    %get3A_46 = arith.constant 0 : index
    %get3A_47 = arith.constant 16 : index
    %get3A_48 = vector.load %arg1[%get3A_46, %get3A_47] : memref<32x32xf32, #tpu.memory_space<vmem>>, vector<32x16xf32>
    %reduce_sum3A_49 = vector.shape_cast %get3A_48 : vector<32x16xf32> to vector<1x32x16xf32>
    %reduce_sum3A_50 = arith.constant dense<0.000000e+00> : vector<1xf32>
    %reduce_sum3A_51 = vector.multi_reduction <add>, %reduce_sum3A_49, %reduce_sum3A_50 [1, 2] : vector<1x32x16xf32> to vector<1xf32>
    %reduce_sum3A_52 = vector.shape_cast %reduce_sum3A_51 : vector<1xf32> to vector<1x1x1xf32>
    %reduce_sum3A_53 = vector.extract %reduce_sum3A_52[0, 0, 0] : f32 from vector<1x1x1xf32>
    %gt3A_54 = arith.constant 1.000000e+01 : f32
    %gt3A_55 = arith.cmpf ogt, %reduce_sum3A_53, %gt3A_54 : f32
    %max3A = arith.constant 1.000000e+00 : f32
    %max3A_56 = arith.maximumf %reduce_sum3A_53, %max3A : f32
    %div3A_57 = arith.divf %neg3A_45, %max3A_56 : f32
    %jit3A_58 = arith.constant 0.000000e+00 : f32
    %select_n3A_59 = arith.select %gt3A_55, %div3A_57, %jit3A_58 : f32
    %neg3A_60 = arith.constant 0.000000e+00 : f32
    %neg3A_61 = arith.subf %neg3A_60, %select_n3A_36 : f32
    %mul3A_62 = arith.constant 1.000000e-01 : f32
    %mul3A_63 = arith.mulf %mul3A_62, %select_n3A_59 : f32
    %add3A_64 = arith.addf %neg3A_61, %mul3A_63 : f32
    %broadcast_in_dim3A_65 = vector.broadcast %add3A_64 : f32 to vector<1x1xf32>
    %swap3A = arith.constant 0 : index
    %swap3A_66 = arith.constant 0 : index
    %swap3A_67 = vector.load %arg2[%swap3A, %swap3A_66] : memref<1x1xf32, #tpu.memory_space<vmem>>, vector<1x1xf32>
    tpu.vector_store %arg2[%swap3A, %swap3A_66], %broadcast_in_dim3A_65 {strides = array<i32>} : memref<1x1xf32, #tpu.memory_space<vmem>>, vector<1x1xf32>,
    return
  }
}

</mosaic_0001>

<sc_bundles>
// kernel: kernel.4.cloned.1.call-start
scs
__scs_entry_jumppad:
0x0: {  	(pc) =	sbr.rel $0x88, $3  }
0x1: {  	(tag) =	ssettag $0x0;
	lr =	simm.s32 $0x1  }
0x2: {  	[smem:$0x3F9E] =	sst lr;
	_ =	strace $0xD0000000  }
0x3: {  	_ = 	snop  }
0x4: {  	_ = 	snop  }
0x5: {  	_ = 	snop  }
0x6: {  	_ = 	snop  }
0x7: {  	_ = 	snop  }
__scs_overlays_trampoline_lowered:
0x8: {  	[smem:$0x3FAD] =	sst s0  }
0x9: {  	[smem:$0x3FAE] =	sst s1  }
0xa: {  	[smem:$0x3FAF] =	sst s2  }
0xb: {  	[smem:$0x3FB0] =	sst s3  }
0xc: {  	[smem:$0x3FB1] =	sst s4  }
0xd: {  	[smem:$0x3FB2] =	sst s5  }
0xe: {  	[smem:$0x3FB3] =	sst s6  }
0xf: {  	[smem:$0x3FB4] =	sst s7  }
0x10: {  	[smem:$0x3FB5] =	sst s8  }
0x11: {  	[smem:$0x3FB6] =	sst s9;
	s0 =	simm.s32 @!p0 $0x0  }
0x12: {  	s1 =	sld [smem:$0x3F9C];
	s0 =	simm.s32 @p0 $0x1  }
0x13: {  	[smem:$0x3FB7] =	sst s0;
	s0 =	simm.s32 @!p1 $0x0  }
0x14: {  	s2 =	sld [smem:$0x3F9B];
	s0 =	simm.s32 @p1 $0x1  }
0x15: {  	[smem:$0x3FB8] =	sst s0;
	s0 =	simm.s32 @!p2 $0x0  }
0x16: {  	s3 =	sld [smem:$0x3FDB];
	s0 =	simm.s32 @p2 $0x1  }
0x17: {  	s4 =	simm.s32 $0x1BF5;
	[smem:$0x3FBA] =	sst s0  }
0x18: {  	s0 =	sld [smem:$0x3F9D];
	_ =	swait.ge [sflag:s4], $0x0  }
0x19: {  	s7 =	sld [smem:$0x3F9E]  }
0x1a: {  	s8 =	sadd.s32 $0xFFFFE003, lr  }
0x1b: {  	s9 =	sadd.s32 $0xFFFFFEF7, lr;
	s5 =	simm.s32 $0xFFFFFFFF;
	p2 =	slt.u32 s8, $0xFFFFF086  }
0x1c: {  	p1 =	slt.u32 s9, $0xF7A;
	s5 =	simm.s32 @!p2 $0x0  }
0x1d: {  	s5 =	simm.s32 @p1 $0x1;
	p0 =	seq.s32 s7, s2  }
0x1e: {  	s7 =	smul.u32 @!p0 $0xF7A, s2;
	p2 =	seq.s32 @!p0 s5, $0x0  }
0x1f: {  	s9 =	smul.u32 $0xF7A, s1;
	s8 =	simm.s32 @!p0 $0x1BF5;
	p2 =	por !p2, p0  }
0x20: {  	[sflag:s8] =	ssyncset.s32 @!p0 $0xFFFFF086;
	s6 =	sadd.s32 @!p0 s3, s7;
	s7 =	simm.s32 @!p0 $0x108  }
0x21: {  	s3 =	sadd.s32 s3, s9;
	s6 =	sadd.s32 @!p0 $0x88, s6;
	s7 =	simm.s32 @p2 $0x1082  }
0x22: {  	[simem:s7], [sflag:s8] =	dma.local @!p0 [hbm:s6], $0xF7A  }
0x23: {  	s9 =	sor.u32 $0xD0000000, s2;
	s6 =	simm.s32 $0x108;
	_ =	swait.ge @!p0 [sflag:s8], $0x0  }
0x24: {  	s3 =	sadd.s32 $0x88, s3;
	s6 =	simm.s32 @!p1 $0x1082;
	[sflag:s4] =	ssyncset.s32 $0xFFFFF086  }
0x25: {  	[simem:s6], [sflag:s4] =	dma.local [hbm:s3], $0xF7A  }
0x26: {  	[smem:$0x3F9E] =	sst s1;
	(tag) =	ssettag s2;
	_ =	strace s9  }
0x27: {  	s1 =	sld [smem:$0x3FAE]  }
0x28: {  	s2 =	sld [smem:$0x3FAF]  }
0x29: {  	s4 =	sld [smem:$0x3FB1]  }
0x2a: {  	p0 =	seq.s32 s5, $0x0;
	s5 =	sld [smem:$0x3FB2]  }
0x2b: {  	s6 =	sld [smem:$0x3FB3]  }
0x2c: {  	s7 =	sld [smem:$0x3FB4]  }
0x2d: {  	s3 =	simm.s32 $0x108;
	s8 =	sld [smem:$0x3FB5]  }
0x2e: {  	s3 =	simm.s32 @!p0 $0x1082;
	s9 =	sld [smem:$0x3FB6]  }
0x2f: {  	lr =	sadd.s32 s0, s3;
	s0 =	sld [smem:$0x3FAD]  }
0x30: {  	s3 =	sld [smem:$0x3FB0]  }
0x31: {  	[smem:$0x3FB9] =	sst s10  }
0x32: {  	s10 =	sld [smem:$0x3FB7];
	_ =	sdelay $0x3  }
0x33: {  	p0 =	seq.s32 s10, $0x1;
	s10 =	sld [smem:$0x3FB9];
	_ =	sdelay $0x3  }
0x34: {  	[smem:$0x3FB9] =	sst s10  }
0x35: {  	s10 =	sld [smem:$0x3FB8];
	_ =	sdelay $0x3  }
0x36: {  	p1 =	seq.s32 s10, $0x1;
	s10 =	sld [smem:$0x3FB9];
	_ =	sdelay $0x3  }
0x37: {  	[smem:$0x3FB9] =	sst s10  }
0x38: {  	s10 =	sld [smem:$0x3FBA]  }
0x39: {  	_ = 	snop;
	(pc) =	sbr.ind lr, $3  }
0x3a: {  	_ = 	snop  }
0x3b: {  	_ = 	snop  }
0x3c: {  	p2 =	seq.s32 s10, $0x1;
	s10 =	sld [smem:$0x3FB9]  }
0x3d: {  	_ =	shalt  }
0x3e: {  	_ =	shalt  }
0x3f: {  	_ =	shalt  }
0x40: {  	_ =	shalt  }
0x41: {  	_ =	shalt  }
0x42: {  	_ =	shalt  }
0x43: {  	_ =	shalt  }
0x44: {  	_ =	shalt  }
0x45: {  	_ =	shalt  }
0x46: {  	_ =	shalt  }
0x47: {  	_ =	shalt  }
0x48: {  	_ =	shalt  }
0x49: {  	_ =	shalt  }
0x4a: {  	_ =	shalt  }
0x4b: {  	_ =	shalt  }
0x4c: {  	_ =	shalt  }
0x4d: {  	_ =	shalt  }
0x4e: {  	_ =	shalt  }
0x4f: {  	_ =	shalt  }
0x50: {  	_ =	shalt  }
0x51: {  	_ =	shalt  }
0x52: {  	_ =	shalt  }
0x53: {  	_ =	shalt  }
0x54: {  	_ =	shalt  }
0x55: {  	_ =	shalt  }
0x56: {  	_ =	shalt  }
0x57: {  	_ =	shalt  }
0x58: {  	_ =	shalt  }
0x59: {  	_ =	shalt  }
0x5a: {  	_ =	shalt  }
0x5b: {  	_ =	shalt  }
0x5c: {  	_ =	shalt  }
0x5d: {  	_ =	shalt  }
0x5e: {  	_ =	shalt  }
0x5f: {  	_ =	shalt  }
0x60: {  	_ =	shalt  }
0x61: {  	_ =	shalt  }
0x62: {  	_ =	shalt  }
0x63: {  	_ =	shalt  }
0x64: {  	_ =	shalt  }
0x65: {  	_ =	shalt  }
0x66: {  	_ =	shalt  }
0x67: {  	_ =	shalt  }
0x68: {  	_ =	shalt  }
0x69: {  	_ =	shalt  }
0x6a: {  	_ =	shalt  }
0x6b: {  	_ =	shalt  }
0x6c: {  	_ =	shalt  }
0x6d: {  	_ =	shalt  }
0x6e: {  	_ =	shalt  }
0x6f: {  	_ =	shalt  }
0x70: {  	_ =	shalt  }
0x71: {  	_ =	shalt  }
0x72: {  	_ =	shalt  }
0x73: {  	_ =	shalt  }
0x74: {  	_ =	shalt  }
0x75: {  	_ =	shalt  }
0x76: {  	_ =	shalt  }
0x77: {  	_ =	shalt  }
0x78: {  	_ =	shalt  }
0x79: {  	_ =	shalt  }
0x7a: {  	_ =	shalt  }
0x7b: {  	_ =	shalt  }
0x7c: {  	_ =	shalt  }
0x7d: {  	_ =	shalt  }
0x7e: {  	_ =	shalt  }
0x7f: {  	_ =	shalt  }
0x80: {  	_ =	shalt  }
0x81: {  	_ =	shalt  }
0x82: {  	_ =	shalt  }
0x83: {  	_ =	shalt  }
0x84: {  	_ =	shalt  }
0x85: {  	_ =	shalt  }
0x86: {  	_ =	shalt  }
0x87: {  	_ =	shalt  }
.Lfunc_end0:
.L_simem_size_0:
called_computation_lowered:
.L_overlay_start_0:
0x88: {  	s2 =	sld [smem:$0x3FD9]  }
0x89: {  	s3 =	sld [smem:$0x3FFE];
	_ =	sdelay $0x1  }
0x8a: {  	s1 =	srdreg.scid  }
0x8b: {  	s0 =	sand.u32 $0x1, s1  }
0x8c: {  	s17 =	sshll.u32 s0, $0xA;
	s2 =	sadd.s32 s3, s2  }
0x8d: {  	s2 =	sadd.s32 s2, s17  }
0x8e: {  	[smem:$0x3FC5] =	sst s2  }
0x8f: {  	_ = 	snop  }
0x90: {  	s2 =	sld [smem:$0x3FC9]  }
0x91: {  	s18 =	sld [smem:$0x3FC8]  }
0x92: {  	s4 =	sld [smem:$0x3FC7];
	(tm) =	ssettm $0x1  }
0x93: {  	s5 =	sld [smem:$0x3FFB];
	_ =	sdelay $0x3  }
0x94: {  	_ =	strace s5  }
0x95: {  	s5 =	sld [smem:$0x3FFC];
	_ =	sdelay $0x3  }
0x96: {  	_ =	strace s5  }
0x97: {  	s5 =	sld [smem:$0x3FFD];
	_ =	sdelay $0x3  }
0x98: {  	_ =	strace s5  }
0x99: {  	_ =	strace $0x8FFFFFFF  }
0x9a: {  	s19 =	sld [smem:$0x3FDB];
	_ =	sdelay $0x1  }
0x9b: {  	s6 =	simm.s32 $_scs_section_size  }
0x9c: {  	s7 =	simm.s32 $_size__tile_overlayer_lowered;
	s8 =	simm.s32 $_tile_overlayer_lowered  }
0x9d: {  	s22 =	simm.s32 $0x1BFF;
	s21 =	sshll.u32 s8, $0x1;
	s5 =	sadd.s32 s6, s19  }
0x9e: {  	s9 =	simm.s32 $0x0;
	s20 =	sshll.u32 s7, $0x1;
	s7 =	sadd.s32 s21, s5  }
0x9f: {  	[timem:s9], [sflag:s22] =	dma.local [hbm:s7], s20  }
0xa0: {  	_ =	swait.ge [sflag:s22], s20  }
0xa1: {  	s6 =	ssub.s32 $0x0, s20;
	[sflag:s22] =	ssyncset.done $0x0  }
0xa2: {  	[sflag:s22] =	ssyncadd.s32 s6;
	_ =	sdelay $0x1  }
0xa3: {  	s23 =	simm.s32 $0x1B8B  }
0xa4: {  	_ =	swait.ge [sflag:s23], $0x1  }
0xa5: {  	[sflag:s23] =	ssyncset.done $0x0  }
0xa6: {  	s25 =	simm.s32 $0x1B8E;
	s24 =	sld [smem:$0x3FFE];
	[sflag:s23] =	ssyncadd.s32 $0xFFFFFFFF  }
0xa7: {  	s26 =	simm.s32 $execute0_lowered;
	[smem:$0x3FD2] =	sst s25  }
0xa8: {  	s7 =	sshll.u32 s26, $0x1;
	_ =	strace $0x80000046;
	[dreg:$0x1] =	wrdreg $0xFFFFFFFF  }
0xa9: {  	s28 =	simm.s32 $_size_execute0_lowered;
	s5 =	sadd.s32 s5, s7;
	[dreg:$0x0] =	wrdreg $0x0  }
0xaa: {  	s7 =	sshll.u32 s28, $0x1;
	[dreg:$0x2] =	wrdreg s5  }
0xab: {  	[dreg:$0x3] =	wrdreg s7  }
0xac: {  	[dreg:$0x4] =	wrdreg $0xC0  }
0xad: {  	_ =	task [dreg:s9], $0x5FFFF  }
0xae: {  	[dreg:$0x1] =	wrdreg $0xFFFFFFFF  }
0xaf: {  	[dreg:$0x0] =	wrdreg $0x60  }
0xb0: {  	[dreg:$0x2] =	wrdreg s2  }
0xb1: {  	[dreg:$0x3] =	wrdreg s18  }
0xb2: {  	[dreg:$0x4] =	wrdreg s4  }
0xb3: {  	[dreg:$0x5] =	wrdreg s24  }
0xb4: {  	[dreg:$0x6] =	wrdreg $0x9  }
0xb5: {  	_ =	task.clear_ibuf [dreg:s9], $0x7FFFF;
	_ =	strace $0x90000046  }
0xb6: {  	s29 =	simm.s32 $0x9;
	_ =	strace $0x80000048  }
0xb7: {  	_ =	swait.ge [sflag:s29], $0x1  }
0xb8: {  	[sflag:s29] =	ssyncadd.s32 $0xFFFFFFFF  }
0xb9: {  	_ =	strace $0x90000048  }
0xba: {  	_ =	sfence  }
0xbb: {  	s30 =	sld [smem:$0x0];
	_ =	sdelay $0x2  }
0xbc: {  	s31 =	sshll.u32 s1, $0xD;
	s1 =	sshrl.u32 s1, $0x2  }
0xbd: {  	s3 =	sand.u32 $0x4000, s31;
	s1 =	sadd.s32 s1, s30  }
0xbe: {  	s0 =	sor.u32 s3, s0;
	s1 =	sshll.u32 s1, $0x11  }
0xbf: {  	s0 =	sor.u32 s1, s0  }
0xc0: {  	s0 =	sadd.s32 $0x8F2B, s0  }
0xc1: {  	[sflag:s0] =	ssyncadd.remote.s32 $0x1  }
0xc2: {  	_ =	sfence.sel $0xFFFF  }
0xc3: {  	[dreg:$0x0] =	wrdreg $0xFFFFFFFF;
	(pc) =	sbr.abs _section_cstart, $3  }
0xc4: {  	[dreg:$0x1] =	wrdreg $0xFFFFFFFF  }
0xc5: {  	_ =	task.clear_ibuf [dreg:s9], $0x2FFFF;
	_ =	strace $0x9FFFFFFF  }
0xc6: {  	(tm) =	ssettm $0x7FFFFFFF  }
0xc7: {  	_ =	shalt  }
tec
execute0_lowered:
.L_overlay_start_1:
0x0: {  	(tag) =	ssettag $0x1  }
0x1: {  	s1 =	rddreg [dreg:$0x0]  }
0x2: {  	s2 =	rddreg [dreg:$0x1]  }
0x3: {  	s0 =	srdreg.scid;
	s6 =	stileid.u32  }
0x4: {  	s4 =	rddreg [dreg:$0x2];
	s0 =	sand.u32 $0x1, s0;
	s5 =	sshll.u32 s6, $0x1  }
0x5: {  	s3 =	rddreg [dreg:$0x3];
	s6 =	sshrl.u32 s6, $0x2;
	s5 =	sor.u32 s0, s5  }
0x6: {  	v0 =	vimm.s32 $0xFEDCBA98;
	s8 =	simm.s32 $0x0;
	v2 =	vimm.s32 $0x76543210;
	s6 =	smul.u32 $0x2400, s6;
	s7 =	sshll.u32 s5, $0x7  }
0x7: {  	v4 =	vimm.s32 $0xBA987654;
	v5 =	vimm.s32 $0x10FEDCBA;
	s15 =	simm.s32 $0x100;
	s0 =	ssub.s32 $0x2, s0;
	s7 =	sand.u32 $0x380, s7  }
0x8: {  	v6 =	vimm.s32 $0x98765432;
	v7 =	vimm.s32 $0xFEDCBA9;
	s16 =	simm.s32 $0x400;
	v1 =	vunpack.c.l.s4.s8 v0;
	s25 =	sshrl.u32 s0, $0x1;
	s6 =	sor.u32 s6, s7  }
0x9: {  	v8 =	vimm.s32 $0x87654321;
	vm0 =	vcmask $0x300;
	[smem:$0x7FF] =	sst s8;
	s0 =	ssub.s32 s0, s25;
	s6 =	sshrl.u32 s6, $0x3  }
0xa: {  	v2 =	vunpack.c.l.s4.s8 v2;
	v3 =	vunpack.c.0.s8.s32 v1;
	v1 =	vimm.s32 $0x3210FEDC;
	s0 =	smax.u32 s0, $0x1;
	s3 =	sadd.s32 s6, s3;
	s6 =	sshll.u32 s5, $0x10  }
0xb: {  	v4 =	vunpack.c.l.s4.s8 v4;
	v5 =	vunpack.c.l.s4.s8 v5;
	_ =	strace $0x80000047;
	v1 =	vunpack.c.l.s4.s8 v1;
	[dreg:$0xd] =	wrdreg s0;
	s5 =	sadd.s32 s1, s6  }
0xc: {  	s19 =	simm.s32 $0x2000;
	v6 =	vunpack.c.l.s4.s8 v6;
	v7 =	vunpack.c.l.s4.s8 v7;
	v8 =	vunpack.c.l.s4.s8 v8;
	s26 =	sadd.s32 s2, s6;
	[dreg:$0x6] =	wrdreg s5  }
0xd: {  	s20 =	simm.s32 $0x6000;
	v4 =	vunpack.c.0.s8.s32 v4;
	v5 =	vunpack.c.0.s8.s32 v5;
	v9 =	vunpack.c.0.s8.s32 v1;
	s29 =	sadd.s32 s4, s6;
	[dreg:$0x7] =	wrdreg s26  }
0xe: {  	v6 =	vunpack.c.0.s8.s32 v6;
	v7 =	vunpack.c.0.s8.s32 v7;
	v8 =	vunpack.c.0.s8.s32 v8;
	s28 =	sor.u32 $0x20, s6;
	s3 =	sadd.s32 $0x400, s3;
	[dreg:$0x8] =	wrdreg s29  }
0xf: {  	s21 =	simm.s32 $0xA000;
	v0 =	vimm.f32 $0.0e+00;
	v10 =	vunpack.c.0.s8.s32 v2;
	v2 =	vcombine.low v4, v9;
	s30 =	sadd.s32 s1, s28;
	[dreg:$0xc] =	wrdreg s3  }
0x10: {  	s22 =	simm.s32 $0x1;
	v9 =	vand.u32 $0xF, v3;
	v3 =	vcombine.low v6, v5;
	v4 =	vcombine.low v8, v7;
	s31 =	sadd.s32 s2, s28;
	[dreg:$0x9] =	wrdreg s30  }
0x11: {  	s23 =	simm.s32 $0xC000;
	v1 =	vimm.f32 $1.000000000e+00;
	v5 =	vlaneseq.u32;
	s5 =	sadd.s32 s4, s28;
	v6 =	vcombine.low v9, v10;
	[dreg:$0xa] =	wrdreg s31  }
0x12: {  	s24 =	simm.s32 $0x108D0;
	s25 =	simm.s32 $0x2;
	[dreg:$0xb] =	wrdreg s5;
	v7 =	vand.u32 $0xF, v2;
	v8 =	vand.u32 $0xF, v3;
	v9 =	vand.u32 $0xF, v4  }
.LBB2_1:
0x13: {  	[tilespmem:$0x10480] =	vst v0  }
0x14: {  	[tilespmem:$0x10490] =	vst v0  }
0x15: {  	[tilespmem:$0x104A0] =	vst v0  }
0x16: {  	[tilespmem:$0x104B0] =	vst v0  }
0x17: {  	[tilespmem:$0x104C0] =	vst v0  }
0x18: {  	[tilespmem:$0x104D0] =	vst v0  }
0x19: {  	[tilespmem:$0x104E0] =	vst v0  }
0x1a: {  	[tilespmem:$0x104F0] =	vst v0  }
0x1b: {  	[tilespmem:$0x10500] =	vst v0  }
0x1c: {  	[tilespmem:$0x10510] =	vst v0  }
0x1d: {  	[tilespmem:$0x10520] =	vst v0  }
0x1e: {  	[tilespmem:$0x10530] =	vst v0  }
0x1f: {  	[tilespmem:$0x10540] =	vst v0  }
0x20: {  	[tilespmem:$0x10550] =	vst v0  }
0x21: {  	[tilespmem:$0x10560] =	vst v0  }
0x22: {  	[tilespmem:$0x10570] =	vst v0  }
0x23: {  	[tilespmem:$0x10580] =	vst v0  }
0x24: {  	[tilespmem:$0x10590] =	vst v0  }
0x25: {  	[tilespmem:$0x105A0] =	vst v0  }
0x26: {  	[tilespmem:$0x105B0] =	vst v0  }
0x27: {  	[tilespmem:$0x105C0] =	vst v0  }
0x28: {  	[tilespmem:$0x105D0] =	vst v0  }
0x29: {  	[tilespmem:$0x105E0] =	vst v0  }
0x2a: {  	[tilespmem:$0x105F0] =	vst v0  }
0x2b: {  	[tilespmem:$0x10600] =	vst v0  }
0x2c: {  	[tilespmem:$0x10610] =	vst v0  }
0x2d: {  	[tilespmem:$0x10620] =	vst v0  }
0x2e: {  	[tilespmem:$0x10630] =	vst v0  }
0x2f: {  	[tilespmem:$0x10640] =	vst v0  }
0x30: {  	[tilespmem:$0x10650] =	vst v0  }
0x31: {  	[tilespmem:$0x10660] =	vst v0  }
0x32: {  	[tilespmem:$0x10670] =	vst v0  }
0x33: {  	[tilespmem:$0x10680] =	vst v0  }
0x34: {  	[tilespmem:$0x10690] =	vst v0  }
0x35: {  	[tilespmem:$0x106A0] =	vst v0  }
0x36: {  	[tilespmem:$0x106B0] =	vst v0  }
0x37: {  	[tilespmem:$0x106C0] =	vst v0  }
0x38: {  	[tilespmem:$0x106D0] =	vst v0  }
0x39: {  	[tilespmem:$0x106E0] =	vst v0  }
0x3a: {  	[tilespmem:$0x106F0] =	vst v0  }
0x3b: {  	[tilespmem:$0x10700] =	vst v0  }
0x3c: {  	[tilespmem:$0x10710] =	vst v0  }
0x3d: {  	[tilespmem:$0x10720] =	vst v0  }
0x3e: {  	[tilespmem:$0x10730] =	vst v0  }
0x3f: {  	[tilespmem:$0x10740] =	vst v0  }
0x40: {  	[tilespmem:$0x10750] =	vst v0  }
0x41: {  	[tilespmem:$0x10760] =	vst v0  }
0x42: {  	[tilespmem:$0x10770] =	vst v0  }
0x43: {  	[tilespmem:$0x10780] =	vst v0  }
0x44: {  	[tilespmem:$0x10790] =	vst v0  }
0x45: {  	[tilespmem:$0x107A0] =	vst v0  }
0x46: {  	[tilespmem:$0x107B0] =	vst v0  }
0x47: {  	[tilespmem:$0x107C0] =	vst v0  }
0x48: {  	[tilespmem:$0x107D0] =	vst v0  }
0x49: {  	[tilespmem:$0x107E0] =	vst v0  }
0x4a: {  	[tilespmem:$0x107F0] =	vst v0  }
0x4b: {  	[tilespmem:$0x10800] =	vst v0  }
0x4c: {  	[tilespmem:$0x10810] =	vst v0  }
0x4d: {  	[tilespmem:$0x10820] =	vst v0  }
0x4e: {  	[tilespmem:$0x10830] =	vst v0  }
0x4f: {  	[tilespmem:$0x10840] =	vst v0  }
0x50: {  	[tilespmem:$0x10850] =	vst v0  }
0x51: {  	[tilespmem:$0x10860] =	vst v0  }
0x52: {  	[tilespmem:$0x10870] =	vst v0  }
0x53: {  	[tilespmem:$0x10880] =	vst v0  }
0x54: {  	[tilespmem:$0x10890] =	vst v0  }
0x55: {  	[tilespmem:$0x108A0] =	vst v0  }
0x56: {  	[tilespmem:$0x108B0] =	vst v0  }
0x57: {  	[tilespmem:$0x108C0] =	vst v0  }
0x58: {  	[tilespmem:$0x108D0] =	vst v0  }
0x59: {  	[tilespmem:$0x108E0] =	vst v0;
	s0 =	simm.s32 $0xC040  }
0x5a: {  	[tilespmem:s0+$0xFFFFFFC0] =	vst v0  }
0x5b: {  	[tilespmem:s0+$0x30] =	vst v0  }
0x5c: {  	[tilespmem:s0+$0x20] =	vst v0  }
0x5d: {  	[tilespmem:s0+$0x10] =	vst v0  }
0x5e: {  	[tilespmem:s0+$0x0] =	vst v0  }
0x5f: {  	[tilespmem:s0+$0xFFFFFFF0] =	vst v0  }
0x60: {  	s3 =	simm.s32 $0x0;
	[tilespmem:s0+$0xFFFFFFE0] =	vst v0  }
.LBB2_2:
0x61: {  	s3 =	sadd.s32 $0x8, s3;
	[tilespmem:s0+$0xFFFFFFD0] =	vst v0;
	s0 =	sadd.s32 $0x80, s0  }
0x62: {  	[tilespmem:s0+$0xFFFFFFC0] =	vst v0;
	p0 =	slt.u32 s3, $0x438  }
0x63: {  	[tilespmem:s0+$0x30] =	vst v0  }
.Ltmp0:
0x64: {  	[tilespmem:s0+$0x20] =	vst v0;
	(pc) =	sbr.rel @p0 .LBB2_2-.Ltmp0, $4  }
0x65: {  	[tilespmem:s0+$0x10] =	vst v0  }
0x66: {  	[tilespmem:s0+$0x0] =	vst v0  }
0x67: {  	[tilespmem:s0+$0xFFFFFFF0] =	vst v0  }
0x68: {  	[tilespmem:s0+$0xFFFFFFE0] =	vst v0  }
0x69: {  	[dreg:$0x5] =	wrdreg s8  }
0x6a: {  	[tilespmem:s0+$0xFFFFFFD0] =	vst v0  }
0x6b: {  	s31 =	simm.s32 $0x0;
	[tilespmem:$0x10400] =	vst v0;
	s0 =	rddreg [dreg:$0x6]  }
0x6c: {  	[tilespmem:s31], [sflag:$0x1] =	stream.strided.gather [hbm4b:s0+s15], $0x2000, s16, s15, $0x38;
	[tilespmem:$0x12980] =	vst v63  }
0x6d: {  	s3 =	simm.s32 $0x4000;
	s17 =	rddreg [dreg:$0x7]  }
0x6e: {  	[tilespmem:s3], [sflag:$0x1] =	stream.strided.gather [hbm4b:s17+s15], $0x2000, s16, s15, $0x38;
	[tilespmem:$0x12980] =	vst v63  }
0x6f: {  	s26 =	simm.s32 $0x8000;
	s18 =	rddreg [dreg:$0x8]  }
0x70: {  	[tilespmem:s26], [sflag:$0x1] =	stream.strided.gather [hbm4b:s18+s15], $0x2000, s16, s15, $0x38;
	[tilespmem:$0x12980] =	vst v63  }
0x71: {  	s28 =	rddreg [dreg:$0x9]  }
0x72: {  	[tilespmem:s19], [sflag:$0x2] =	stream.strided.gather [hbm4b:s28+s15], $0x2000, s16, s15, $0x38;
	[tilespmem:$0x12980] =	vst v63  }
0x73: {  	s29 =	rddreg [dreg:$0xa]  }
0x74: {  	[tilespmem:s20], [sflag:$0x2] =	stream.strided.gather [hbm4b:s29+s15], $0x2000, s16, s15, $0x38;
	[tilespmem:$0x12980] =	vst v63  }
0x75: {  	s30 =	rddreg [dreg:$0xb];
	s0 =	simm.s32 $0x0;
	s3 =	simm.s32 $0x0  }
0x76: {  	[tilespmem:s21], [sflag:$0x2] =	stream.strided.gather [hbm4b:s30+s15], $0x2000, s16, s15, $0x38;
	[tilespmem:$0x12980] =	vst v63  }
.LBB2_4:
0x77: {  	_ =	swait.ge [sflag:s22], $0x2000  }
0x78: {  	[sflag:s22] =	ssyncset.done $0x0  }
0x79: {  	[sflag:s22] =	ssyncadd.s32 $0xFFFFE000  }
0x7a: {  	_ =	swait.ge [sflag:s22], $0x2000  }
0x7b: {  	[sflag:s22] =	ssyncset.done $0x0  }
0x7c: {  	[sflag:s22] =	ssyncadd.s32 $0xFFFFE000  }
0x7d: {  	_ =	swait.ge [sflag:s22], $0x2000  }
0x7e: {  	s5 =	sand.u32 $0x1F00, s31;
	s7 =	sand.u32 $0x80, s31;
	[sflag:s22] =	ssyncset.done $0x0  }
0x7f: {  	s5 =	sor.u32 s7, s5;
	[sflag:s22] =	ssyncadd.s32 $0xFFFFE000  }
0x80: {  	v10 =	vld [tilespmem:s5+$0x4060]  }
0x81: {  	v11 =	vld [tilespmem:s5+$0x60]  }
0x82: {  	v12 =	vld [tilespmem:s5+$0x30]  }
0x83: {  	v13 =	vld [tilespmem:s5+$0x4050]  }
0x84: {  	v14 =	vld [tilespmem:s5+$0x4070]  }
0x85: {  	v15 =	vld [tilespmem:s5+$0x50]  }
0x86: {  	v16 =	vld [tilespmem:s5+$0x70]  }
0x87: {  	v17 =	vld [tilespmem:s5+$0x40]  }
0x88: {  	v18 =	vld [tilespmem:s5+$0x4040]  }
0x89: {  	v19 =	vld [tilespmem:s5+$0x4000]  }
0x8a: {  	v20 =	vld [tilespmem:s5+$0x8020]  }
0x8b: {  	v22 =	vld [tilespmem:s5+$0x4030]  }
0x8c: {  	v24 =	vld [tilespmem:s5+$0x8050]  }
0x8d: {  	v21 =	vld [tilespmem:s5+$0x0]  }
0x8e: {  	v23 =	vld [tilespmem:s5+$0x8000]  }
0x8f: {  	v17 =	vsub.f32 v17, v18;
	v14 =	vsub.f32 v16, v14;
	v16 =	vld [tilespmem:s5+$0x8040]  }
0x90: {  	v11 =	vsub.f32 v11, v10;
	v13 =	vsub.f32 v15, v13;
	v15 =	vld [tilespmem:s5+$0x8030]  }
0x91: {  	v12 =	vsub.f32 v12, v22;
	v27 =	vsub.f32 $1.000000000e+00, v24;
	v10 =	vand.u32 $0x7FFFFFFF, v17;
	v17 =	vld [tilespmem:s5+$0x8070]  }
0x92: {  	v14 =	vand.u32 $0x7FFFFFFF, v14;
	v36 =	vand.u32 $0x7FFFFFFF, v13;
	v13 =	vld [tilespmem:s5+$0x4010];
	v10 =	vsub.f32 $1.000000000e+00, v10  }
0x93: {  	v19 =	vsub.f32 v21, v19;
	v25 =	vand.u32 $0x7FFFFFFF, v11;
	v11 =	vsub.f32 $1.000000000e+00, v14;
	v14 =	vld [tilespmem:s5+$0x10]  }
0x94: {  	v22 =	vsub.f32 $1.000000000e+00, v20;
	v12 =	vand.u32 $0x7FFFFFFF, v12;
	v24 =	vmul.f32 $3.200000000e+01, v10  }
0x95: {  	v26 =	vld [tilespmem:s5+$0x20];
	v28 =	vmul.f32 $3.200000000e+01, v11;
	v18 =	vsub.f32 $1.000000000e+00, v16;
	v15 =	vsub.f32 $1.000000000e+00, v15  }
0x96: {  	v20 =	vld [tilespmem:s5+$0x4020];
	v16 =	vmul.f32 $3.200000000e+01, v22;
	v21 =	vtrunc.f32 v24;
	v24 =	vsub.f32 $1.000000000e+00, v17  }
0x97: {  	v17 =	vsub.f32 $1.000000000e+00, v23;
	v23 =	vand.u32 $0x7FFFFFFF, v19;
	vm4 =	vgt.f32 v15, $8.000000110e-01  }
0x98: {  	v19 =	vcvt.f32.s32 v21;
	v21 =	vsub.f32 v14, v13;
	v14 =	vsub.f32 $1.000000000e+00, v12  }
0x99: {  	v12 =	vmul.f32 $3.200000000e+01, v15;
	v13 =	vsub.f32 $1.000000000e+00, v23;
	v23 =	vtrunc.f32 v28  }
0x9a: {  	v35 =	vmpcnt.ones.xlane vm4;
	vm1 =	vgt.f32 v17, $8.000000110e-01;
	v17 =	vmul.f32 $3.200000000e+01, v17  }
0x9b: {  	v26 =	vsub.f32 v26, v20;
	v28 =	vcvt.f32.s32 v23;
	v20 =	vmpcnt.ones.xlane vm1  }
0x9c: {  	v32 =	vld [tilespmem:s5+$0x8010];
	v30 =	vmul.u32 $0x21, v19;
	v19 =	vmul.f32 $3.200000000e+01, v27;
	v29 =	vmul.f32 $3.200000000e+01, v14  }
0x9d: {  	v33 =	vld [tilespmem:s5+$0x8060];
	v31 =	vtrunc.f32 v12;
	v12 =	vand.u32 $0x7FFFFFFF, v21;
	(v2sf) =	vpush v20, $0x0  }
0x9e: {  	v21 =	vmul.f32 $3.200000000e+01, v18;
	vm3 =	vmmov vm1;
	v17 =	vtrunc.f32 v17  }
0x9f: {  	vm1 =	vgt.f32 v27, $8.000000110e-01;
	v23 =	vcvt.f32.s32 v17;
	v17 =	vtrunc.f32 v29  }
0xa0: {  	v12 =	vsub.f32 $1.000000000e+00, v12;
	v34 =	vcvt.f32.s32 v31;
	v17 =	vcvt.f32.s32 v17  }
0xa1: {  	v31 =	vmul.f32 $3.200000000e+01, v24;
	v15 =	vtrunc.f32 v21;
	v21 =	vsub.f32 $1.000000000e+00, v32  }
0xa2: {  	v29 =	vsub.f32 $1.000000000e+00, v33;
	v20 =	vmul.f32 $3.200000000e+01, v12;
	v27 =	vmul.u32 $0x21, v17  }
0xa3: {  	v15 =	vcvt.f32.s32 v15;
	vm2 =	vgt.f32 v21, $8.000000110e-01;
	v17 =	vsub.f32 $1.000000000e+00, v25  }
0xa4: {  	v32 =	vmul.f32 $3.200000000e+01, v29;
	v20 =	vtrunc.f32 v20;
	v25 =	vadd.s32 v34, v27  }
0xa5: {  	s9 =	simm.s32 $0x100;
	s10 =	simm.s32 $0x4;
	v30 =	vadd.s32 v15, v30;
	v34 =	vmul.f32 $3.200000000e+01, v17;
	v15 =	vshll.u32 v25, $0x4  }
0xa6: {  	s11 =	simm.s32 $0x0;
	s8 =	simm.s32 $0x0;
	s7 =	simm.s32 $0x0;
	v33 =	vmpcnt.ones.xlane vm2;
	v27 =	vor.u32 v5, v15;
	v15 =	vsub.f32 $1.000000000e+00, v36  }
.LBB2_5:
0xa7: {  	s5 =	sand.u32 $0x1F00, s9;
	s12 =	sand.u32 $0x80, s10;
	s7 =	sadd.s32 $0x8, s7;
	v25 =	vtrunc.f32 v34;
	v31 =	vtrunc.f32 v31;
	(v2sf) =	vpush v35, $0x0  }
0xa8: {  	vm6 =	vgt.f32 v24, $8.000000110e-01;
	s12 =	sor.u32 s12, s5;
	p0 =	slt.u32 s7, $0x1F8;
	v25 =	vcvt.f32.s32 v25;
	v31 =	vcvt.f32.s32 v31  }
0xa9: {  	v26 =	vand.u32 $0x7FFFFFFF, v26;
	v32 =	vtrunc.f32 v32;
	v34 =	vmpcnt.ones.xlane vm6;
	v24 =	vld [tilespmem:s12+$0x4060]  }
0xaa: {  	v36 =	vmul.f32 $3.200000000e+01, v13;
	vm5 =	vgt.f32 v22, $8.000000110e-01;
	v22 =	vmul.f32 $3.200000000e+01, v15;
	v35 =	vld [tilespmem:s12+$0x60]  }
0xab: {  	v30 =	vshll.u32 v30, $0x4;
	v28 =	vmul.u32 $0x21, v28;
	v37 =	vld [tilespmem:s12+$0x30];
	(v2sf) =	vpush v34, $0x0  }
0xac: {  	v38 =	vmpcnt.ones.xlane vm5;
	v36 =	vtrunc.f32 v36;
	v34 =	vld [tilespmem:s12+$0x4050];
	s5 =	spop (v2sf);
	(v2sf) =	vpush v33, $0x0  }
0xad: {  	vm7 =	vgt.f32 v18, $8.000000110e-01;
	v36 =	vcvt.f32.s32 v36;
	v18 =	vtrunc.f32 v22;
	v33 =	vld [tilespmem:s12+$0x4070]  }
0xae: {  	v30 =	vor.u32 v5, v30;
	v39 =	vmpcnt.ones.xlane vm7;
	v22 =	vld [tilespmem:s12+$0x50];
	(v2sf) =	vpush v38, $0x0  }
0xaf: {  	v40 =	vmpcnt.ones.xlane vm1;
	vm8 =	vgt.f32 v29, $8.000000110e-01;
	v36 =	vmul.u32 $0x21, v36;
	v38 =	vld [tilespmem:s12+$0x70]  }
0xb0: {  	v19 =	vtrunc.f32 v19;
	[tilespmem:v27+s23+$0x0] =	vst.idx.add.f32.msk $0xffff, v1;
	v27 =	vmpcnt.ones.xlane vm8;
	(v2sf) =	vpush v39, $0x0  }
0xb1: {  	v28 =	vadd.s32 v31, v28;
	v23 =	vadd.s32 v23, v36;
	v29 =	vld [tilespmem:s12+$0x20];
	(v2sf) =	vpush v40, $0x0  }
0xb2: {  	v26 =	vsub.f32 $1.000000000e+00, v26;
	v23 =	vshll.u32 v23, $0x4;
	v31 =	vld [tilespmem:s12+$0x40];
	(v2sf) =	vpush v27, $0x0  }
0xb3: {  	v25 =	vmul.u32 $0x21, v25;
	v23 =	vor.u32 v5, v23;
	v27 =	vcvt.f32.s32 v32;
	v36 =	vld [tilespmem:s12+$0x4040]  }
0xb4: {  	v24 =	vsub.f32 v35, v24;
	v35 =	vmul.f32 $3.200000000e+01, v26;
	v32 =	vld [tilespmem:s12+$0x4000];
	v33 =	vsub.f32 v38, v33  }
0xb5: {  	v28 =	vshll.u32 v28, $0x4;
	v22 =	vsub.f32 v22, v34;
	v25 =	vadd.s32 v27, v25;
	v38 =	vld [tilespmem:s12+$0x8020]  }
0xb6: {  	v27 =	vand.u32 $0x7FFFFFFF, v24;
	v24 =	vand.u32 $0x7FFFFFFF, v33;
	v33 =	vtrunc.f32 v35;
	[tilespmem:v30+s23+$0x0] =	vst.idx.add.f32.msk $0xffff, v1;
	s13 =	spop (v2sf)  }
0xb7: {  	v30 =	vld [tilespmem:s12+$0x0];
	v34 =	vsub.f32 $1.000000000e+00, v24;
	v24 =	vcvt.f32.s32 v33;
	v33 =	vshll.u32 v25, $0x4  }
0xb8: {  	v21 =	vmul.f32 $3.200000000e+01, v21;
	v16 =	vtrunc.f32 v16;
	v25 =	vand.u32 $0x7FFFFFFF, v22;
	v35 =	vld [tilespmem:s12+$0x4030]  }
0xb9: {  	v16 =	vcvt.f32.s32 v16;
	v39 =	vld [tilespmem:s12+$0x8000];
	v22 =	vmul.u32 $0x21, v24;
	v24 =	vor.u32 v5, v33  }
0xba: {  	v20 =	vcvt.f32.s32 v20;
	v21 =	vtrunc.f32 v21;
	v33 =	vld [tilespmem:s12+$0x8050];
	s14 =	spop (v2sf)  }
0xbb: {  	v31 =	vsub.f32 v31, v36;
	v40 =	vld [tilespmem:s12+$0x8040];
	v16 =	vadd.s32 v16, v22;
	v22 =	vor.u32 v5, v28;
	s17 =	spop (v2sf)  }
0xbc: {  	v21 =	vcvt.f32.s32 v21;
	s5 =	sadd.s32 s11, s5;
	v36 =	vmul.f32 $3.200000000e+01, v34;
	v28 =	vld [tilespmem:s12+$0x8030];
	v16 =	vshll.u32 v16, $0x4  }
0xbd: {  	v19 =	vcvt.f32.s32 v19;
	v18 =	vcvt.f32.s32 v18;
	v31 =	vand.u32 $0x7FFFFFFF, v31;
	s17 =	sadd.s32 s5, s17;
	v41 =	vld [tilespmem:s12+$0x8070];
	s11 =	spop (v2sf)  }
0xbe: {  	v20 =	vmul.u32 $0x21, v20;
	v31 =	vsub.f32 $1.000000000e+00, v31;
	v43 =	vor.u32 v5, v16;
	v42 =	vld [tilespmem:s12+$0x4010];
	s11 =	sadd.s32 s17, s11  }
0xbf: {  	v35 =	vsub.f32 v37, v35;
	v44 =	vld [tilespmem:s12+$0x10];
	v33 =	vsub.f32 $1.000000000e+00, v33;
	[tilespmem:s11+$0x10900] =	vst.msk vm4, v14;
	s18 =	sadd.s32 s11, s13;
	v14 =	vmul.u32 $0x21, v18;
	s11 =	spop (v2sf)  }
0xc0: {  	v30 =	vsub.f32 v30, v32;
	v16 =	vmul.f32 $3.200000000e+01, v31;
	v18 =	vsub.f32 $1.000000000e+00, v40;
	s13 =	sadd.s32 s18, s11;
	[tilespmem:v22+s23+$0x0] =	vst.idx.add.f32.msk $0xffff, v1;
	s11 =	spop (v2sf)  }
0xc1: {  	v20 =	vadd.s32 v21, v20;
	v22 =	vsub.f32 $1.000000000e+00, v38;
	v32 =	vsub.f32 $1.000000000e+00, v28;
	s11 =	sadd.s32 s13, s11;
	[tilespmem:v24+s23+$0x0] =	vst.idx.add.f32.msk $0xffff, v1;
	s26 =	spop (v2sf)  }
0xc2: {  	v28 =	vtrunc.f32 v16;
	v14 =	vadd.s32 v19, v14;
	v21 =	vld [tilespmem:s12+$0x4020];
	v24 =	vsub.f32 $1.000000000e+00, v41;
	[tilespmem:s11+$0x10900] =	vst.msk vm8, v17;
	s11 =	sadd.s32 s11, s26  }
0xc3: {  	v17 =	vsub.f32 $1.000000000e+00, v39;
	v16 =	vmul.f32 $3.200000000e+01, v22;
	v37 =	vshll.u32 v14, $0x4;
	[tilespmem:s11+$0x10900] =	vst.msk vm6, v11;
	s11 =	sadd.s32 s11, s14;
	v11 =	vmovc v34  }
0xc4: {  	v30 =	vand.u32 $0x7FFFFFFF, v30;
	v14 =	vand.u32 $0x7FFFFFFF, v35;
	v19 =	vcvt.f32.s32 v28;
	[tilespmem:s18+$0x10900] =	vst.msk vm7, v10;
	v10 =	vmovc v31  }
0xc5: {  	v14 =	vsub.f32 $1.000000000e+00, v14;
	vm4 =	vgt.f32 v17, $8.000000110e-01;
	v28 =	vsub.f32 v44, v42;
	[tilespmem:v43+s23+$0x0] =	vst.idx.add.f32.msk $0xffff, v1  }
0xc6: {  	v17 =	vmul.f32 $3.200000000e+01, v17;
	v31 =	vmul.f32 $3.200000000e+01, v32;
	v34 =	vmul.u32 $0x21, v19;
	[tilespmem:s17+$0x10900] =	vst.msk vm5, v26  }
0xc7: {  	v19 =	vmul.f32 $3.200000000e+01, v33;
	v26 =	vsub.f32 v29, v21;
	[tilespmem:v23+s23+$0x0] =	vst.idx.add.f32.msk $0xffff, v1;
	v21 =	vor.u32 v5, v37  }
0xc8: {  	v20 =	vshll.u32 v20, $0x4;
	v23 =	vmpcnt.ones.xlane vm4;
	[tilespmem:s8+$0x10900] =	vst.msk vm3, v13;
	v13 =	vsub.f32 $1.000000000e+00, v30;
	s8 =	smov.u32 s11  }
0xc9: {  	v28 =	vand.u32 $0x7FFFFFFF, v28;
	v29 =	vmul.f32 $3.200000000e+01, v14;
	v30 =	vtrunc.f32 v31  }
0xca: {  	v37 =	vsub.f32 $1.000000000e+00, v28;
	v28 =	vtrunc.f32 v36;
	v31 =	vmul.f32 $3.200000000e+01, v18;
	v38 =	vld [tilespmem:s12+$0x8060]  }
0xcb: {  	v17 =	vtrunc.f32 v17;
	v28 =	vcvt.f32.s32 v28;
	v35 =	vld [tilespmem:s12+$0x8010];
	(v2sf) =	vpush v23, $0x0  }
0xcc: {  	v36 =	vor.u32 v5, v20;
	v23 =	vcvt.f32.s32 v17;
	v17 =	vtrunc.f32 v29;
	[tilespmem:v21+s23+$0x0] =	vst.idx.add.f32.msk $0xffff, v1  }
0xcd: {  	vm3 =	vmmov vm4;
	v20 =	vmul.f32 $3.200000000e+01, v37;
	v30 =	vcvt.f32.s32 v30;
	[tilespmem:s13+$0x10900] =	vst.msk vm1, v15  }
0xce: {  	vm4 =	vgt.f32 v32, $8.000000110e-01;
	v15 =	vcvt.f32.s32 v17;
	v17 =	vtrunc.f32 v31  }
0xcf: {  	vm1 =	vgt.f32 v33, $8.000000110e-01;
	v31 =	vmul.f32 $3.200000000e+01, v24;
	v32 =	vcvt.f32.s32 v17  }
.Ltmp1:
0xd0: {  	v17 =	vsub.f32 $1.000000000e+00, v27;
	v15 =	vmul.u32 $0x21, v15;
	v21 =	vsub.f32 $1.000000000e+00, v35;
	(pc) =	sbr.rel @p0 .LBB2_5-.Ltmp1, $4  }
0xd1: {  	v20 =	vtrunc.f32 v20;
	v29 =	vsub.f32 $1.000000000e+00, v38;
	v35 =	vmpcnt.ones.xlane vm4;
	[tilespmem:v36+s23+$0x0] =	vst.idx.add.f32.msk $0xffff, v1  }
0xd2: {  	v15 =	vadd.s32 v30, v15;
	v30 =	vadd.s32 v32, v34;
	v34 =	vmul.f32 $3.200000000e+01, v17;
	[tilespmem:s5+$0x10900] =	vst.msk vm2, v12;
	v12 =	vmovc v37  }
0xd3: {  	v32 =	vmul.f32 $3.200000000e+01, v29;
	vm2 =	vgt.f32 v21, $8.000000110e-01;
	v15 =	vshll.u32 v15, $0x4  }
0xd4: {  	s9 =	sadd.s32 $0x100, s9;
	s10 =	sadd.s32 $0x4, s10;
	v33 =	vmpcnt.ones.xlane vm2;
	v27 =	vor.u32 v5, v15;
	v15 =	vsub.f32 $1.000000000e+00, v25  }
0xd5: {  	vm6 =	vgt.f32 v24, $8.000000110e-01  }
0xd6: {  	v24 =	vmpcnt.ones.xlane vm6  }
0xd7: {  	(v2sf) =	vpush v35, $0x0;
	vm5 =	vgt.f32 v22, $8.000000110e-01  }
0xd8: {  	v22 =	vmpcnt.ones.xlane vm5;
	(v2sf) =	vpush v24, $0x0  }
0xd9: {  	vm7 =	vgt.f32 v18, $8.000000110e-01;
	(v2sf) =	vpush v33, $0x0  }
0xda: {  	v18 =	vmpcnt.ones.xlane vm7;
	(v2sf) =	vpush v22, $0x0  }
0xdb: {  	v48 =	vmpcnt.ones.xlane vm1;
	vm8 =	vgt.f32 v29, $8.000000110e-01  }
0xdc: {  	v49 =	vmpcnt.ones.xlane vm8;
	(v2sf) =	vpush v18, $0x0  }
0xdd: {  	v25 =	vmul.f32 $3.200000000e+01, v13;
	(v2sf) =	vpush v48, $0x0  }
0xde: {  	v50 =	vtrunc.f32 v34;
	(v2sf) =	vpush v49, $0x0  }
0xdf: {  	v51 =	vtrunc.f32 v31;
	v25 =	vtrunc.f32 v25  }
0xe0: {  	v52 =	vand.u32 $0x7FFFFFFF, v26;
	v53 =	vtrunc.f32 v32;
	v25 =	vcvt.f32.s32 v25  }
0xe1: {  	v30 =	vshll.u32 v30, $0x4;
	v28 =	vmul.u32 $0x21, v28;
	v22 =	vcvt.f32.s32 v51  }
0xe2: {  	v30 =	vor.u32 v5, v30;
	v25 =	vmul.u32 $0x21, v25;
	v18 =	vcvt.f32.s32 v50  }
0xe3: {  	v26 =	vcvt.f32.s32 v53;
	v24 =	vsub.f32 $1.000000000e+00, v52;
	v22 =	vadd.s32 v22, v28  }
0xe4: {  	v23 =	vadd.s32 v23, v25;
	v18 =	vmul.u32 $0x21, v18;
	v22 =	vshll.u32 v22, $0x4  }
0xe5: {  	s5 =	spop (v2sf);
	v23 =	vshll.u32 v23, $0x4;
	v22 =	vor.u32 v5, v22  }
0xe6: {  	v55 =	vmul.f32 $3.200000000e+01, v24;
	v62 =	vor.u32 v5, v23;
	v18 =	vadd.s32 v26, v18;
	s7 =	spop (v2sf)  }
0xe7: {  	v18 =	vshll.u32 v18, $0x4;
	s9 =	spop (v2sf)  }
0xe8: {  	[tilespmem:v27+s23+$0x0] =	vst.idx.add.f32.msk $0xffff, v1;
	v54 =	vmul.f32 $3.200000000e+01, v15;
	s5 =	sadd.s32 s11, s5;
	v56 =	vtrunc.f32 v55;
	v18 =	vor.u32 v5, v18;
	s10 =	spop (v2sf)  }
0xe9: {  	v16 =	vtrunc.f32 v16;
	[tilespmem:v30+s23+$0x0] =	vst.idx.add.f32.msk $0xffff, v1;
	v57 =	vcvt.f32.s32 v56;
	s10 =	sadd.s32 s5, s10;
	s29 =	spop (v2sf)  }
0xea: {  	v19 =	vtrunc.f32 v19;
	v58 =	vtrunc.f32 v54;
	[tilespmem:v22+s23+$0x0] =	vst.idx.add.f32.msk $0xffff, v1;
	s11 =	sadd.s32 s10, s29  }
0xeb: {  	v16 =	vcvt.f32.s32 v16;
	v59 =	vcvt.f32.s32 v58;
	v26 =	vmul.u32 $0x21, v57;
	[tilespmem:v62+s23+$0x0] =	vst.idx.add.f32.msk $0xffff, v1;
	s30 =	spop (v2sf);
	s7 =	sadd.s32 s11, s7  }
0xec: {  	v21 =	vmul.f32 $3.200000000e+01, v21;
	v20 =	vcvt.f32.s32 v20;
	[tilespmem:s11+$0x10900] =	vst.msk vm4, v14;
	s12 =	spop (v2sf);
	s11 =	sadd.s32 s7, s30  }
0xed: {  	v60 =	vcvt.f32.s32 v19;
	v61 =	vmul.u32 $0x21, v59;
	v16 =	vadd.s32 v16, v26;
	[tilespmem:v18+s23+$0x0] =	vst.idx.add.f32.msk $0xffff, v1;
	s13 =	spop (v2sf);
	s12 =	sadd.s32 s11, s12  }
0xee: {  	v21 =	vtrunc.f32 v21;
	v20 =	vmul.u32 $0x21, v20;
	v16 =	vshll.u32 v16, $0x4;
	[tilespmem:s12+$0x10900] =	vst.msk vm8, v17;
	s12 =	sadd.s32 s12, s13  }
0xef: {  	v63 =	vcvt.f32.s32 v21;
	v16 =	vor.u32 v5, v16;
	v14 =	vadd.s32 v60, v61;
	[tilespmem:s7+$0x10900] =	vst.msk vm7, v10;
	s7 =	sadd.s32 s12, s9  }
0xf0: {  	[tilespmem:s8+$0x10900] =	vst.msk vm3, v13;
	v14 =	vshll.u32 v14, $0x4;
	s9 =	sadd.s32 $0xF, s7  }
0xf1: {  	v10 =	vor.u32 v5, v14;
	[tilespmem:s12+$0x10900] =	vst.msk vm6, v11;
	v11 =	vadd.s32 v63, v20;
	s8 =	sshra.s32 s9, $0x4  }
0xf2: {  	v11 =	vshll.u32 v11, $0x4;
	s9 =	sshrl.u32 s8, $0x1E  }
0xf3: {  	v11 =	vor.u32 v5, v11;
	s9 =	sadd.s32 s9, s8  }
0xf4: {  	[tilespmem:v16+s23+$0x0] =	vst.idx.add.f32.msk $0xffff, v1;
	s9 =	sand.u32 $0xFFFFFFFC, s9  }
0xf5: {  	[tilespmem:s10+$0x10900] =	vst.msk vm5, v24;
	p0 =	slt.s32 s9, $0x1  }
.Ltmp2:
0xf6: {  	[tilespmem:v10+s23+$0x0] =	vst.idx.add.f32.msk $0xffff, v1;
	(pc) =	sbr.rel @p0 .LBB2_9-.Ltmp2, $4  }
0xf7: {  	[tilespmem:s11+$0x10900] =	vst.msk vm1, v15  }
0xf8: {  	[tilespmem:v11+s23+$0x0] =	vst.idx.add.f32.msk $0xffff, v1  }
0xf9: {  	[tilespmem:s5+$0x10900] =	vst.msk vm2, v12  }
0xfa: {  	[tilespmem:s7+$0x10900] =	vst v1  }
0xfb: {  	s5 =	simm.s32 $0x10920  }
0xfc: {  	v10 =	vld [tilespmem:s5+$0xFFFFFFF0]  }
0xfd: {  	v11 =	vld [tilespmem:s5+$0x0];
	_ =	sdelay $0x3  }
0xfe: {  	v10 =	vmax.f32 v10, $9.999999930e-09  }
0xff: {  	v24 =	vmin.f32 v10, $1.000000000e+00;
	v10 =	vmax.f32 v11, $9.999999930e-09  }
0x100: {  	v13 =	vadd.f32 $9.999999930e-09, v24;
	v10 =	vmin.f32 v10, $1.000000000e+00  }
0x101: {  	v16 =	vadd.f32 $9.999999930e-09, v10  }
0x102: {  	v11 =	vand.u32 $0x7FFFFF, v13  }
0x103: {  	v15 =	vor.u32 $0x3F800000, v11;
	v11 =	vand.u32 $0x7FFFFF, v16  }
0x104: {  	v18 =	vld [tilespmem:s5+$0xFFFFFFE0];
	v12 =	vadd.f32 $1.000000000e+00, v15;
	v17 =	vor.u32 $0x3F800000, v11  }
0x105: {  	v11 =	vld [tilespmem:s5+$0x10];
	v14 =	vadd.f32 $1.000000000e+00, v17  }
0x106: {  	(erf) = vrcp.f32 v12  }
0x107: {  	(erf) = vrcp.f32 v14;
	_ =	sdelay $0x1  }
0x108: {  	v12 =	vmax.f32 v18, $9.999999930e-09  }
0x109: {  	v12 =	vmin.f32 v12, $1.000000000e+00;
	v11 =	vmax.f32 v11, $9.999999930e-09  }
0x10a: {  	v27 =	vadd.f32 $9.999999930e-09, v12;
	v11 =	vmin.f32 v11, $1.000000000e+00  }
0x10b: {  	v14 =	vadd.f32 $9.999999930e-09, v11  }
0x10c: {  	v19 =	vand.u32 $0x7FFFFF, v27  }
0x10d: {  	v15 =	vadd.f32 $-1.000000000e+00, v15;
	v18 =	vand.u32 $0x7FFFFF, v14  }
0x10e: {  	p1 =	sgt.s32 s9, $0x4;
	v17 =	vadd.f32 $-1.000000000e+00, v17;
	v18 =	vor.u32 $0x3F800000, v18;
	v20 =	vpop (erf)  }
.Ltmp3:
0x10f: {  	v28 =	vor.u32 $0x3F800000, v19;
	v21 =	vadd.f32 $1.000000000e+00, v18;
	v15 =	vmul.f32 v20, v15;
	v19 =	vpop (erf);
	(pc) =	sbr.rel @!p1 .LBB2_8-.Ltmp3, $4  }
0x110: {  	v13 =	vshra.s32 v13, $0x17;
	v63 =	vadd.f32 $1.000000000e+00, v28;
	v25 =	vmul.f32 v19, v17  }
0x111: {  	(erf) = vrcp.f32 v21;
	v17 =	vadd.s32 $0xFFFFFF81, v13;
	v26 =	vmul.f32 v15, v15  }
0x112: {  	(erf) = vrcp.f32 v63;
	v30 =	vcvt.s32.f32 v17  }
0x113: {  	p0 =	por $0x0, $0x0;
	s5 =	simm.s32 $0x10960;
	v29 =	vadd.f32 $-1.000000000e+00, v18;
	v13 =	vmul.f32 v25, v25;
	v32 =	vmul.f32 $2.857142980e-01, v26  }
0x114: {  	_ = 	snop  }
0x115: {  	v17 =	vadd.f32 $4.000000060e-01, v32  }
0x116: {  	v18 =	vshra.s32 v27, $0x17;
	v16 =	vshra.s32 v16, $0x17;
	v23 =	vadd.f32 $-1.000000000e+00, v28  }
0x117: {  	v20 =	vld [tilespmem:s5+$0xFFFFFFF0];
	v14 =	vshra.s32 v14, $0x17;
	v18 =	vadd.s32 $0xFFFFFF81, v18;
	v17 =	vmul.f32 v17, v26  }
0x118: {  	v31 =	vld [tilespmem:s5+$0x10];
	v22 =	vmul.f32 $2.857142980e-01, v13;
	v16 =	vadd.s32 $0xFFFFFF81, v16;
	v28 =	vcvt.s32.f32 v18  }
0x119: {  	v21 =	vld [tilespmem:s5+$0x0];
	v14 =	vadd.s32 $0xFFFFFF81, v14;
	v16 =	vcvt.s32.f32 v16;
	v27 =	vadd.f32 $6.666666860e-01, v17  }
0x11a: {  	v14 =	vcvt.s32.f32 v14;
	v58 =	vmul.f32 $6.931471820e-01, v28;
	v19 =	vpop (erf)  }
0x11b: {  	v17 =	vmul.f32 v19, v29;
	v26 =	vmul.f32 v27, v26  }
0x11c: {  	v18 =	vpop (erf);
	v19 =	vmul.f32 $6.931471820e-01, v16;
	v16 =	vmax.f32 v20, $9.999999930e-09;
	v20 =	vmul.f32 $6.931471820e-01, v14  }
0x11d: {  	v14 =	vmax.f32 v31, $9.999999930e-09;
	v53 =	vmul.f32 v18, v23;
	v18 =	vmin.f32 v16, $1.000000000e+00  }
0x11e: {  	v23 =	vmul.f32 $6.931471820e-01, v30;
	v16 =	vmax.f32 v21, $9.999999930e-09;
	v30 =	vadd.f32 $9.999999930e-09, v18  }
0x11f: {  	v27 =	vadd.f32 $4.000000060e-01, v22;
	v21 =	vmin.f32 v16, $1.000000000e+00;
	v26 =	vadd.f32 $2.000000000e+00, v26  }
0x120: {  	v34 =	vld [tilespmem:s5+$0xFFFFFFE0];
	v33 =	vmul.f32 v17, v17;
	v16 =	vadd.f32 $9.999999930e-09, v21;
	v22 =	vand.u32 $0x7FFFFF, v30  }
0x121: {  	v29 =	vmul.f32 v53, v53;
	v15 =	vmul.f32 v26, v15;
	v35 =	vor.u32 $0x3F800000, v22  }
0x122: {  	v26 =	vmul.f32 $2.857142980e-01, v33;
	v22 =	vand.u32 $0x7FFFFF, v16;
	v36 =	vadd.f32 $1.000000000e+00, v35  }
0x123: {  	v31 =	vmul.f32 $2.857142980e-01, v29;
	v37 =	vor.u32 $0x3F800000, v22;
	v22 =	vmin.f32 v14, $1.000000000e+00  }
0x124: {  	v15 =	vadd.f32 v15, v23;
	v38 =	vadd.f32 $1.000000000e+00, v37;
	(erf) = vrcp.f32 v36  }
0x125: {  	v23 =	vmax.f32 v34, $9.999999930e-09;
	v26 =	vadd.f32 $4.000000060e-01, v26;
	v31 =	vadd.f32 $4.000000060e-01, v31  }
0x126: {  	v14 =	vadd.f32 $9.999999930e-09, v22;
	v24 =	vmul.f32 v15, v24;
	(erf) = vrcp.f32 v38  }
0x127: {  	v15 =	vmul.f32 v27, v13;
	v54 =	vmul.f32 v31, v29;
	v31 =	vmin.f32 v23, $1.000000000e+00  }
0x128: {  	v26 =	vmul.f32 v26, v33;
	v55 =	vand.u32 $0x7FFFFF, v14;
	v27 =	vadd.f32 $9.999999930e-09, v31  }
0x129: {  	v23 =	vor.u32 $0x3F800000, v55;
	v15 =	vadd.f32 $6.666666860e-01, v15;
	v56 =	vadd.f32 $6.666666860e-01, v54  }
0x12a: {  	v30 =	vshra.s32 v30, $0x17;
	v57 =	vadd.f32 $1.000000000e+00, v23;
	v28 =	vand.u32 $0x7FFFFF, v27  }
0x12b: {  	v59 =	vadd.f32 $6.666666860e-01, v26;
	v29 =	vmul.f32 v56, v29;
	v28 =	vor.u32 $0x3F800000, v28  }
0x12c: {  	v35 =	vadd.f32 $-1.000000000e+00, v35;
	(erf) = vrcp.f32 v57;
	v26 =	vadd.f32 $1.000000000e+00, v28  }
0x12d: {  	p1 =	sgt.s32 s9, $0x8;
	v13 =	vmul.f32 v15, v13;
	v63 =	vmul.f32 v59, v33;
	v61 =	vadd.f32 $2.000000000e+00, v29;
	v15 =	vpop (erf)  }
.Ltmp4:
0x12e: {  	v60 =	vadd.f32 $-1.000000000e+00, v37;
	(erf) = vrcp.f32 v26;
	v15 =	vmul.f32 v15, v35;
	(pc) =	sbr.rel @!p1 .LBB2_18-.Ltmp4, $4  }
0x12f: {  	v62 =	vadd.f32 $2.000000000e+00, v13;
	v29 =	vadd.f32 $-1.000000000e+00, v23;
	v32 =	vmul.f32 v61, v53;
	v23 =	vpop (erf)  }
0x130: {  	v30 =	vadd.s32 $0xFFFFFF81, v30;
	v23 =	vmul.f32 v23, v60;
	v26 =	vmul.f32 v15, v15  }
0x131: {  	v30 =	vcvt.s32.f32 v30;
	v33 =	vmul.f32 v62, v25;
	v34 =	vadd.f32 v32, v58  }
0x132: {  	s10 =	simm.s32 $0x8;
	s11 =	simm.s32 $0x109A0;
	p0 =	por $0x1, $0x1;
	[tilespmem:s24+$0x0] =	vst.add.f32.msk $0xffff, v24;
	v35 =	vadd.f32 $2.000000000e+00, v63;
	v13 =	vmul.f32 v23, v23;
	v32 =	vmul.f32 $2.857142980e-01, v26  }
.LBB2_19:
0x133: {  	v24 =	vld [tilespmem:s11+$0xFFFFFFF0];
	s10 =	sadd.s32 $0x4, s10;
	v25 =	vshra.s32 v27, $0x17;
	v16 =	vshra.s32 v16, $0x17;
	v27 =	vmul.f32 v34, v12;
	v12 =	vmovc v31  }
0x134: {  	v34 =	vmul.f32 $2.857142980e-01, v13;
	v19 =	vadd.f32 v33, v19;
	v31 =	vld [tilespmem:s11+$0x0];
	p1 =	slt.s32 s10, s9;
	v32 =	vadd.f32 $4.000000060e-01, v32  }
0x135: {  	v25 =	vadd.s32 $0xFFFFFF81, v25;
	v16 =	vadd.s32 $0xFFFFFF81, v16;
	v17 =	vmul.f32 v35, v17;
	v33 =	vpop (erf)  }
0x136: {  	v28 =	vadd.f32 $-1.000000000e+00, v28;
	v16 =	vcvt.s32.f32 v16;
	v32 =	vmul.f32 v32, v26;
	[tilespmem:s24+$0x0] =	vst.add.f32.msk $0xffff, v27  }
0x137: {  	v25 =	vcvt.s32.f32 v25;
	v19 =	vmul.f32 v19, v10;
	v20 =	vadd.f32 v17, v20;
	v27 =	vpop (erf)  }
0x138: {  	v10 =	vmovc v21;
	v17 =	vmul.f32 v33, v29;
	v35 =	vld [tilespmem:s11+$0x10];
	v36 =	vmul.f32 v27, v28;
	v27 =	vadd.f32 $6.666666860e-01, v32  }
0x139: {  	v14 =	vshra.s32 v14, $0x17;
	v28 =	vmul.f32 $6.931471820e-01, v30;
	v20 =	vmul.f32 v20, v11;
	v11 =	vmovc v22;
	[tilespmem:s24+$0x0] =	vst.add.f32.msk $0xffff, v19  }
0x13a: {  	v14 =	vadd.s32 $0xFFFFFF81, v14;
	v19 =	vmul.f32 $6.931471820e-01, v16;
	v22 =	vmul.f32 v27, v26  }
0x13b: {  	v14 =	vcvt.s32.f32 v14;
	v16 =	vmax.f32 v24, $9.999999930e-09;
	v24 =	vmul.f32 v36, v36;
	[tilespmem:s24+$0x0] =	vst.add.f32.msk $0xffff, v20  }
0x13c: {  	v26 =	vmin.f32 v16, $1.000000000e+00;
	v16 =	vmax.f32 v31, $9.999999930e-09  }
0x13d: {  	v29 =	vadd.f32 $9.999999930e-09, v26;
	v21 =	vmin.f32 v16, $1.000000000e+00;
	v20 =	vmul.f32 $6.931471820e-01, v14  }
0x13e: {  	v27 =	vadd.f32 $4.000000060e-01, v34;
	v16 =	vadd.f32 $9.999999930e-09, v21;
	v14 =	vmax.f32 v35, $9.999999930e-09  }
0x13f: {  	v32 =	vmul.f32 v17, v17;
	v31 =	vmul.f32 $2.857142980e-01, v24;
	v30 =	vand.u32 $0x7FFFFF, v29  }
0x140: {  	v35 =	vadd.f32 $2.000000000e+00, v22;
	v30 =	vor.u32 $0x3F800000, v30;
	v34 =	vand.u32 $0x7FFFFF, v16;
	v33 =	vld [tilespmem:s11+$0xFFFFFFE0]  }
0x141: {  	v22 =	vmin.f32 v14, $1.000000000e+00;
	v37 =	vadd.f32 $1.000000000e+00, v30;
	v34 =	vor.u32 $0x3F800000, v34  }
0x142: {  	v31 =	vadd.f32 $4.000000060e-01, v31;
	v15 =	vmul.f32 v35, v15;
	v38 =	vadd.f32 $1.000000000e+00, v34  }
0x143: {  	v14 =	vadd.f32 $9.999999930e-09, v22;
	v35 =	vmul.f32 $2.857142980e-01, v32;
	(erf) = vrcp.f32 v37  }
0x144: {  	v15 =	vadd.f32 v15, v28;
	v37 =	vmul.f32 v31, v24;
	(erf) = vrcp.f32 v38  }
0x145: {  	v35 =	vadd.f32 $4.000000060e-01, v35;
	v28 =	vmax.f32 v33, $9.999999930e-09;
	v33 =	vand.u32 $0x7FFFFF, v14  }
0x146: {  	v15 =	vmul.f32 v15, v18;
	v18 =	vmovc v26;
	v38 =	vmul.f32 v27, v13;
	v31 =	vmin.f32 v28, $1.000000000e+00  }
0x147: {  	v26 =	vor.u32 $0x3F800000, v33;
	v28 =	vmul.f32 v35, v32;
	v27 =	vadd.f32 $9.999999930e-09, v31  }
0x148: {  	v25 =	vmul.f32 $6.931471820e-01, v25;
	v35 =	vadd.f32 $6.666666860e-01, v37;
	v33 =	vadd.f32 $1.000000000e+00, v26;
	[tilespmem:s24+$0x0] =	vst.add.f32.msk $0xffff, v15  }
0x149: {  	v37 =	vshra.s32 v29, $0x17;
	v39 =	vadd.f32 $6.666666860e-01, v28;
	v15 =	vand.u32 $0x7FFFFF, v27  }
0x14a: {  	v38 =	vadd.f32 $6.666666860e-01, v38;
	v28 =	vor.u32 $0x3F800000, v15;
	v15 =	vmul.f32 v35, v24  }
0x14b: {  	v29 =	vadd.f32 $-1.000000000e+00, v30;
	v35 =	vadd.f32 $1.000000000e+00, v28;
	(erf) = vrcp.f32 v33  }
0x14c: {  	v30 =	vadd.f32 $-1.000000000e+00, v34;
	v13 =	vmul.f32 v38, v13;
	v33 =	vpop (erf);
	v34 =	vadd.f32 $2.000000000e+00, v15  }
.Ltmp5:
0x14d: {  	v15 =	vmul.f32 v33, v29;
	v29 =	vadd.f32 $-1.000000000e+00, v26;
	(erf) = vrcp.f32 v35;
	v24 =	vpop (erf);
	(pc) =	sbr.rel @p1 .LBB2_19-.Ltmp5, $4  }
0x14e: {  	v33 =	vadd.f32 $2.000000000e+00, v13;
	v24 =	vmul.f32 v24, v30;
	v30 =	vmul.f32 v34, v36  }
0x14f: {  	v35 =	vadd.s32 $0xFFFFFF81, v37;
	v36 =	vmul.f32 v39, v32;
	v26 =	vmul.f32 v15, v15  }
0x150: {  	v33 =	vmul.f32 v33, v23;
	v13 =	vmul.f32 v24, v24;
	v34 =	vadd.f32 v30, v25;
	v23 =	vmovc v24  }
0x151: {  	s11 =	sadd.s32 $0x40, s11;
	v30 =	vcvt.s32.f32 v35;
	v35 =	vadd.f32 $2.000000000e+00, v36;
	v32 =	vmul.f32 $2.857142980e-01, v26  }
0x152: {  	v38 =	vmov v12;
	v37 =	vmov v10;
	v36 =	vmov v11  }
0x153: {  	v12 =	vmovc v31;
	v10 =	vmovc v21;
	v11 =	vmov v22;
	v24 =	vmov v18;
	v25 =	vmov v23  }
.LBB2_21:
0x154: {  	_ = 	snop  }
0x155: {  	v18 =	vpop (erf);
	v21 =	vadd.f32 $-1.000000000e+00, v28  }
0x156: {  	v18 =	vmul.f32 v18, v29;
	v22 =	vpop (erf)  }
0x157: {  	v27 =	vshra.s32 v27, $0x17;
	v19 =	vadd.f32 @p0 v33, v19;
	v21 =	vmul.f32 v22, v21  }
0x158: {  	v17 =	vmul.f32 @p0 v35, v17;
	v16 =	vshra.s32 v16, $0x17;
	v29 =	vmul.f32 v18, v18  }
0x159: {  	v31 =	vadd.f32 $4.000000060e-01, v32;
	v54 =	vmul.f32 $2.857142980e-01, v13;
	v23 =	vmul.f32 v21, v21  }
0x15a: {  	v30 =	vmul.f32 $6.931471820e-01, v30;
	v14 =	vshra.s32 v14, $0x17;
	v56 =	vmul.f32 $2.857142980e-01, v29  }
0x15b: {  	v27 =	vadd.s32 $0xFFFFFF81, v27;
	v32 =	vadd.f32 $4.000000060e-01, v54;
	v53 =	vmul.f32 $2.857142980e-01, v23  }
0x15c: {  	v16 =	vadd.s32 $0xFFFFFF81, v16;
	v31 =	vmul.f32 v31, v26;
	v28 =	vadd.f32 $4.000000060e-01, v56  }
0x15d: {  	v14 =	vadd.s32 $0xFFFFFF81, v14;
	v32 =	vmul.f32 v32, v13;
	v55 =	vadd.f32 $4.000000060e-01, v53  }
0x15e: {  	v19 =	vmul.f32 @p0 v19, v37;
	v31 =	vadd.f32 $6.666666860e-01, v31;
	v28 =	vmul.f32 v28, v29  }
0x15f: {  	v17 =	vadd.f32 @p0 v17, v20;
	v58 =	vadd.f32 $6.666666860e-01, v32;
	v20 =	vmul.f32 v55, v23  }
0x160: {  	v16 =	vcvt.s32.f32 v16;
	v57 =	vmul.f32 v31, v26;
	v28 =	vadd.f32 $6.666666860e-01, v28  }
0x161: {  	v27 =	vcvt.s32.f32 v27;
	v60 =	vmul.f32 v58, v13;
	v20 =	vadd.f32 $6.666666860e-01, v20  }
0x162: {  	v14 =	vcvt.s32.f32 v14;
	v59 =	vadd.f32 $2.000000000e+00, v57;
	v61 =	vmul.f32 v28, v29  }
0x163: {  	v22 =	vmul.f32 @p0 v34, v38;
	v13 =	vadd.f32 $2.000000000e+00, v60;
	v20 =	vmul.f32 v20, v23  }
0x164: {  	v17 =	vmul.f32 @p0 v17, v36;
	v15 =	vmul.f32 v59, v15;
	v63 =	vadd.f32 $2.000000000e+00, v61  }
0x165: {  	v16 =	vmul.f32 $6.931471820e-01, v16;
	v13 =	vmul.f32 v13, v25;
	v20 =	vadd.f32 $2.000000000e+00, v20  }
0x166: {  	v14 =	vmul.f32 $6.931471820e-01, v14;
	v15 =	vadd.f32 v15, v30;
	v18 =	vmul.f32 v63, v18  }
0x167: {  	v62 =	vmul.f32 $6.931471820e-01, v27;
	[tilespmem:s24+$0x0] =	vst.add.f32.msk @p0 $0xffff, v19;
	v13 =	vadd.f32 v13, v16;
	v20 =	vmul.f32 v20, v21  }
0x168: {  	[tilespmem:s24+$0x0] =	vst.add.f32.msk @p0 $0xffff, v22;
	v15 =	vmul.f32 v15, v24;
	v14 =	vadd.f32 v18, v14  }
0x169: {  	[tilespmem:s24+$0x0] =	vst.add.f32.msk @p0 $0xffff, v17;
	v10 =	vmul.f32 v13, v10;
	v20 =	vadd.f32 v20, v62  }
0x16a: {  	[tilespmem:s24+$0x0] =	vst.add.f32.msk $0xffff, v15;
	v11 =	vmul.f32 v14, v11  }
0x16b: {  	[tilespmem:s24+$0x0] =	vst.add.f32.msk $0xffff, v10;
	v12 =	vmul.f32 v20, v12  }
0x16c: {  	[tilespmem:s24+$0x0] =	vst.add.f32.msk $0xffff, v11  }
0x16d: {  	[tilespmem:s24+$0x0] =	vst.add.f32.msk $0xffff, v12  }
.LBB2_9:
0x16e: {  	s5 =	ssub.s32 s8, s9  }
0x16f: {  	p0 =	slt.s32 s5, $0x1  }
.Ltmp6:
0x170: {  	_ = 	snop;
	(pc) =	sbr.rel @p0 .LBB2_12-.Ltmp6, $1  }
0x171: {  	_ =	sdelay $0x3  }
0x172: {  	s10 =	sshll.u32 s8, $0x6;
	s5 =	sshll.u32 s5, $0x6  }
0x173: {  	s5 =	ssub.s32 s10, s5  }
0x174: {  	s5 =	sshra.s32 s5, $0x2  }
0x175: {  	s5 =	sadd.s32 $0x10900, s5  }
.LBB2_11:
0x176: {  	v10 =	vld [tilespmem:s5+$0x0];
	_ =	sdelay $0x4  }
0x177: {  	v10 =	vmax.f32 v10, $9.999999930e-09  }
0x178: {  	v10 =	vmin.f32 v10, $1.000000000e+00  }
0x179: {  	v11 =	vadd.f32 $9.999999930e-09, v10;
	_ =	sdelay $0x1  }
0x17a: {  	v12 =	vand.u32 $0x7FFFFF, v11  }
0x17b: {  	v12 =	vor.u32 $0x3F800000, v12  }
0x17c: {  	v13 =	vadd.f32 $1.000000000e+00, v12;
	_ =	sdelay $0x1  }
0x17d: {  	(erf) = vrcp.f32 v13;
	_ =	sdelay $0x7  }
0x17e: {  	v12 =	vadd.f32 $-1.000000000e+00, v12  }
0x17f: {  	v13 =	vpop (erf)  }
0x180: {  	v12 =	vmul.f32 v13, v12;
	_ =	sdelay $0x1  }
0x181: {  	v13 =	vmul.f32 v12, v12;
	_ =	sdelay $0x1  }
0x182: {  	v14 =	vmul.f32 $2.857142980e-01, v13;
	_ =	sdelay $0x1  }
0x183: {  	v14 =	vadd.f32 $4.000000060e-01, v14;
	_ =	sdelay $0x1  }
0x184: {  	v14 =	vmul.f32 v14, v13;
	_ =	sdelay $0x1  }
0x185: {  	v14 =	vadd.f32 $6.666666860e-01, v14;
	_ =	sdelay $0x1  }
0x186: {  	v11 =	vshra.s32 v11, $0x17;
	v13 =	vmul.f32 v14, v13  }
0x187: {  	v11 =	vadd.s32 $0xFFFFFF81, v11  }
0x188: {  	v11 =	vcvt.s32.f32 v11;
	v13 =	vadd.f32 $2.000000000e+00, v13;
	_ =	sdelay $0x1  }
0x189: {  	s9 =	sadd.s32 $0x1, s9;
	v11 =	vmul.f32 $6.931471820e-01, v11;
	v12 =	vmul.f32 v13, v12  }
0x18a: {  	p0 =	slt.s32 s9, s8  }
.Ltmp7:
0x18b: {  	v11 =	vadd.f32 v12, v11;
	(pc) =	sbr.rel @p0 .LBB2_11-.Ltmp7, $3  }
0x18c: {  	_ = 	snop  }
0x18d: {  	v10 =	vmul.f32 v11, v10;
	_ =	sdelay $0x1  }
0x18e: {  	s5 =	sadd.s32 $0x10, s5;
	[tilespmem:s24+$0x0] =	vst.add.f32.msk $0xffff, v10  }
.LBB2_12:
0x18f: {  	s17 =	sshll.u32 s3, $0x1;
	p0 =	seq.s32 s3, $0x1F  }
0x190: {  	s5 =	sadd.s32 @!p0 $0x2, s17  }
0x191: {  	s8 =	sshll.u32 @!p0 s5, $0xA  }
0x192: {  	s5 =	sshll.u32 @!p0 s5, $0x5;
	s8 =	sadd.s32 @!p0 s6, s8  }
0x193: {  	s5 =	sand.u32 @!p0 $0x40, s5;
	s8 =	sand.u32 @!p0 $0x3FF000, s8  }
0x194: {  	s9 =	simm.s32 @!p0 $0x100;
	s5 =	sor.u32 @!p0 s5, s8  }
0x195: {  	s10 =	simm.s32 @!p0 $0x400;
	s11 =	simm.s32 @!p0 $0x0;
	s8 =	sadd.s32 @!p0 s1, s5  }
0x196: {  	[tilespmem:s11], [sflag:$0x1] =	stream.strided.gather @!p0 [hbm4b:s8+s9], $0x2000, s10, s9, $0x38;
	[tilespmem:$0x12980] =	vst v63  }
0x197: {  	s8 =	sadd.s32 @!p0 s2, s5;
	s11 =	simm.s32 @!p0 $0x4000  }
0x198: {  	[tilespmem:s11], [sflag:$0x1] =	stream.strided.gather @!p0 [hbm4b:s8+s9], $0x2000, s10, s9, $0x38;
	[tilespmem:$0x12980] =	vst v63  }
0x199: {  	s5 =	sadd.s32 @!p0 s4, s5;
	s8 =	simm.s32 @!p0 $0x8000  }
0x19a: {  	[tilespmem:s8], [sflag:$0x1] =	stream.strided.gather @!p0 [hbm4b:s5+s9], $0x2000, s10, s9, $0x38;
	[tilespmem:$0x12980] =	vst v63  }
0x19b: {  	_ =	swait.ge [sflag:s25], $0x2000  }
0x19c: {  	[sflag:s25] =	ssyncset.done $0x0  }
0x19d: {  	[sflag:s25] =	ssyncadd.s32 $0xFFFFE000  }
0x19e: {  	_ =	swait.ge [sflag:s25], $0x2000  }
0x19f: {  	[sflag:s25] =	ssyncset.done $0x0  }
0x1a0: {  	s8 =	simm.s32 $0x0;
	[sflag:s25] =	ssyncadd.s32 $0xFFFFE000  }
0x1a1: {  	s18 =	sand.u32 $0xFFFFFF80, s8;
	_ =	swait.ge [sflag:s25], $0x2000  }
0x1a2: {  	s5 =	sadd.s32 $0x0, s18;
	[sflag:s25] =	ssyncset.done $0x0  }
0x1a3: {  	s26 =	sor.u32 $0x2010, s5;
	[sflag:s25] =	ssyncadd.s32 $0xFFFFE000  }
0x1a4: {  	s28 =	sor.u32 $0x2000, s5;
	v10 =	vld [tilespmem:s26+$0x4000]  }
0x1a5: {  	s9 =	sor.u32 $0x2060, s5;
	v11 =	vld [tilespmem:s28+$0x4000]  }
0x1a6: {  	v12 =	vld [tilespmem:s9+$0x4000]  }
0x1a7: {  	v13 =	vld [tilespmem:s9+$0x0]  }
0x1a8: {  	s12 =	sor.u32 $0x2050, s5;
	v14 =	vld [tilespmem:s26+$0x0]  }
0x1a9: {  	v15 =	vld [tilespmem:s12+$0x4000]  }
0x1aa: {  	v16 =	vld [tilespmem:s28+$0x0]  }
0x1ab: {  	s13 =	sor.u32 $0x2020, s5;
	v17 =	vld [tilespmem:s12+$0x0]  }
0x1ac: {  	v19 =	vld [tilespmem:s13+$0x8000]  }
0x1ad: {  	v22 =	vld [tilespmem:s26+$0x8000]  }
0x1ae: {  	s30 =	sor.u32 $0x2040, s5;
	v24 =	vld [tilespmem:s12+$0x8000]  }
0x1af: {  	v25 =	vld [tilespmem:s30+$0x4000]  }
0x1b0: {  	v28 =	vld [tilespmem:s30+$0x0]  }
0x1b1: {  	v10 =	vsub.f32 v14, v10  }
0x1b2: {  	v12 =	vsub.f32 v13, v12;
	v13 =	vsub.f32 v16, v11  }
0x1b3: {  	v15 =	vsub.f32 v17, v15;
	v19 =	vsub.f32 $1.000000000e+00, v19  }
0x1b4: {  	v22 =	vsub.f32 $1.000000000e+00, v22;
	v24 =	vsub.f32 $1.000000000e+00, v24  }
0x1b5: {  	v18 =	vld [tilespmem:s13+$0x4000];
	v28 =	vsub.f32 v28, v25;
	v10 =	vand.u32 $0x7FFFFFFF, v10;
	v13 =	vand.u32 $0x7FFFFFFF, v13  }
0x1b6: {  	v14 =	vld [tilespmem:s13+$0x0];
	vm2 =	vgt.f32 v19, $8.000000110e-01;
	v29 =	vmul.f32 $3.200000000e+01, v19;
	vm3 =	vgt.f32 v22, $8.000000110e-01  }
0x1b7: {  	s29 =	sor.u32 $0x2030, s5;
	v23 =	vld [tilespmem:s28+$0x8000];
	vm4 =	vgt.f32 v24, $8.000000110e-01;
	v19 =	vmul.f32 $3.200000000e+01, v24;
	v22 =	vmul.f32 $3.200000000e+01, v22  }
0x1b8: {  	v16 =	vld [tilespmem:s29+$0x8000];
	v11 =	vsub.f32 $1.000000000e+00, v10;
	v10 =	vand.u32 $0x7FFFFFFF, v12;
	v21 =	vmpcnt.ones.xlane vm2  }
0x1b9: {  	v12 =	vand.u32 $0x7FFFFFFF, v15;
	v24 =	vmpcnt.ones.xlane vm4;
	v34 =	vmpcnt.ones.xlane vm3  }
0x1ba: {  	v27 =	vld [tilespmem:s29+$0x0];
	vm2 =	vmmov vm2;
	vm3 =	vmmov vm3;
	v10 =	vsub.f32 $1.000000000e+00, v10  }
0x1bb: {  	v12 =	vsub.f32 $1.000000000e+00, v12;
	v20 =	vmul.f32 $3.200000000e+01, v11;
	v17 =	vsub.f32 v14, v18;
	v14 =	vld [tilespmem:s29+$0x4000]  }
0x1bc: {  	s5 =	sor.u32 $0x2070, s5;
	v22 =	vtrunc.f32 v22;
	(v2sf) =	vpush v24, $0x0;
	v15 =	vmul.f32 $3.200000000e+01, v10  }
0x1bd: {  	v32 =	vld [tilespmem:s5+$0x4000];
	v26 =	vtrunc.f32 v20;
	v20 =	vsub.f32 $1.000000000e+00, v16;
	v16 =	vsub.f32 $1.000000000e+00, v23  }
0x1be: {  	v24 =	vand.u32 $0x7FFFFFFF, v28;
	v28 =	vtrunc.f32 v29;
	v62 =	vcvt.f32.s32 v22;
	v23 =	vld [tilespmem:s30+$0x8000]  }
0x1bf: {  	v35 =	vld [tilespmem:s5+$0x0];
	v63 =	vmul.f32 $3.200000000e+01, v12;
	v18 =	vtrunc.f32 v15;
	vm1 =	vgt.f32 v16, $8.000000110e-01  }
0x1c0: {  	v33 =	vmul.f32 $3.200000000e+01, v16;
	v16 =	vsub.f32 $1.000000000e+00, v13;
	v14 =	vsub.f32 v27, v14  }
0x1c1: {  	(v2sf) =	vpush v34, $0x0;
	v61 =	vcvt.f32.s32 v26;
	v15 =	vmul.f32 $3.200000000e+01, v20  }
0x1c2: {  	v18 =	vcvt.f32.s32 v18;
	v27 =	vld [tilespmem:s5+$0x8000];
	v13 =	vand.u32 $0x7FFFFFFF, v14;
	v14 =	vmul.f32 $3.200000000e+01, v16  }
0x1c3: {  	v31 =	vmpcnt.ones.xlane vm1;
	v29 =	vtrunc.f32 v33;
	v25 =	vsub.f32 $1.000000000e+00, v23  }
0x1c4: {  	v23 =	vtrunc.f32 v19;
	v30 =	vtrunc.f32 v14;
	v14 =	vsub.f32 v35, v32  }
0x1c5: {  	v26 =	vcvt.f32.s32 v29;
	v29 =	vmul.u32 $0x21, v61;
	v13 =	vsub.f32 $1.000000000e+00, v13  }
0x1c6: {  	v22 =	vcvt.f32.s32 v23;
	v36 =	vmul.f32 $3.200000000e+01, v25;
	v14 =	vand.u32 $0x7FFFFFFF, v14  }
0x1c7: {  	v32 =	vtrunc.f32 v63;
	v27 =	vsub.f32 $1.000000000e+00, v27;
	v14 =	vsub.f32 $1.000000000e+00, v14  }
0x1c8: {  	s0 =	sadd.s32 s0, s7;
	v18 =	vmul.u32 $0x21, v18;
	v19 =	vmul.f32 $3.200000000e+01, v13;
	v23 =	vtrunc.f32 v36  }
0x1c9: {  	s7 =	simm.s32 $0x0;
	s11 =	simm.s32 $0x0;
	s10 =	simm.s32 $0x4;
	v29 =	vadd.s32 v62, v29;
	v33 =	vmul.f32 $3.200000000e+01, v27;
	v34 =	vmul.f32 $3.200000000e+01, v14  }
.LBB2_13:
0x1ca: {  	v30 =	vcvt.f32.s32 v30  }
0x1cb: {  	s5 =	sand.u32 $0xFFFFFF80, s10;
	s7 =	sadd.s32 $0x8, s7;
	v34 =	vtrunc.f32 v34;
	s8 =	sadd.s32 $0x100, s8;
	(v2sf) =	vpush v21, $0x0;
	vm7 =	vmmov vm4  }
0x1cc: {  	s13 =	sadd.s32 s5, s8;
	p1 =	slt.u32 s7, $0x1F8;
	v21 =	vld [tilespmem:s9+$0x8000];
	v34 =	vcvt.f32.s32 v34;
	v33 =	vtrunc.f32 v33;
	(v2sf) =	vpush v31, $0x0  }
0x1cd: {  	v32 =	vcvt.f32.s32 v32;
	s14 =	sor.u32 $0x2000, s13;
	s26 =	sor.u32 $0x2010, s13;
	s12 =	sor.u32 $0x2070, s13;
	v30 =	vmul.u32 $0x21, v30;
	v33 =	vcvt.f32.s32 v33  }
0x1ce: {  	vm5 =	vgt.f32 v25, $8.000000110e-01;
	vm8 =	vgt.f32 v27, $8.000000110e-01;
	s29 =	sor.u32 $0x2020, s13;
	s5 =	sor.u32 $0x2030, s13;
	v35 =	vld [tilespmem:s26+$0x4000];
	v34 =	vmul.u32 $0x21, v34  }
0x1cf: {  	v17 =	vand.u32 $0x7FFFFFFF, v17;
	v31 =	vcvt.f32.s32 v23;
	v37 =	vmpcnt.ones.xlane vm8;
	s28 =	sor.u32 $0x2050, s13;
	s9 =	sor.u32 $0x2060, s13;
	v36 =	vld [tilespmem:s14+$0x4000]  }
0x1d0: {  	vm6 =	vgt.f32 v20, $8.000000110e-01;
	v25 =	vsub.f32 $1.000000000e+00, v17;
	s30 =	sor.u32 $0x2040, s13;
	v38 =	vld [tilespmem:s9+$0x4000];
	v17 =	vadd.s32 v33, v34;
	s13 =	spop (v2sf)  }
0x1d1: {  	v20 =	vmpcnt.ones.xlane vm6;
	v27 =	vld [tilespmem:s30+$0x4000];
	v21 =	vsub.f32 $1.000000000e+00, v21;
	v17 =	vshll.u32 v17, $0x4  }
0x1d2: {  	v39 =	vmul.f32 $3.200000000e+01, v25;
	v34 =	vadd.s32 v26, v30;
	v33 =	vld [tilespmem:s9+$0x0];
	v26 =	vor.u32 v5, v17  }
0x1d3: {  	v28 =	vcvt.f32.s32 v28;
	v30 =	vld [tilespmem:s30+$0x0];
	v17 =	vmul.f32 $3.200000000e+01, v21;
	vm9 =	vgt.f32 v21, $8.000000110e-01  }
0x1d4: {  	v23 =	vsub.f32 $1.000000000e+00, v24;
	v21 =	vld [tilespmem:s26+$0x0];
	v24 =	vmpcnt.ones.xlane vm9;
	s18 =	spop (v2sf);
	(v2sf) =	vpush v20, $0x0  }
0x1d5: {  	v39 =	vtrunc.f32 v39;
	v20 =	vld [tilespmem:s28+$0x4000];
	v17 =	vtrunc.f32 v17;
	(v2sf) =	vpush v37, $0x0  }
0x1d6: {  	v34 =	vshll.u32 v34, $0x4;
	v37 =	vld [tilespmem:s14+$0x0];
	v17 =	vcvt.f32.s32 v17;
	(v2sf) =	vpush v24, $0x0  }
0x1d7: {  	v29 =	vshll.u32 v29, $0x4;
	v39 =	vcvt.f32.s32 v39;
	v34 =	vor.u32 v5, v34;
	v24 =	vld [tilespmem:s28+$0x0]  }
0x1d8: {  	v15 =	vtrunc.f32 v15;
	v41 =	vmul.f32 $3.200000000e+01, v23;
	v40 =	vld [tilespmem:s30+$0x8000];
	v17 =	vadd.s32 v17, v18  }
0x1d9: {  	v18 =	vsub.f32 v21, v35;
	v21 =	vld [tilespmem:s29+$0x4000];
	v35 =	vcvt.f32.s32 v15;
	v15 =	vmpcnt.ones.xlane vm5  }
0x1da: {  	v32 =	vmul.u32 $0x21, v32;
	v39 =	vmul.u32 $0x21, v39;
	v17 =	vshll.u32 v17, $0x4;
	v42 =	vld [tilespmem:s29+$0x0];
	s30 =	spop (v2sf)  }
0x1db: {  	v19 =	vtrunc.f32 v19;
	v36 =	vsub.f32 v37, v36;
	v18 =	vand.u32 $0x7FFFFFFF, v18;
	v37 =	vld [tilespmem:s29+$0x8000];
	s29 =	spop (v2sf)  }
0x1dc: {  	v19 =	vcvt.f32.s32 v19;
	v43 =	vld [tilespmem:s26+$0x8000];
	v44 =	vsub.f32 $1.000000000e+00, v18;
	v18 =	vsub.f32 v24, v20  }
0x1dd: {  	v22 =	vadd.s32 v22, v32;
	v32 =	vor.u32 v5, v17;
	v24 =	vand.u32 $0x7FFFFFFF, v36;
	v20 =	vld [tilespmem:s28+$0x8000]  }
0x1de: {  	v41 =	vtrunc.f32 v41;
	v36 =	vmul.f32 $3.200000000e+01, v44;
	v45 =	vld [tilespmem:s5+$0x8000];
	v18 =	vand.u32 $0x7FFFFFFF, v18  }
0x1df: {  	v22 =	vshll.u32 v22, $0x4;
	v46 =	vld [tilespmem:s14+$0x8000];
	v17 =	vsub.f32 v42, v21;
	(v2sf) =	vpush v15, $0x0  }
0x1e0: {  	v29 =	vor.u32 v5, v29;
	v47 =	vsub.f32 $1.000000000e+00, v18;
	v15 =	vsub.f32 v33, v38;
	v42 =	vld [tilespmem:s5+$0x4000]  }
0x1e1: {  	v33 =	vtrunc.f32 v36;
	v18 =	vsub.f32 $1.000000000e+00, v37;
	v37 =	vcvt.f32.s32 v41;
	v36 =	vld [tilespmem:s5+$0x0]  }
0x1e2: {  	v15 =	vand.u32 $0x7FFFFFFF, v15;
	v38 =	vsub.f32 $1.000000000e+00, v20;
	[tilespmem:v34+s23+$0x0] =	vst.idx.add.f32.msk $0xffff, v1;
	v20 =	vadd.s32 v28, v39  }
0x1e3: {  	vm10 =	vgt.f32 v18, $8.000000110e-01;
	v28 =	vsub.f32 $1.000000000e+00, v15;
	[tilespmem:s11+$0x10900] =	vst.msk vm1, v16;
	v15 =	vshll.u32 v20, $0x4;
	s14 =	spop (v2sf)  }
0x1e4: {  	s26 =	sadd.s32 s11, s29;
	v21 =	vmpcnt.ones.xlane vm10;
	v20 =	vsub.f32 $1.000000000e+00, v45;
	v16 =	vor.u32 v5, v15;
	[tilespmem:v32+s23+$0x0] =	vst.idx.add.f32.msk $0xffff, v1;
	s11 =	spop (v2sf)  }
0x1e5: {  	v22 =	vor.u32 v5, v22;
	s28 =	sadd.s32 s26, s18;
	v32 =	vsub.f32 $1.000000000e+00, v43;
	v34 =	vmul.f32 $3.200000000e+01, v28;
	s18 =	spop (v2sf)  }
0x1e6: {  	v19 =	vmul.u32 $0x21, v19;
	s5 =	sadd.s32 s28, s30;
	v39 =	vsub.f32 $1.000000000e+00, v46;
	v15 =	vmul.f32 $3.200000000e+01, v20  }
0x1e7: {  	v41 =	vmul.f32 $3.200000000e+01, v18;
	s14 =	sadd.s32 s5, s14;
	v18 =	vtrunc.f32 v34;
	v34 =	vmul.u32 $0x21, v37  }
0x1e8: {  	v19 =	vadd.s32 v35, v19;
	vm11 =	vgt.f32 v32, $8.000000110e-01;
	v18 =	vcvt.f32.s32 v18;
	v37 =	vld [tilespmem:s12+$0x4000]  }
0x1e9: {  	vm4 =	vgt.f32 v38, $8.000000110e-01;
	vm1 =	vgt.f32 v39, $8.000000110e-01;
	[tilespmem:v16+s23+$0x0] =	vst.idx.add.f32.msk $0xffff, v1;
	v16 =	vadd.s32 v31, v34  }
0x1ea: {  	v19 =	vshll.u32 v19, $0x4;
	v34 =	vmul.f32 $3.200000000e+01, v38;
	v18 =	vmul.u32 $0x21, v18;
	[tilespmem:v29+s23+$0x0] =	vst.idx.add.f32.msk $0xffff, v1  }
0x1eb: {  	v35 =	vsub.f32 v36, v42;
	v36 =	vmpcnt.ones.xlane vm4;
	v29 =	vmul.f32 $3.200000000e+01, v39;
	v38 =	vld [tilespmem:s12+$0x8000];
	[tilespmem:s26+$0x10900] =	vst.msk vm3, v11;
	v11 =	vmovc v44  }
0x1ec: {  	v31 =	vmpcnt.ones.xlane vm1;
	v39 =	vmpcnt.ones.xlane vm11;
	v42 =	vshll.u32 v16, $0x4;
	[tilespmem:v22+s23+$0x0] =	vst.idx.add.f32.msk $0xffff, v1  }
0x1ed: {  	v16 =	vsub.f32 $1.000000000e+00, v24;
	v42 =	vor.u32 v5, v42;
	v22 =	vsub.f32 v30, v27;
	v43 =	vld [tilespmem:s12+$0x0];
	[tilespmem:s28+$0x10900] =	vst.msk vm2, v25  }
0x1ee: {  	v24 =	vand.u32 $0x7FFFFFFF, v35;
	v35 =	vor.u32 v5, v19;
	v25 =	vsub.f32 $1.000000000e+00, v40;
	s12 =	spop (v2sf)  }
0x1ef: {  	v34 =	vtrunc.f32 v34;
	v40 =	vsub.f32 $1.000000000e+00, v24;
	(v2sf) =	vpush v36, $0x0;
	s12 =	sadd.s32 s14, s12;
	[tilespmem:v26+s23+$0x0] =	vst.idx.add.f32.msk $0xffff, v1  }
0x1f0: {  	v32 =	vmul.f32 $3.200000000e+01, v32;
	v24 =	vand.u32 $0x7FFFFFFF, v22;
	v26 =	vmul.f32 $3.200000000e+01, v16;
	[tilespmem:s12+$0x10900] =	vst.msk vm7, v12;
	s12 =	sadd.s32 s12, s13;
	v12 =	vmovc v47  }
0x1f1: {  	v19 =	vmul.f32 $3.200000000e+01, v40;
	v36 =	vmul.f32 $3.200000000e+01, v25;
	v27 =	vsub.f32 $1.000000000e+00, v38;
	[tilespmem:s12+$0x10900] =	vst.msk vm9, v10;
	s12 =	sadd.s32 s12, s18;
	v10 =	vmovc v28  }
0x1f2: {  	v30 =	vtrunc.f32 v26;
	v28 =	vtrunc.f32 v41;
	v22 =	vsub.f32 v43, v37;
	[tilespmem:v42+s23+$0x0] =	vst.idx.add.f32.msk $0xffff, v1;
	s11 =	sadd.s32 s12, s11  }
0x1f3: {  	v26 =	vtrunc.f32 v29;
	v29 =	vcvt.f32.s32 v33;
	(v2sf) =	vpush v39, $0x0;
	[tilespmem:s12+$0x10900] =	vst.msk vm8, v14  }
.Ltmp8:
0x1f4: {  	v26 =	vcvt.f32.s32 v26;
	v14 =	vtrunc.f32 v32;
	v22 =	vand.u32 $0x7FFFFFFF, v22;
	[tilespmem:s14+$0x10900] =	vst.msk vm5, v23;
	(pc) =	sbr.rel @p1 .LBB2_13-.Ltmp8, $4  }
0x1f5: {  	v23 =	vmul.u32 $0x21, v29;
	v29 =	vcvt.f32.s32 v14;
	v14 =	vsub.f32 $1.000000000e+00, v22;
	[tilespmem:v35+s23+$0x0] =	vst.idx.add.f32.msk $0xffff, v1  }
0x1f6: {  	vm2 =	vmmov vm10;
	v32 =	vmul.f32 $3.200000000e+01, v12;
	v22 =	vcvt.f32.s32 v34;
	[tilespmem:s5+$0x10900] =	vst.msk vm6, v13;
	v13 =	vmovc v40  }
0x1f7: {  	v29 =	vadd.s32 v29, v23;
	v23 =	vtrunc.f32 v36;
	v34 =	vmul.f32 $3.200000000e+01, v14  }
0x1f8: {  	s10 =	sadd.s32 $0x4, s10;
	vm3 =	vmmov vm11;
	v33 =	vmul.f32 $3.200000000e+01, v27;
	v32 =	vtrunc.f32 v32  }
0x1f9: {  	v35 =	vld [tilespmem:s9+$0x8000];
	_ =	sdelay $0x4  }
0x1fa: {  	vm5 =	vgt.f32 v20, $8.000000110e-01;
	v44 =	vsub.f32 $1.000000000e+00, v35  }
0x1fb: {  	(v2sf) =	vpush v21, $0x0;
	vm7 =	vgt.f32 v27, $8.000000110e-01;
	v45 =	vmpcnt.ones.xlane vm5  }
0x1fc: {  	(v2sf) =	vpush v31, $0x0;
	v27 =	vmpcnt.ones.xlane vm7;
	vm8 =	vgt.f32 v44, $8.000000110e-01  }
0x1fd: {  	vm6 =	vgt.f32 v25, $8.000000110e-01;
	(v2sf) =	vpush v45, $0x0;
	v46 =	vmpcnt.ones.xlane vm8  }
0x1fe: {  	v48 =	vmpcnt.ones.xlane vm6;
	(v2sf) =	vpush v27, $0x0  }
0x1ff: {  	(v2sf) =	vpush v46, $0x0  }
0x200: {  	v17 =	vand.u32 $0x7FFFFFFF, v17;
	(v2sf) =	vpush v48, $0x0  }
0x201: {  	v17 =	vsub.f32 $1.000000000e+00, v17  }
0x202: {  	v43 =	vcvt.f32.s32 v30  }
0x203: {  	v51 =	vcvt.f32.s32 v32;
	v49 =	vmul.f32 $3.200000000e+01, v17  }
0x204: {  	v47 =	vtrunc.f32 v34  }
0x205: {  	v21 =	vmul.u32 $0x21, v43;
	v55 =	vmul.u32 $0x21, v51;
	v25 =	vtrunc.f32 v49  }
0x206: {  	v52 =	vcvt.f32.s32 v28;
	v29 =	vshll.u32 v29, $0x4;
	v25 =	vcvt.f32.s32 v25  }
0x207: {  	v57 =	vor.u32 v5, v29;
	v21 =	vadd.s32 v26, v21;
	v22 =	vadd.s32 v22, v55  }
0x208: {  	v21 =	vshll.u32 v21, $0x4;
	s5 =	spop (v2sf);
	v20 =	vmul.f32 $3.200000000e+01, v44;
	v25 =	vmul.u32 $0x21, v25  }
0x209: {  	v24 =	vsub.f32 $1.000000000e+00, v24;
	v22 =	vshll.u32 v22, $0x4;
	v21 =	vor.u32 v5, v21;
	s7 =	spop (v2sf)  }
0x20a: {  	v60 =	vor.u32 v5, v22;
	v20 =	vtrunc.f32 v20;
	v25 =	vadd.s32 v52, v25;
	s8 =	spop (v2sf)  }
0x20b: {  	v19 =	vtrunc.f32 v19;
	v20 =	vcvt.f32.s32 v20;
	v25 =	vshll.u32 v25, $0x4;
	s18 =	spop (v2sf)  }
0x20c: {  	v15 =	vtrunc.f32 v15;
	v30 =	vcvt.f32.s32 v47;
	v25 =	vor.u32 v5, v25;
	s9 =	sadd.s32 s11, s18;
	s10 =	spop (v2sf)  }
0x20d: {  	v50 =	vtrunc.f32 v33;
	v54 =	vmul.f32 $3.200000000e+01, v24;
	[tilespmem:v57+s23+$0x0] =	vst.idx.add.f32.msk $0xffff, v1;
	v18 =	vadd.s32 v20, v18;
	s7 =	sadd.s32 s9, s7;
	s26 =	spop (v2sf)  }
0x20e: {  	v19 =	vcvt.f32.s32 v19;
	v53 =	vcvt.f32.s32 v50;
	[tilespmem:v21+s23+$0x0] =	vst.idx.add.f32.msk $0xffff, v1;
	v18 =	vshll.u32 v18, $0x4;
	s13 =	sadd.s32 s7, s8;
	s12 =	spop (v2sf)  }
0x20f: {  	v56 =	vmul.u32 $0x21, v30;
	[tilespmem:v60+s23+$0x0] =	vst.idx.add.f32.msk $0xffff, v1;
	v20 =	vtrunc.f32 v54;
	v18 =	vor.u32 v5, v18;
	s10 =	sadd.s32 s13, s10;
	s28 =	spop (v2sf)  }
0x210: {  	v15 =	vcvt.f32.s32 v15;
	v19 =	vmul.u32 $0x21, v19;
	[tilespmem:s11+$0x10900] =	vst.msk vm1, v16;
	v20 =	vcvt.f32.s32 v20;
	s8 =	sadd.s32 s10, s28  }
0x211: {  	v58 =	vcvt.f32.s32 v23;
	v59 =	vadd.s32 v53, v56;
	[tilespmem:v25+s23+$0x0] =	vst.idx.add.f32.msk $0xffff, v1;
	s5 =	sadd.s32 s8, s5  }
0x212: {  	v15 =	vadd.s32 v15, v19;
	v61 =	vshll.u32 v59, $0x4;
	v62 =	vmul.u32 $0x21, v20;
	[tilespmem:s9+$0x10900] =	vst.msk vm3, v11;
	s29 =	sadd.s32 s5, s12  }
0x213: {  	v15 =	vshll.u32 v15, $0x4;
	v63 =	vor.u32 v5, v61;
	[tilespmem:s7+$0x10900] =	vst.msk vm2, v17;
	s7 =	sadd.s32 s29, s26  }
0x214: {  	v15 =	vor.u32 v5, v15;
	vm1 =	vmmov vm4;
	[tilespmem:v18+s23+$0x0] =	vst.idx.add.f32.msk $0xffff, v1;
	v18 =	vadd.s32 v58, v62;
	s30 =	sadd.s32 $0xF, s7  }
0x215: {  	v11 =	vshll.u32 v18, $0x4;
	[tilespmem:s8+$0x10900] =	vst.msk vm1, v12;
	s8 =	sshra.s32 s30, $0x4  }
0x216: {  	v11 =	vor.u32 v5, v11;
	[tilespmem:s5+$0x10900] =	vst.msk vm8, v10;
	s5 =	sshrl.u32 s8, $0x1E  }
0x217: {  	s5 =	sadd.s32 s5, s8  }
0x218: {  	[tilespmem:v63+s23+$0x0] =	vst.idx.add.f32.msk $0xffff, v1;
	s9 =	sand.u32 $0xFFFFFFFC, s5  }
0x219: {  	[tilespmem:v15+s23+$0x0] =	vst.idx.add.f32.msk $0xffff, v1;
	p1 =	slt.s32 s9, $0x1  }
.Ltmp9:
0x21a: {  	[tilespmem:s13+$0x10900] =	vst.msk vm5, v13;
	(pc) =	sbr.rel @p1 .LBB2_22-.Ltmp9, $4  }
0x21b: {  	[tilespmem:v11+s23+$0x0] =	vst.idx.add.f32.msk $0xffff, v1  }
0x21c: {  	[tilespmem:s10+$0x10900] =	vst.msk vm6, v24  }
0x21d: {  	[tilespmem:s29+$0x10900] =	vst.msk vm7, v14  }
0x21e: {  	[tilespmem:s7+$0x10900] =	vst v1  }
0x21f: {  	s5 =	simm.s32 $0x10920  }
0x220: {  	v10 =	vld [tilespmem:s5+$0xFFFFFFF0]  }
0x221: {  	v11 =	vld [tilespmem:s5+$0x0];
	_ =	sdelay $0x3  }
0x222: {  	v10 =	vmax.f32 v10, $9.999999930e-09  }
0x223: {  	v24 =	vmin.f32 v10, $1.000000000e+00;
	v10 =	vmax.f32 v11, $9.999999930e-09  }
0x224: {  	v13 =	vadd.f32 $9.999999930e-09, v24;
	v10 =	vmin.f32 v10, $1.000000000e+00  }
0x225: {  	v16 =	vadd.f32 $9.999999930e-09, v10  }
0x226: {  	v11 =	vand.u32 $0x7FFFFF, v13  }
0x227: {  	v15 =	vor.u32 $0x3F800000, v11;
	v11 =	vand.u32 $0x7FFFFF, v16  }
0x228: {  	v18 =	vld [tilespmem:s5+$0xFFFFFFE0];
	v12 =	vadd.f32 $1.000000000e+00, v15;
	v17 =	vor.u32 $0x3F800000, v11  }
0x229: {  	v11 =	vld [tilespmem:s5+$0x10];
	v14 =	vadd.f32 $1.000000000e+00, v17  }
0x22a: {  	(erf) = vrcp.f32 v12  }
0x22b: {  	(erf) = vrcp.f32 v14;
	_ =	sdelay $0x1  }
0x22c: {  	v12 =	vmax.f32 v18, $9.999999930e-09  }
0x22d: {  	v12 =	vmin.f32 v12, $1.000000000e+00;
	v11 =	vmax.f32 v11, $9.999999930e-09  }
0x22e: {  	v27 =	vadd.f32 $9.999999930e-09, v12;
	v11 =	vmin.f32 v11, $1.000000000e+00  }
0x22f: {  	v14 =	vadd.f32 $9.999999930e-09, v11  }
0x230: {  	v19 =	vand.u32 $0x7FFFFF, v27  }
0x231: {  	v15 =	vadd.f32 $-1.000000000e+00, v15;
	v18 =	vand.u32 $0x7FFFFF, v14  }
0x232: {  	p2 =	sgt.s32 s9, $0x4;
	v17 =	vadd.f32 $-1.000000000e+00, v17;
	v18 =	vor.u32 $0x3F800000, v18;
	v20 =	vpop (erf)  }
.Ltmp10:
0x233: {  	v28 =	vor.u32 $0x3F800000, v19;
	v21 =	vadd.f32 $1.000000000e+00, v18;
	v15 =	vmul.f32 v20, v15;
	v19 =	vpop (erf);
	(pc) =	sbr.rel @!p2 .LBB2_16-.Ltmp10, $4  }
0x234: {  	v13 =	vshra.s32 v13, $0x17;
	v63 =	vadd.f32 $1.000000000e+00, v28;
	v25 =	vmul.f32 v19, v17  }
0x235: {  	(erf) = vrcp.f32 v21;
	v17 =	vadd.s32 $0xFFFFFF81, v13;
	v26 =	vmul.f32 v15, v15  }
0x236: {  	(erf) = vrcp.f32 v63;
	v30 =	vcvt.s32.f32 v17  }
0x237: {  	p1 =	por $0x0, $0x0;
	s5 =	simm.s32 $0x10960;
	v29 =	vadd.f32 $-1.000000000e+00, v18;
	v13 =	vmul.f32 v25, v25;
	v32 =	vmul.f32 $2.857142980e-01, v26  }
0x238: {  	_ = 	snop  }
0x239: {  	v17 =	vadd.f32 $4.000000060e-01, v32  }
0x23a: {  	v18 =	vshra.s32 v27, $0x17;
	v16 =	vshra.s32 v16, $0x17;
	v23 =	vadd.f32 $-1.000000000e+00, v28  }
0x23b: {  	v20 =	vld [tilespmem:s5+$0xFFFFFFF0];
	v14 =	vshra.s32 v14, $0x17;
	v18 =	vadd.s32 $0xFFFFFF81, v18;
	v17 =	vmul.f32 v17, v26  }
0x23c: {  	v31 =	vld [tilespmem:s5+$0x10];
	v22 =	vmul.f32 $2.857142980e-01, v13;
	v16 =	vadd.s32 $0xFFFFFF81, v16;
	v28 =	vcvt.s32.f32 v18  }
0x23d: {  	v21 =	vld [tilespmem:s5+$0x0];
	v14 =	vadd.s32 $0xFFFFFF81, v14;
	v16 =	vcvt.s32.f32 v16;
	v27 =	vadd.f32 $6.666666860e-01, v17  }
0x23e: {  	v14 =	vcvt.s32.f32 v14;
	v58 =	vmul.f32 $6.931471820e-01, v28;
	v19 =	vpop (erf)  }
0x23f: {  	v17 =	vmul.f32 v19, v29;
	v26 =	vmul.f32 v27, v26  }
0x240: {  	v18 =	vpop (erf);
	v19 =	vmul.f32 $6.931471820e-01, v16;
	v16 =	vmax.f32 v20, $9.999999930e-09;
	v20 =	vmul.f32 $6.931471820e-01, v14  }
0x241: {  	v14 =	vmax.f32 v31, $9.999999930e-09;
	v53 =	vmul.f32 v18, v23;
	v18 =	vmin.f32 v16, $1.000000000e+00  }
0x242: {  	v23 =	vmul.f32 $6.931471820e-01, v30;
	v16 =	vmax.f32 v21, $9.999999930e-09;
	v30 =	vadd.f32 $9.999999930e-09, v18  }
0x243: {  	v27 =	vadd.f32 $4.000000060e-01, v22;
	v21 =	vmin.f32 v16, $1.000000000e+00;
	v26 =	vadd.f32 $2.000000000e+00, v26  }
0x244: {  	v34 =	vld [tilespmem:s5+$0xFFFFFFE0];
	v33 =	vmul.f32 v17, v17;
	v16 =	vadd.f32 $9.999999930e-09, v21;
	v22 =	vand.u32 $0x7FFFFF, v30  }
0x245: {  	v29 =	vmul.f32 v53, v53;
	v15 =	vmul.f32 v26, v15;
	v35 =	vor.u32 $0x3F800000, v22  }
0x246: {  	v26 =	vmul.f32 $2.857142980e-01, v33;
	v22 =	vand.u32 $0x7FFFFF, v16;
	v36 =	vadd.f32 $1.000000000e+00, v35  }
0x247: {  	v31 =	vmul.f32 $2.857142980e-01, v29;
	v37 =	vor.u32 $0x3F800000, v22;
	v22 =	vmin.f32 v14, $1.000000000e+00  }
0x248: {  	v15 =	vadd.f32 v15, v23;
	v38 =	vadd.f32 $1.000000000e+00, v37;
	(erf) = vrcp.f32 v36  }
0x249: {  	v23 =	vmax.f32 v34, $9.999999930e-09;
	v26 =	vadd.f32 $4.000000060e-01, v26;
	v31 =	vadd.f32 $4.000000060e-01, v31  }
0x24a: {  	v14 =	vadd.f32 $9.999999930e-09, v22;
	v24 =	vmul.f32 v15, v24;
	(erf) = vrcp.f32 v38  }
0x24b: {  	v15 =	vmul.f32 v27, v13;
	v54 =	vmul.f32 v31, v29;
	v31 =	vmin.f32 v23, $1.000000000e+00  }
0x24c: {  	v26 =	vmul.f32 v26, v33;
	v55 =	vand.u32 $0x7FFFFF, v14;
	v27 =	vadd.f32 $9.999999930e-09, v31  }
0x24d: {  	v23 =	vor.u32 $0x3F800000, v55;
	v15 =	vadd.f32 $6.666666860e-01, v15;
	v56 =	vadd.f32 $6.666666860e-01, v54  }
0x24e: {  	v30 =	vshra.s32 v30, $0x17;
	v57 =	vadd.f32 $1.000000000e+00, v23;
	v28 =	vand.u32 $0x7FFFFF, v27  }
0x24f: {  	v59 =	vadd.f32 $6.666666860e-01, v26;
	v29 =	vmul.f32 v56, v29;
	v28 =	vor.u32 $0x3F800000, v28  }
0x250: {  	v35 =	vadd.f32 $-1.000000000e+00, v35;
	(erf) = vrcp.f32 v57;
	v26 =	vadd.f32 $1.000000000e+00, v28  }
0x251: {  	p2 =	sgt.s32 s9, $0x8;
	v13 =	vmul.f32 v15, v13;
	v63 =	vmul.f32 v59, v33;
	v61 =	vadd.f32 $2.000000000e+00, v29;
	v15 =	vpop (erf)  }
.Ltmp11:
0x252: {  	v60 =	vadd.f32 $-1.000000000e+00, v37;
	(erf) = vrcp.f32 v26;
	v15 =	vmul.f32 v15, v35;
	(pc) =	sbr.rel @!p2 .LBB2_31-.Ltmp11, $4  }
0x253: {  	v62 =	vadd.f32 $2.000000000e+00, v13;
	v29 =	vadd.f32 $-1.000000000e+00, v23;
	v32 =	vmul.f32 v61, v53;
	v23 =	vpop (erf)  }
0x254: {  	v30 =	vadd.s32 $0xFFFFFF81, v30;
	v23 =	vmul.f32 v23, v60;
	v26 =	vmul.f32 v15, v15  }
0x255: {  	v30 =	vcvt.s32.f32 v30;
	v33 =	vmul.f32 v62, v25;
	v34 =	vadd.f32 v32, v58  }
0x256: {  	s10 =	simm.s32 $0x8;
	s11 =	simm.s32 $0x109A0;
	p1 =	por $0x1, $0x1;
	[tilespmem:s24+$0x0] =	vst.add.f32.msk $0xffff, v24;
	v35 =	vadd.f32 $2.000000000e+00, v63;
	v13 =	vmul.f32 v23, v23;
	v32 =	vmul.f32 $2.857142980e-01, v26  }
.LBB2_32:
0x257: {  	v24 =	vld [tilespmem:s11+$0xFFFFFFF0];
	s10 =	sadd.s32 $0x4, s10;
	v25 =	vshra.s32 v27, $0x17;
	v16 =	vshra.s32 v16, $0x17;
	v27 =	vmul.f32 v34, v12;
	v12 =	vmovc v31  }
0x258: {  	v34 =	vmul.f32 $2.857142980e-01, v13;
	v19 =	vadd.f32 v33, v19;
	v31 =	vld [tilespmem:s11+$0x0];
	p2 =	slt.s32 s10, s9;
	v32 =	vadd.f32 $4.000000060e-01, v32  }
0x259: {  	v25 =	vadd.s32 $0xFFFFFF81, v25;
	v16 =	vadd.s32 $0xFFFFFF81, v16;
	v17 =	vmul.f32 v35, v17;
	v33 =	vpop (erf)  }
0x25a: {  	v28 =	vadd.f32 $-1.000000000e+00, v28;
	v16 =	vcvt.s32.f32 v16;
	v32 =	vmul.f32 v32, v26;
	[tilespmem:s24+$0x0] =	vst.add.f32.msk $0xffff, v27  }
0x25b: {  	v25 =	vcvt.s32.f32 v25;
	v19 =	vmul.f32 v19, v10;
	v20 =	vadd.f32 v17, v20;
	v27 =	vpop (erf)  }
0x25c: {  	v10 =	vmovc v21;
	v17 =	vmul.f32 v33, v29;
	v35 =	vld [tilespmem:s11+$0x10];
	v36 =	vmul.f32 v27, v28;
	v27 =	vadd.f32 $6.666666860e-01, v32  }
0x25d: {  	v14 =	vshra.s32 v14, $0x17;
	v28 =	vmul.f32 $6.931471820e-01, v30;
	v20 =	vmul.f32 v20, v11;
	v11 =	vmovc v22;
	[tilespmem:s24+$0x0] =	vst.add.f32.msk $0xffff, v19  }
0x25e: {  	v14 =	vadd.s32 $0xFFFFFF81, v14;
	v19 =	vmul.f32 $6.931471820e-01, v16;
	v22 =	vmul.f32 v27, v26  }
0x25f: {  	v14 =	vcvt.s32.f32 v14;
	v16 =	vmax.f32 v24, $9.999999930e-09;
	v24 =	vmul.f32 v36, v36;
	[tilespmem:s24+$0x0] =	vst.add.f32.msk $0xffff, v20  }
0x260: {  	v26 =	vmin.f32 v16, $1.000000000e+00;
	v16 =	vmax.f32 v31, $9.999999930e-09  }
0x261: {  	v29 =	vadd.f32 $9.999999930e-09, v26;
	v21 =	vmin.f32 v16, $1.000000000e+00;
	v20 =	vmul.f32 $6.931471820e-01, v14  }
0x262: {  	v27 =	vadd.f32 $4.000000060e-01, v34;
	v16 =	vadd.f32 $9.999999930e-09, v21;
	v14 =	vmax.f32 v35, $9.999999930e-09  }
0x263: {  	v32 =	vmul.f32 v17, v17;
	v31 =	vmul.f32 $2.857142980e-01, v24;
	v30 =	vand.u32 $0x7FFFFF, v29  }
0x264: {  	v35 =	vadd.f32 $2.000000000e+00, v22;
	v30 =	vor.u32 $0x3F800000, v30;
	v34 =	vand.u32 $0x7FFFFF, v16;
	v33 =	vld [tilespmem:s11+$0xFFFFFFE0]  }
0x265: {  	v22 =	vmin.f32 v14, $1.000000000e+00;
	v37 =	vadd.f32 $1.000000000e+00, v30;
	v34 =	vor.u32 $0x3F800000, v34  }
0x266: {  	v31 =	vadd.f32 $4.000000060e-01, v31;
	v15 =	vmul.f32 v35, v15;
	v38 =	vadd.f32 $1.000000000e+00, v34  }
0x267: {  	v14 =	vadd.f32 $9.999999930e-09, v22;
	v35 =	vmul.f32 $2.857142980e-01, v32;
	(erf) = vrcp.f32 v37  }
0x268: {  	v15 =	vadd.f32 v15, v28;
	v37 =	vmul.f32 v31, v24;
	(erf) = vrcp.f32 v38  }
0x269: {  	v35 =	vadd.f32 $4.000000060e-01, v35;
	v28 =	vmax.f32 v33, $9.999999930e-09;
	v33 =	vand.u32 $0x7FFFFF, v14  }
0x26a: {  	v15 =	vmul.f32 v15, v18;
	v18 =	vmovc v26;
	v38 =	vmul.f32 v27, v13;
	v31 =	vmin.f32 v28, $1.000000000e+00  }
0x26b: {  	v26 =	vor.u32 $0x3F800000, v33;
	v28 =	vmul.f32 v35, v32;
	v27 =	vadd.f32 $9.999999930e-09, v31  }
0x26c: {  	v25 =	vmul.f32 $6.931471820e-01, v25;
	v35 =	vadd.f32 $6.666666860e-01, v37;
	v33 =	vadd.f32 $1.000000000e+00, v26;
	[tilespmem:s24+$0x0] =	vst.add.f32.msk $0xffff, v15  }
0x26d: {  	v37 =	vshra.s32 v29, $0x17;
	v39 =	vadd.f32 $6.666666860e-01, v28;
	v15 =	vand.u32 $0x7FFFFF, v27  }
0x26e: {  	v38 =	vadd.f32 $6.666666860e-01, v38;
	v28 =	vor.u32 $0x3F800000, v15;
	v15 =	vmul.f32 v35, v24  }
0x26f: {  	v29 =	vadd.f32 $-1.000000000e+00, v30;
	v35 =	vadd.f32 $1.000000000e+00, v28;
	(erf) = vrcp.f32 v33  }
0x270: {  	v30 =	vadd.f32 $-1.000000000e+00, v34;
	v13 =	vmul.f32 v38, v13;
	v33 =	vpop (erf);
	v34 =	vadd.f32 $2.000000000e+00, v15  }
.Ltmp12:
0x271: {  	v15 =	vmul.f32 v33, v29;
	v29 =	vadd.f32 $-1.000000000e+00, v26;
	(erf) = vrcp.f32 v35;
	v24 =	vpop (erf);
	(pc) =	sbr.rel @p2 .LBB2_32-.Ltmp12, $4  }
0x272: {  	v33 =	vadd.f32 $2.000000000e+00, v13;
	v24 =	vmul.f32 v24, v30;
	v30 =	vmul.f32 v34, v36  }
0x273: {  	v35 =	vadd.s32 $0xFFFFFF81, v37;
	v36 =	vmul.f32 v39, v32;
	v26 =	vmul.f32 v15, v15  }
0x274: {  	v33 =	vmul.f32 v33, v23;
	v13 =	vmul.f32 v24, v24;
	v34 =	vadd.f32 v30, v25;
	v23 =	vmovc v24  }
0x275: {  	s11 =	sadd.s32 $0x40, s11;
	v30 =	vcvt.s32.f32 v35;
	v35 =	vadd.f32 $2.000000000e+00, v36;
	v32 =	vmul.f32 $2.857142980e-01, v26  }
0x276: {  	v38 =	vmov v12;
	v37 =	vmov v10;
	v36 =	vmov v11  }
0x277: {  	v12 =	vmovc v31;
	v10 =	vmovc v21;
	v11 =	vmov v22;
	v24 =	vmov v18;
	v25 =	vmov v23  }
.LBB2_34:
0x278: {  	_ = 	snop  }
0x279: {  	v18 =	vpop (erf);
	v21 =	vadd.f32 $-1.000000000e+00, v28  }
0x27a: {  	v18 =	vmul.f32 v18, v29;
	v22 =	vpop (erf)  }
0x27b: {  	v27 =	vshra.s32 v27, $0x17;
	v19 =	vadd.f32 @p1 v33, v19;
	v21 =	vmul.f32 v22, v21  }
0x27c: {  	v17 =	vmul.f32 @p1 v35, v17;
	v16 =	vshra.s32 v16, $0x17;
	v29 =	vmul.f32 v18, v18  }
0x27d: {  	v31 =	vadd.f32 $4.000000060e-01, v32;
	v54 =	vmul.f32 $2.857142980e-01, v13;
	v23 =	vmul.f32 v21, v21  }
0x27e: {  	v30 =	vmul.f32 $6.931471820e-01, v30;
	v14 =	vshra.s32 v14, $0x17;
	v56 =	vmul.f32 $2.857142980e-01, v29  }
0x27f: {  	v27 =	vadd.s32 $0xFFFFFF81, v27;
	v32 =	vadd.f32 $4.000000060e-01, v54;
	v53 =	vmul.f32 $2.857142980e-01, v23  }
0x280: {  	v16 =	vadd.s32 $0xFFFFFF81, v16;
	v31 =	vmul.f32 v31, v26;
	v28 =	vadd.f32 $4.000000060e-01, v56  }
0x281: {  	v14 =	vadd.s32 $0xFFFFFF81, v14;
	v32 =	vmul.f32 v32, v13;
	v55 =	vadd.f32 $4.000000060e-01, v53  }
0x282: {  	v19 =	vmul.f32 @p1 v19, v37;
	v31 =	vadd.f32 $6.666666860e-01, v31;
	v28 =	vmul.f32 v28, v29  }
0x283: {  	v17 =	vadd.f32 @p1 v17, v20;
	v58 =	vadd.f32 $6.666666860e-01, v32;
	v20 =	vmul.f32 v55, v23  }
0x284: {  	v16 =	vcvt.s32.f32 v16;
	v57 =	vmul.f32 v31, v26;
	v28 =	vadd.f32 $6.666666860e-01, v28  }
0x285: {  	v27 =	vcvt.s32.f32 v27;
	v60 =	vmul.f32 v58, v13;
	v20 =	vadd.f32 $6.666666860e-01, v20  }
0x286: {  	v14 =	vcvt.s32.f32 v14;
	v59 =	vadd.f32 $2.000000000e+00, v57;
	v61 =	vmul.f32 v28, v29  }
0x287: {  	v22 =	vmul.f32 @p1 v34, v38;
	v13 =	vadd.f32 $2.000000000e+00, v60;
	v20 =	vmul.f32 v20, v23  }
0x288: {  	v17 =	vmul.f32 @p1 v17, v36;
	v15 =	vmul.f32 v59, v15;
	v63 =	vadd.f32 $2.000000000e+00, v61  }
0x289: {  	v16 =	vmul.f32 $6.931471820e-01, v16;
	v13 =	vmul.f32 v13, v25;
	v20 =	vadd.f32 $2.000000000e+00, v20  }
0x28a: {  	v14 =	vmul.f32 $6.931471820e-01, v14;
	v15 =	vadd.f32 v15, v30;
	v18 =	vmul.f32 v63, v18  }
0x28b: {  	v62 =	vmul.f32 $6.931471820e-01, v27;
	[tilespmem:s24+$0x0] =	vst.add.f32.msk @p1 $0xffff, v19;
	v13 =	vadd.f32 v13, v16;
	v20 =	vmul.f32 v20, v21  }
0x28c: {  	[tilespmem:s24+$0x0] =	vst.add.f32.msk @p1 $0xffff, v22;
	v15 =	vmul.f32 v15, v24;
	v14 =	vadd.f32 v18, v14  }
0x28d: {  	[tilespmem:s24+$0x0] =	vst.add.f32.msk @p1 $0xffff, v17;
	v10 =	vmul.f32 v13, v10;
	v20 =	vadd.f32 v20, v62  }
0x28e: {  	[tilespmem:s24+$0x0] =	vst.add.f32.msk $0xffff, v15;
	v11 =	vmul.f32 v14, v11  }
0x28f: {  	[tilespmem:s24+$0x0] =	vst.add.f32.msk $0xffff, v10;
	v12 =	vmul.f32 v20, v12  }
0x290: {  	[tilespmem:s24+$0x0] =	vst.add.f32.msk $0xffff, v11  }
0x291: {  	[tilespmem:s24+$0x0] =	vst.add.f32.msk $0xffff, v12  }
.LBB2_22:
0x292: {  	s5 =	ssub.s32 s8, s9  }
0x293: {  	p1 =	slt.s32 s5, $0x1  }
.Ltmp13:
0x294: {  	_ = 	snop;
	(pc) =	sbr.rel @p1 .LBB2_25-.Ltmp13, $1  }
0x295: {  	_ =	sdelay $0x3  }
0x296: {  	s10 =	sshll.u32 s8, $0x6;
	s5 =	sshll.u32 s5, $0x6  }
0x297: {  	s5 =	ssub.s32 s10, s5  }
0x298: {  	s5 =	sshra.s32 s5, $0x2  }
0x299: {  	s5 =	sadd.s32 $0x10900, s5  }
.LBB2_24:
0x29a: {  	v10 =	vld [tilespmem:s5+$0x0];
	_ =	sdelay $0x4  }
0x29b: {  	v10 =	vmax.f32 v10, $9.999999930e-09  }
0x29c: {  	v10 =	vmin.f32 v10, $1.000000000e+00  }
0x29d: {  	v11 =	vadd.f32 $9.999999930e-09, v10;
	_ =	sdelay $0x1  }
0x29e: {  	v12 =	vand.u32 $0x7FFFFF, v11  }
0x29f: {  	v12 =	vor.u32 $0x3F800000, v12  }
0x2a0: {  	v13 =	vadd.f32 $1.000000000e+00, v12;
	_ =	sdelay $0x1  }
0x2a1: {  	(erf) = vrcp.f32 v13;
	_ =	sdelay $0x7  }
0x2a2: {  	v12 =	vadd.f32 $-1.000000000e+00, v12  }
0x2a3: {  	v13 =	vpop (erf)  }
0x2a4: {  	v12 =	vmul.f32 v13, v12;
	_ =	sdelay $0x1  }
0x2a5: {  	v13 =	vmul.f32 v12, v12;
	_ =	sdelay $0x1  }
0x2a6: {  	v14 =	vmul.f32 $2.857142980e-01, v13;
	_ =	sdelay $0x1  }
0x2a7: {  	v14 =	vadd.f32 $4.000000060e-01, v14;
	_ =	sdelay $0x1  }
0x2a8: {  	v14 =	vmul.f32 v14, v13;
	_ =	sdelay $0x1  }
0x2a9: {  	v14 =	vadd.f32 $6.666666860e-01, v14;
	_ =	sdelay $0x1  }
0x2aa: {  	v11 =	vshra.s32 v11, $0x17;
	v13 =	vmul.f32 v14, v13  }
0x2ab: {  	v11 =	vadd.s32 $0xFFFFFF81, v11  }
0x2ac: {  	v11 =	vcvt.s32.f32 v11;
	v13 =	vadd.f32 $2.000000000e+00, v13;
	_ =	sdelay $0x1  }
0x2ad: {  	s9 =	sadd.s32 $0x1, s9;
	v11 =	vmul.f32 $6.931471820e-01, v11;
	v12 =	vmul.f32 v13, v12  }
0x2ae: {  	p1 =	slt.s32 s9, s8  }
.Ltmp14:
0x2af: {  	v11 =	vadd.f32 v12, v11;
	(pc) =	sbr.rel @p1 .LBB2_24-.Ltmp14, $3  }
0x2b0: {  	_ = 	snop  }
0x2b1: {  	v10 =	vmul.f32 v11, v10;
	_ =	sdelay $0x1  }
0x2b2: {  	s5 =	sadd.s32 $0x10, s5;
	[tilespmem:s24+$0x0] =	vst.add.f32.msk $0xffff, v10  }
.LBB2_25:
.Ltmp15:
0x2b3: {  	(pc) =	sbr.rel @p0 .LBB2_26-.Ltmp15, $2  }
0x2b4: {  	_ =	sdelay $0x2  }
0x2b5: {  	s0 =	sadd.s32 s7, s0  }
0x2b6: {  	s5 =	sadd.s32 $0x3, s17  }
0x2b7: {  	s7 =	sshll.u32 s5, $0xA  }
0x2b8: {  	s5 =	sshll.u32 s5, $0x5;
	s7 =	sadd.s32 s6, s7  }
0x2b9: {  	s5 =	sand.u32 $0x60, s5;
	s7 =	sand.u32 $0x3FF000, s7  }
0x2ba: {  	s5 =	sor.u32 s5, s7  }
0x2bb: {  	s7 =	sadd.s32 s1, s5  }
0x2bc: {  	[tilespmem:s19], [sflag:$0x2] =	stream.strided.gather [hbm4b:s7+s15], $0x2000, s16, s15, $0x38;
	[tilespmem:$0x12980] =	vst v63  }
.Ltmp16:
0x2bd: {  	_ = 	snop;
	(pc) =	sbr.rel .LBB2_4-.Ltmp16, $4  }
0x2be: {  	s30 =	sadd.s32 s2, s5  }
0x2bf: {  	[tilespmem:s20], [sflag:$0x2] =	stream.strided.gather [hbm4b:s30+s15], $0x2000, s16, s15, $0x38;
	[tilespmem:$0x12980] =	vst v63  }
0x2c0: {  	s3 =	sadd.s32 $0x1, s3;
	s5 =	sadd.s32 s4, s5  }
0x2c1: {  	[tilespmem:s21], [sflag:$0x2] =	stream.strided.gather [hbm4b:s5+s15], $0x2000, s16, s15, $0x38;
	[tilespmem:$0x12980] =	vst v63  }
.LBB2_8:
.Ltmp17:
0x2c2: {  	(pc) =	sbr.rel .LBB2_21-.Ltmp17, $2  }
0x2c3: {  	_ =	sdelay $0x2  }
0x2c4: {  	_ = 	snop  }
.LBB2_16:
.Ltmp18:
0x2c5: {  	(pc) =	sbr.rel .LBB2_34-.Ltmp18, $2  }
0x2c6: {  	_ =	sdelay $0x2  }
0x2c7: {  	_ = 	snop  }
.LBB2_18:
.Ltmp19:
0x2c8: {  	(pc) =	sbr.rel .LBB2_21-.Ltmp19, $3  }
0x2c9: {  	_ =	sdelay $0x1  }
0x2ca: {  	v38 =	vmov v12;
	v37 =	vmov v10;
	v36 =	vmov v11  }
0x2cb: {  	v12 =	vmovc v31;
	v10 =	vmovc v21;
	v11 =	vmov v22;
	v24 =	vmov v18;
	v25 =	vmov v23  }
.LBB2_31:
.Ltmp20:
0x2cc: {  	(pc) =	sbr.rel .LBB2_34-.Ltmp20, $3  }
0x2cd: {  	_ =	sdelay $0x1  }
0x2ce: {  	v38 =	vmov v12;
	v37 =	vmov v10;
	v36 =	vmov v11  }
0x2cf: {  	v12 =	vmovc v31;
	v10 =	vmovc v21;
	v11 =	vmov v22;
	v24 =	vmov v18;
	v25 =	vmov v23  }
.LBB2_26:
0x2d0: {  	s14 =	simm.s32 $0xC040  }
0x2d1: {  	v10 =	vld [tilespmem:s14+$0xFFFFFFC0];
	_ =	sdelay $0x4  }
0x2d2: {  	v11 =	vperm.xlane v10, v6;
	_ =	sdelay $0x1  }
0x2d3: {  	v10 =	vadd.f32 v11, v10;
	_ =	sdelay $0x1  }
0x2d4: {  	v11 =	vperm.xlane v10, v7;
	_ =	sdelay $0x1  }
0x2d5: {  	v10 =	vadd.f32 v11, v10;
	_ =	sdelay $0x1  }
0x2d6: {  	v11 =	vperm.xlane v10, v8;
	_ =	sdelay $0x1  }
0x2d7: {  	v10 =	vadd.f32 v11, v10;
	_ =	sdelay $0x1  }
0x2d8: {  	v11 =	vperm.xlane v10, v9;
	_ =	sdelay $0x1  }
0x2d9: {  	v10 =	vadd.f32 v11, v10  }
0x2da: {  	s3 =	simm.s32 $0x10484  }
0x2db: {  	[tilespmem:s3+$0xFFFFFFFC] =	vst.msk $0x1, v10  }
0x2dc: {  	s7 =	simm.s32 $0xC0C0;
	v10 =	vld [tilespmem:s14+$0xFFFFFFD0]  }
0x2dd: {  	v11 =	vld [tilespmem:s7+$0xFFFFFFC0];
	_ =	sdelay $0x3  }
0x2de: {  	v12 =	vperm.xlane v10, v6  }
0x2df: {  	v13 =	vperm.xlane v11, v6  }
0x2e0: {  	v10 =	vadd.f32 v12, v10  }
0x2e1: {  	v11 =	vadd.f32 v13, v11  }
0x2e2: {  	v12 =	vperm.xlane v10, v7  }
0x2e3: {  	v13 =	vperm.xlane v11, v7  }
0x2e4: {  	v10 =	vadd.f32 v12, v10  }
0x2e5: {  	v11 =	vadd.f32 v13, v11  }
0x2e6: {  	v12 =	vperm.xlane v10, v8  }
0x2e7: {  	v13 =	vperm.xlane v11, v8  }
0x2e8: {  	v10 =	vadd.f32 v12, v10  }
0x2e9: {  	v11 =	vadd.f32 v13, v11  }
0x2ea: {  	v12 =	vperm.xlane v10, v9  }
0x2eb: {  	v13 =	vperm.xlane v11, v9  }
0x2ec: {  	v10 =	vadd.f32 v12, v10  }
0x2ed: {  	v11 =	vadd.f32 v13, v11  }
0x2ee: {  	s17 =	simm.s32 $0x1048C;
	[tilespmem:s3+$0xFFFFFFFD] =	vst.msk $0x1, v10  }
0x2ef: {  	[tilespmem:s17+$0xFFFFFFFC] =	vst.msk $0x1, v11;
	v10 =	vld [tilespmem:s14+$0xFFFFFFE0]  }
0x2f0: {  	s18 =	simm.s32 $0xC140;
	v11 =	vld [tilespmem:s7+$0xFFFFFFD0]  }
0x2f1: {  	v12 =	vld [tilespmem:s18+$0xFFFFFFC0];
	_ =	sdelay $0x2  }
0x2f2: {  	v13 =	vperm.xlane v10, v6  }
0x2f3: {  	v14 =	vperm.xlane v11, v6  }
0x2f4: {  	v10 =	vadd.f32 v13, v10;
	v13 =	vperm.xlane v12, v6  }
0x2f5: {  	v11 =	vadd.f32 v14, v11  }
0x2f6: {  	v14 =	vperm.xlane v10, v7;
	v12 =	vadd.f32 v13, v12  }
0x2f7: {  	v13 =	vperm.xlane v11, v7  }
0x2f8: {  	v10 =	vadd.f32 v14, v10;
	v14 =	vperm.xlane v12, v7  }
0x2f9: {  	v11 =	vadd.f32 v13, v11  }
0x2fa: {  	v13 =	vperm.xlane v10, v8;
	v12 =	vadd.f32 v14, v12  }
0x2fb: {  	v14 =	vperm.xlane v11, v8  }
0x2fc: {  	v10 =	vadd.f32 v13, v10;
	v13 =	vperm.xlane v12, v8  }
0x2fd: {  	v11 =	vadd.f32 v14, v11  }
0x2fe: {  	v14 =	vperm.xlane v10, v9;
	v12 =	vadd.f32 v13, v12  }
0x2ff: {  	v13 =	vperm.xlane v11, v9  }
0x300: {  	v15 =	vperm.xlane v12, v9;
	v10 =	vadd.f32 v14, v10  }
0x301: {  	v11 =	vadd.f32 v13, v11  }
0x302: {  	v12 =	vadd.f32 v15, v12;
	[tilespmem:s3+$0xFFFFFFFE] =	vst.msk $0x1, v10  }
0x303: {  	s31 =	simm.s32 $0x10494;
	[tilespmem:s17+$0xFFFFFFFD] =	vst.msk $0x1, v11;
	v10 =	vld [tilespmem:s14+$0xFFFFFFF0]  }
0x304: {  	v11 =	vld [tilespmem:s7+$0xFFFFFFE0];
	[tilespmem:s31+$0xFFFFFFFC] =	vst.msk $0x1, v12  }
0x305: {  	s28 =	simm.s32 $0xC1C0;
	v12 =	vld [tilespmem:s18+$0xFFFFFFD0]  }
0x306: {  	v13 =	vld [tilespmem:s28+$0xFFFFFFC0];
	_ =	sdelay $0x1  }
0x307: {  	v14 =	vperm.xlane v10, v6  }
0x308: {  	v15 =	vperm.xlane v11, v6  }
0x309: {  	v16 =	vperm.xlane v12, v6;
	v10 =	vadd.f32 v14, v10  }
0x30a: {  	v11 =	vadd.f32 v15, v11;
	v14 =	vperm.xlane v13, v6  }
0x30b: {  	v12 =	vadd.f32 v16, v12;
	v15 =	vperm.xlane v10, v7  }
0x30c: {  	v16 =	vperm.xlane v11, v7;
	v13 =	vadd.f32 v14, v13  }
0x30d: {  	v14 =	vperm.xlane v12, v7;
	v10 =	vadd.f32 v15, v10  }
0x30e: {  	v11 =	vadd.f32 v16, v11;
	v15 =	vperm.xlane v13, v7  }
0x30f: {  	v12 =	vadd.f32 v14, v12;
	v14 =	vperm.xlane v10, v8  }
0x310: {  	v16 =	vperm.xlane v11, v8;
	v13 =	vadd.f32 v15, v13  }
0x311: {  	v15 =	vperm.xlane v12, v8;
	v10 =	vadd.f32 v14, v10  }
0x312: {  	v11 =	vadd.f32 v16, v11;
	v14 =	vperm.xlane v13, v8  }
0x313: {  	v12 =	vadd.f32 v15, v12;
	v15 =	vperm.xlane v10, v9  }
0x314: {  	s8 =	simm.s32 $0xC240;
	v16 =	vperm.xlane v11, v9;
	v13 =	vadd.f32 v14, v13  }
0x315: {  	v17 =	vld [tilespmem:s8+$0xFFFFFFC0];
	v14 =	vperm.xlane v12, v9;
	v10 =	vadd.f32 v15, v10  }
0x316: {  	v15 =	vperm.xlane v13, v9;
	v11 =	vadd.f32 v16, v11  }
0x317: {  	v12 =	vadd.f32 v14, v12;
	[tilespmem:s3+$0xFFFFFFFF] =	vst.msk $0x1, v10  }
0x318: {  	v10 =	vadd.f32 v15, v13;
	[tilespmem:s17+$0xFFFFFFFE] =	vst.msk $0x1, v11;
	v11 =	vld [tilespmem:s14+$0x0]  }
0x319: {  	s26 =	simm.s32 $0x1049C;
	[tilespmem:s31+$0xFFFFFFFD] =	vst.msk $0x1, v12;
	v12 =	vld [tilespmem:s7+$0xFFFFFFF0]  }
0x31a: {  	[tilespmem:s26+$0xFFFFFFFC] =	vst.msk $0x1, v10;
	v10 =	vperm.xlane v17, v6;
	v13 =	vld [tilespmem:s18+$0xFFFFFFE0]  }
0x31b: {  	v14 =	vld [tilespmem:s28+$0xFFFFFFD0]  }
0x31c: {  	v10 =	vadd.f32 v10, v17  }
0x31d: {  	v15 =	vperm.xlane v11, v6  }
0x31e: {  	v16 =	vperm.xlane v10, v7;
	v17 =	vperm.xlane v12, v6  }
0x31f: {  	v18 =	vperm.xlane v13, v6;
	v11 =	vadd.f32 v15, v11  }
0x320: {  	v15 =	vperm.xlane v14, v6;
	v10 =	vadd.f32 v16, v10;
	v12 =	vadd.f32 v17, v12  }
0x321: {  	v13 =	vadd.f32 v18, v13;
	v16 =	vperm.xlane v11, v7  }
0x322: {  	v14 =	vadd.f32 v15, v14;
	v15 =	vperm.xlane v10, v8;
	v17 =	vperm.xlane v12, v7  }
0x323: {  	s10 =	simm.s32 $0xC2C0;
	v18 =	vperm.xlane v13, v7;
	v11 =	vadd.f32 v16, v11  }
0x324: {  	v16 =	vperm.xlane v14, v7;
	v10 =	vadd.f32 v15, v10;
	v15 =	vld [tilespmem:s10+$0xFFFFFFC0];
	v12 =	vadd.f32 v17, v12  }
0x325: {  	v13 =	vadd.f32 v18, v13;
	v17 =	vperm.xlane v11, v8  }
0x326: {  	v14 =	vadd.f32 v16, v14;
	v16 =	vperm.xlane v10, v9;
	v18 =	vperm.xlane v12, v8  }
0x327: {  	v19 =	vperm.xlane v13, v8;
	v11 =	vadd.f32 v17, v11  }
0x328: {  	v17 =	vperm.xlane v14, v8;
	v10 =	vadd.f32 v16, v10;
	v12 =	vadd.f32 v18, v12  }
0x329: {  	s29 =	simm.s32 $0x104A4;
	v18 =	vperm.xlane v15, v6;
	v16 =	vperm.xlane v11, v9  }
0x32a: {  	v13 =	vadd.f32 v19, v13;
	v14 =	vadd.f32 v17, v14;
	[tilespmem:s29+$0xFFFFFFFC] =	vst.msk $0x1, v10;
	v10 =	vperm.xlane v12, v9  }
0x32b: {  	v17 =	vld [tilespmem:s8+$0xFFFFFFD0];
	v15 =	vadd.f32 v18, v15;
	v11 =	vadd.f32 v16, v11  }
0x32c: {  	v16 =	vperm.xlane v13, v9;
	v10 =	vadd.f32 v10, v12  }
0x32d: {  	v12 =	vperm.xlane v14, v9;
	[tilespmem:s3+$0x0] =	vst.msk $0x1, v11;
	v11 =	vperm.xlane v15, v7  }
0x32e: {  	v13 =	vadd.f32 v16, v13;
	v16 =	vld [tilespmem:s14+$0x10];
	[tilespmem:s17+$0xFFFFFFFF] =	vst.msk $0x1, v10  }
0x32f: {  	v10 =	vadd.f32 v12, v14;
	v11 =	vadd.f32 v11, v15;
	v12 =	vld [tilespmem:s7+$0x0]  }
0x330: {  	v14 =	vperm.xlane v17, v6;
	[tilespmem:s31+$0xFFFFFFFE] =	vst.msk $0x1, v13  }
0x331: {  	[tilespmem:s26+$0xFFFFFFFD] =	vst.msk $0x1, v10;
	v10 =	vld [tilespmem:s18+$0xFFFFFFF0];
	v13 =	vperm.xlane v11, v8  }
0x332: {  	v15 =	vld [tilespmem:s28+$0xFFFFFFE0];
	v14 =	vadd.f32 v14, v17  }
0x333: {  	v17 =	vperm.xlane v16, v6;
	v11 =	vadd.f32 v13, v11  }
0x334: {  	v13 =	vperm.xlane v14, v7;
	v18 =	vperm.xlane v12, v6  }
0x335: {  	v16 =	vadd.f32 v17, v16;
	v17 =	vperm.xlane v11, v9  }
0x336: {  	v13 =	vadd.f32 v13, v14;
	v14 =	vperm.xlane v10, v6;
	v12 =	vadd.f32 v18, v12  }
0x337: {  	v18 =	vperm.xlane v15, v6;
	v19 =	vperm.xlane v16, v7;
	v11 =	vadd.f32 v17, v11  }
0x338: {  	s9 =	simm.s32 $0x104AC;
	v17 =	vperm.xlane v13, v8;
	v10 =	vadd.f32 v14, v10;
	v14 =	vperm.xlane v12, v7  }
0x339: {  	v15 =	vadd.f32 v18, v15;
	v16 =	vadd.f32 v19, v16;
	[tilespmem:s9+$0xFFFFFFFC] =	vst.msk $0x1, v11  }
0x33a: {  	v11 =	vadd.f32 v17, v13;
	v13 =	vperm.xlane v10, v7;
	v17 =	vld [tilespmem:s10+$0xFFFFFFD0];
	v12 =	vadd.f32 v14, v12  }
0x33b: {  	s11 =	simm.s32 $0xC340;
	v14 =	vperm.xlane v15, v7;
	v18 =	vperm.xlane v16, v8  }
0x33c: {  	v19 =	vperm.xlane v11, v9;
	v10 =	vadd.f32 v13, v10;
	v13 =	vld [tilespmem:s11+$0xFFFFFFC0];
	v20 =	vperm.xlane v12, v8  }
0x33d: {  	v14 =	vadd.f32 v14, v15;
	v15 =	vadd.f32 v18, v16  }
0x33e: {  	v11 =	vadd.f32 v19, v11;
	v16 =	vperm.xlane v10, v8;
	v12 =	vadd.f32 v20, v12  }
0x33f: {  	v18 =	vperm.xlane v15, v9;
	v19 =	vperm.xlane v17, v6  }
0x340: {  	v20 =	vperm.xlane v14, v8;
	[tilespmem:s29+$0xFFFFFFFD] =	vst.msk $0x1, v11;
	v10 =	vadd.f32 v16, v10;
	v11 =	vperm.xlane v12, v9  }
0x341: {  	v16 =	vld [tilespmem:s8+$0xFFFFFFE0];
	v15 =	vadd.f32 v18, v15;
	v18 =	vperm.xlane v13, v6;
	v17 =	vadd.f32 v19, v17  }
0x342: {  	v14 =	vadd.f32 v20, v14;
	v19 =	vperm.xlane v10, v9;
	v11 =	vadd.f32 v11, v12  }
0x343: {  	[tilespmem:s3+$0x1] =	vst.msk $0x1, v15;
	v12 =	vadd.f32 v18, v13;
	v13 =	vperm.xlane v17, v7  }
0x344: {  	v15 =	vperm.xlane v14, v9;
	v10 =	vadd.f32 v19, v10;
	v18 =	vld [tilespmem:s14+$0x20];
	[tilespmem:s17+$0x0] =	vst.msk $0x1, v11  }
0x345: {  	v11 =	vperm.xlane v12, v7;
	v13 =	vadd.f32 v13, v17;
	v17 =	vld [tilespmem:s7+$0x10]  }
0x346: {  	v14 =	vadd.f32 v15, v14;
	v15 =	vperm.xlane v16, v6;
	[tilespmem:s31+$0xFFFFFFFF] =	vst.msk $0x1, v10  }
0x347: {  	v10 =	vadd.f32 v11, v12;
	v11 =	vperm.xlane v13, v8;
	v12 =	vld [tilespmem:s18+$0x0]  }
0x348: {  	v15 =	vadd.f32 v15, v16;
	[tilespmem:s26+$0xFFFFFFFE] =	vst.msk $0x1, v14  }
0x349: {  	v14 =	vld [tilespmem:s28+$0xFFFFFFF0];
	v16 =	vperm.xlane v18, v6;
	v19 =	vperm.xlane v10, v8;
	v11 =	vadd.f32 v11, v13  }
0x34a: {  	v13 =	vperm.xlane v15, v7;
	v20 =	vperm.xlane v17, v6  }
0x34b: {  	v16 =	vadd.f32 v16, v18;
	v10 =	vadd.f32 v19, v10;
	v18 =	vperm.xlane v11, v9  }
0x34c: {  	v13 =	vadd.f32 v13, v15;
	v15 =	vperm.xlane v12, v6;
	v17 =	vadd.f32 v20, v17  }
0x34d: {  	v19 =	vperm.xlane v16, v7;
	v20 =	vperm.xlane v10, v9;
	v11 =	vadd.f32 v18, v11  }
0x34e: {  	v18 =	vperm.xlane v14, v6;
	v12 =	vadd.f32 v15, v12;
	v15 =	vperm.xlane v17, v7  }
0x34f: {  	v16 =	vadd.f32 v19, v16;
	v10 =	vadd.f32 v20, v10  }
0x350: {  	[tilespmem:s9+$0xFFFFFFFD] =	vst.msk $0x1, v11;
	v11 =	vadd.f32 v18, v14;
	v18 =	vperm.xlane v12, v7;
	v15 =	vadd.f32 v15, v17  }
0x351: {  	s12 =	simm.s32 $0x104B4;
	v17 =	vperm.xlane v16, v8  }
0x352: {  	v21 =	vperm.xlane v13, v8;
	v14 =	vld [tilespmem:s10+$0xFFFFFFE0];
	[tilespmem:s12+$0xFFFFFFFC] =	vst.msk $0x1, v10;
	v12 =	vadd.f32 v18, v12;
	v18 =	vperm.xlane v15, v8  }
0x353: {  	v10 =	vperm.xlane v11, v7;
	v19 =	vld [tilespmem:s11+$0xFFFFFFD0];
	v16 =	vadd.f32 v17, v16  }
0x354: {  	s13 =	simm.s32 $0xC3C0;
	v13 =	vadd.f32 v21, v13;
	v17 =	vperm.xlane v12, v8;
	v15 =	vadd.f32 v18, v15  }
0x355: {  	v10 =	vadd.f32 v10, v11;
	v11 =	vld [tilespmem:s13+$0xFFFFFFC0];
	v18 =	vperm.xlane v16, v9  }
0x356: {  	v20 =	vperm.xlane v13, v9;
	v12 =	vadd.f32 v17, v12;
	v17 =	vperm.xlane v15, v9  }
0x357: {  	v58 =	vperm.xlane v14, v6;
	v22 =	vperm.xlane v10, v8;
	v16 =	vadd.f32 v18, v16  }
0x358: {  	v13 =	vadd.f32 v20, v13;
	v18 =	vperm.xlane v19, v6;
	v15 =	vadd.f32 v17, v15  }
0x359: {  	v14 =	vadd.f32 v58, v14;
	v10 =	vadd.f32 v22, v10;
	v59 =	vperm.xlane v12, v9;
	[tilespmem:s3+$0x2] =	vst.msk $0x1, v16  }
0x35a: {  	v16 =	vperm.xlane v11, v6;
	v17 =	vadd.f32 v18, v19;
	v18 =	vld [tilespmem:s14+$0x30];
	[tilespmem:s17+$0x1] =	vst.msk $0x1, v15  }
0x35b: {  	[tilespmem:s29+$0xFFFFFFFE] =	vst.msk $0x1, v13;
	v19 =	vperm.xlane v14, v7;
	v20 =	vperm.xlane v10, v9;
	v12 =	vadd.f32 v59, v12;
	v13 =	vld [tilespmem:s7+$0x20]  }
0x35c: {  	v11 =	vadd.f32 v16, v11;
	v15 =	vperm.xlane v17, v7;
	v16 =	vld [tilespmem:s8+$0xFFFFFFF0]  }
0x35d: {  	v14 =	vadd.f32 v19, v14;
	v10 =	vadd.f32 v20, v10;
	[tilespmem:s31+$0x0] =	vst.msk $0x1, v12  }
0x35e: {  	v12 =	vperm.xlane v11, v7;
	v19 =	vld [tilespmem:s18+$0x10];
	v15 =	vadd.f32 v15, v17  }
0x35f: {  	v17 =	vperm.xlane v14, v8;
	[tilespmem:s26+$0xFFFFFFFF] =	vst.msk $0x1, v10  }
0x360: {  	v10 =	vperm.xlane v18, v6;
	v11 =	vadd.f32 v12, v11;
	v12 =	vld [tilespmem:s28+$0x0];
	v20 =	vperm.xlane v15, v8  }
0x361: {  	v14 =	vadd.f32 v17, v14;
	v17 =	vperm.xlane v13, v6;
	v60 =	vperm.xlane v16, v6  }
0x362: {  	v10 =	vadd.f32 v10, v18;
	v18 =	vperm.xlane v11, v8;
	v15 =	vadd.f32 v20, v15  }
0x363: {  	v20 =	vperm.xlane v14, v9;
	v61 =	vperm.xlane v19, v6;
	v13 =	vadd.f32 v17, v13  }
0x364: {  	v11 =	vadd.f32 v18, v11;
	v17 =	vperm.xlane v10, v7;
	v18 =	vperm.xlane v15, v9  }
0x365: {  	v23 =	vperm.xlane v12, v6;
	v19 =	vadd.f32 v61, v19;
	v62 =	vperm.xlane v13, v7  }
0x366: {  	v24 =	vperm.xlane v11, v9;
	v10 =	vadd.f32 v17, v10;
	v15 =	vadd.f32 v18, v15  }
0x367: {  	v12 =	vadd.f32 v23, v12;
	v17 =	vperm.xlane v19, v7;
	v22 =	vadd.f32 v62, v13  }
0x368: {  	v21 =	vadd.f32 v60, v16;
	v16 =	vperm.xlane v10, v8;
	v11 =	vadd.f32 v24, v11;
	[tilespmem:s12+$0xFFFFFFFD] =	vst.msk $0x1, v15  }
0x369: {  	s14 =	simm.s32 $0x104BC;
	v23 =	vperm.xlane v12, v7;
	v13 =	vadd.f32 v17, v19;
	v17 =	vperm.xlane v22, v8;
	v18 =	vld [tilespmem:s11+$0xFFFFFFE0]  }
0x36a: {  	v63 =	vperm.xlane v21, v7;
	v10 =	vadd.f32 v16, v10;
	[tilespmem:s14+$0xFFFFFFFC] =	vst.msk $0x1, v11;
	v16 =	vadd.f32 v20, v14  }
0x36b: {  	v15 =	vadd.f32 v23, v12;
	v14 =	vperm.xlane v13, v8;
	v19 =	vld [tilespmem:s13+$0xFFFFFFD0];
	v12 =	vadd.f32 v17, v22  }
0x36c: {  	s30 =	simm.s32 $0x38;
	s5 =	simm.s32 $0xC440;
	v17 =	vadd.f32 v63, v21;
	v11 =	vperm.xlane v10, v9  }
.LBB2_27:
0x36d: {  	v20 =	vld [tilespmem:s5+$0xFFFFFFC0];
	s30 =	sadd.s32 $0x8, s30;
	v21 =	vperm.xlane v15, v8;
	v13 =	vadd.f32 v14, v13;
	v14 =	vperm.xlane v12, v9  }
0x36e: {  	p0 =	slt.u32 s30, $0x438;
	v22 =	vperm.xlane v18, v6;
	v23 =	vperm.xlane v17, v8;
	v10 =	vadd.f32 v11, v10  }
0x36f: {  	v11 =	vadd.f32 v21, v15;
	v15 =	vperm.xlane v13, v9;
	v12 =	vadd.f32 v14, v12  }
0x370: {  	v14 =	vperm.xlane v19, v6;
	v18 =	vadd.f32 v22, v18;
	[tilespmem:s3+$0x3] =	vst.msk $0x1, v10;
	s3 =	smov.u32 s17;
	s17 =	smov.u32 s31;
	s31 =	smov.u32 s26  }
0x371: {  	v10 =	vadd.f32 v23, v17;
	s26 =	smov.u32 s29;
	s29 =	smov.u32 s9;
	s9 =	smov.u32 s12;
	v17 =	vperm.xlane v11, v9;
	v13 =	vadd.f32 v15, v13;
	[tilespmem:s3+$0x2] =	vst.msk $0x1, v12  }
0x372: {  	s12 =	smov.u32 s14;
	v12 =	vperm.xlane v20, v6;
	v14 =	vadd.f32 v14, v19;
	v15 =	vld [tilespmem:s7+$0x30];
	s7 =	smov.u32 s18;
	s18 =	smov.u32 s28  }
0x373: {  	v19 =	vperm.xlane v18, v7;
	v21 =	vperm.xlane v10, v9;
	s28 =	smov.u32 s8;
	s8 =	smov.u32 s10;
	s10 =	smov.u32 s11;
	v11 =	vadd.f32 v17, v11;
	[tilespmem:s17+$0x1] =	vst.msk $0x1, v13  }
0x374: {  	s11 =	smov.u32 s13;
	s13 =	smov.u32 s5;
	v12 =	vadd.f32 v12, v20;
	v13 =	vperm.xlane v14, v7;
	[tilespmem:s29+$0xFFFFFFFE] =	vst.msk $0x1, v16;
	v16 =	vld [tilespmem:s7+$0x20]  }
0x375: {  	v17 =	vadd.f32 v19, v18;
	v10 =	vadd.f32 v21, v10;
	v18 =	vld [tilespmem:s8+$0xFFFFFFF0];
	[tilespmem:s31+$0x0] =	vst.msk $0x1, v11  }
0x376: {  	v11 =	vperm.xlane v12, v7;
	v13 =	vadd.f32 v13, v14;
	v14 =	vld [tilespmem:s18+$0x10]  }
0x377: {  	v19 =	vperm.xlane v17, v8;
	[tilespmem:s26+$0xFFFFFFFF] =	vst.msk $0x1, v10;
	v10 =	vperm.xlane v15, v6  }
0x378: {  	v11 =	vadd.f32 v11, v12;
	v12 =	vperm.xlane v13, v8;
	v20 =	vld [tilespmem:s28+$0x0]  }
0x379: {  	v17 =	vadd.f32 v19, v17;
	v19 =	vperm.xlane v16, v6;
	v10 =	vadd.f32 v10, v15  }
0x37a: {  	v15 =	vperm.xlane v11, v8;
	v12 =	vadd.f32 v12, v13;
	v13 =	vperm.xlane v18, v6  }
0x37b: {  	v21 =	vperm.xlane v17, v9;
	v22 =	vperm.xlane v14, v6;
	v16 =	vadd.f32 v19, v16  }
0x37c: {  	v19 =	vperm.xlane v10, v7;
	v11 =	vadd.f32 v15, v11;
	v15 =	vperm.xlane v12, v9  }
0x37d: {  	v23 =	vperm.xlane v20, v6;
	v14 =	vadd.f32 v22, v14;
	v22 =	vperm.xlane v16, v7  }
0x37e: {  	v10 =	vadd.f32 v19, v10;
	v24 =	vperm.xlane v11, v9;
	v12 =	vadd.f32 v15, v12  }
0x37f: {  	v15 =	vadd.f32 v23, v20;
	v19 =	vperm.xlane v14, v7;
	v20 =	vadd.f32 v22, v16  }
.Ltmp21:
0x380: {  	v22 =	vadd.f32 v13, v18;
	v11 =	vadd.f32 v24, v11;
	[tilespmem:s14+$0xFFFFFFFD] =	vst.msk $0x1, v12;
	v12 =	vperm.xlane v10, v8;
	(pc) =	sbr.rel @p0 .LBB2_27-.Ltmp21, $4  }
0x381: {  	s14 =	sadd.s32 $0x8, s14;
	v18 =	vld [tilespmem:s11+$0xFFFFFFE0];
	v23 =	vperm.xlane v15, v7;
	v13 =	vadd.f32 v19, v14;
	v24 =	vperm.xlane v20, v8  }
0x382: {  	v16 =	vadd.f32 v21, v17;
	[tilespmem:s14+$0xFFFFFFFC] =	vst.msk $0x1, v11;
	v11 =	vperm.xlane v22, v7;
	v10 =	vadd.f32 v12, v10  }
0x383: {  	v19 =	vld [tilespmem:s5+$0xFFFFFFD0];
	v15 =	vadd.f32 v23, v15;
	v14 =	vperm.xlane v13, v8;
	v12 =	vadd.f32 v24, v20  }
0x384: {  	s5 =	sadd.s32 $0x80, s5;
	v17 =	vadd.f32 v11, v22;
	v11 =	vperm.xlane v10, v9  }
0x385: {  	_ =	sdelay $0x2  }
0x386: {  	v20 =	vperm.xlane v19, v6;
	_ =	sdelay $0x1  }
0x387: {  	v19 =	vadd.f32 v20, v19;
	_ =	sdelay $0x1  }
0x388: {  	v20 =	vperm.xlane v19, v7;
	_ =	sdelay $0x1  }
0x389: {  	v19 =	vadd.f32 v20, v19;
	_ =	sdelay $0x1  }
0x38a: {  	v20 =	vperm.xlane v19, v8;
	_ =	sdelay $0x1  }
0x38b: {  	v19 =	vadd.f32 v20, v19;
	_ =	sdelay $0x1  }
0x38c: {  	v20 =	vperm.xlane v19, v9;
	_ =	sdelay $0x1  }
0x38d: {  	v19 =	vadd.f32 v20, v19;
	_ =	sdelay $0x1  }
0x38e: {  	[tilespmem:s14+$0xFFFFFFFD] =	vst.msk $0x1, v19  }
0x38f: {  	v19 =	vld [tilespmem:s13+$0xFFFFFFE0];
	_ =	sdelay $0x1  }
0x390: {  	v54 =	vperm.xlane v18, v6;
	_ =	sdelay $0x1  }
0x391: {  	v18 =	vadd.f32 v54, v18  }
0x392: {  	v21 =	vperm.xlane v19, v6  }
0x393: {  	v20 =	vperm.xlane v18, v7  }
0x394: {  	v19 =	vadd.f32 v21, v19  }
0x395: {  	v18 =	vadd.f32 v20, v18  }
0x396: {  	v21 =	vperm.xlane v19, v7  }
0x397: {  	v20 =	vperm.xlane v18, v8  }
0x398: {  	v19 =	vadd.f32 v21, v19  }
0x399: {  	v18 =	vadd.f32 v20, v18  }
0x39a: {  	v21 =	vperm.xlane v19, v8  }
0x39b: {  	v20 =	vperm.xlane v18, v9  }
0x39c: {  	v19 =	vadd.f32 v21, v19  }
0x39d: {  	v18 =	vadd.f32 v20, v18  }
0x39e: {  	v21 =	vperm.xlane v19, v9  }
0x39f: {  	[tilespmem:s12+$0xFFFFFFFE] =	vst.msk $0x1, v18  }
0x3a0: {  	[tilespmem:s9+$0xFFFFFFFE] =	vst.msk $0x1, v16;
	v18 =	vld [tilespmem:s11+$0xFFFFFFF0];
	v55 =	vadd.f32 v21, v19  }
0x3a1: {  	v56 =	vld [tilespmem:s10+$0xFFFFFFF0]  }
0x3a2: {  	[tilespmem:s14+$0xFFFFFFFE] =	vst.msk $0x1, v55  }
0x3a3: {  	v16 =	vld [tilespmem:s13+$0xFFFFFFF0];
	_ =	sdelay $0x1  }
0x3a4: {  	v58 =	vperm.xlane v18, v6  }
0x3a5: {  	v57 =	vperm.xlane v56, v6  }
0x3a6: {  	v18 =	vadd.f32 v58, v18  }
0x3a7: {  	v19 =	vadd.f32 v57, v56;
	v59 =	vperm.xlane v16, v6  }
0x3a8: {  	v61 =	vperm.xlane v18, v7  }
0x3a9: {  	v60 =	vperm.xlane v19, v7;
	v16 =	vadd.f32 v59, v16  }
0x3aa: {  	v22 =	vperm.xlane v17, v8;
	v18 =	vadd.f32 v61, v18  }
0x3ab: {  	v19 =	vadd.f32 v60, v19;
	v62 =	vperm.xlane v16, v7  }
0x3ac: {  	v17 =	vadd.f32 v22, v17;
	v24 =	vperm.xlane v18, v8  }
0x3ad: {  	v63 =	vperm.xlane v19, v8;
	v16 =	vadd.f32 v62, v16  }
0x3ae: {  	v22 =	vperm.xlane v17, v9;
	v18 =	vadd.f32 v24, v18  }
0x3af: {  	v19 =	vadd.f32 v63, v19;
	v25 =	vperm.xlane v16, v8  }
0x3b0: {  	v17 =	vadd.f32 v22, v17;
	v27 =	vperm.xlane v18, v9  }
0x3b1: {  	v26 =	vperm.xlane v19, v9;
	v16 =	vadd.f32 v25, v16  }
0x3b2: {  	[tilespmem:s29+$0xFFFFFFFF] =	vst.msk $0x1, v17;
	v29 =	vadd.f32 v27, v18  }
0x3b3: {  	v30 =	vld [tilespmem:s8+$0x0];
	v19 =	vadd.f32 v26, v19;
	v28 =	vperm.xlane v16, v9  }
0x3b4: {  	[tilespmem:s12+$0xFFFFFFFF] =	vst.msk $0x1, v29  }
0x3b5: {  	v17 =	vld [tilespmem:s11+$0x0];
	[tilespmem:s9+$0xFFFFFFFF] =	vst.msk $0x1, v19;
	v16 =	vadd.f32 v28, v16  }
0x3b6: {  	v19 =	vld [tilespmem:s10+$0x0]  }
0x3b7: {  	[tilespmem:s14+$0xFFFFFFFF] =	vst.msk $0x1, v16  }
0x3b8: {  	v31 =	vperm.xlane v30, v6;
	v16 =	vld [tilespmem:s13+$0x0];
	_ =	sdelay $0x1  }
0x3b9: {  	v18 =	vadd.f32 v31, v30;
	v33 =	vperm.xlane v17, v6  }
0x3ba: {  	v32 =	vperm.xlane v19, v6  }
0x3bb: {  	v35 =	vperm.xlane v18, v7;
	v17 =	vadd.f32 v33, v17  }
0x3bc: {  	v19 =	vadd.f32 v32, v19;
	v34 =	vperm.xlane v16, v6  }
0x3bd: {  	v18 =	vadd.f32 v35, v18;
	v38 =	vperm.xlane v17, v7  }
0x3be: {  	v36 =	vperm.xlane v19, v7;
	v16 =	vadd.f32 v34, v16  }
0x3bf: {  	v40 =	vperm.xlane v18, v8;
	v17 =	vadd.f32 v38, v17  }
0x3c0: {  	v37 =	vperm.xlane v15, v8;
	v19 =	vadd.f32 v36, v19;
	v39 =	vperm.xlane v16, v7  }
0x3c1: {  	v18 =	vadd.f32 v40, v18;
	v43 =	vperm.xlane v17, v8  }
0x3c2: {  	v15 =	vadd.f32 v37, v15;
	v41 =	vperm.xlane v19, v8;
	v16 =	vadd.f32 v39, v16  }
0x3c3: {  	v45 =	vperm.xlane v18, v9;
	v17 =	vadd.f32 v43, v17  }
0x3c4: {  	v42 =	vperm.xlane v15, v9;
	v19 =	vadd.f32 v41, v19;
	v44 =	vperm.xlane v16, v8  }
0x3c5: {  	v47 =	vadd.f32 v45, v18;
	v48 =	vperm.xlane v17, v9  }
0x3c6: {  	v15 =	vadd.f32 v42, v15;
	v46 =	vperm.xlane v19, v9;
	v16 =	vadd.f32 v44, v16  }
0x3c7: {  	[tilespmem:s29+$0x0] =	vst.msk $0x1, v47;
	v51 =	vadd.f32 v48, v17  }
0x3c8: {  	[tilespmem:s26+$0x0] =	vst.msk $0x1, v15;
	v52 =	vld [tilespmem:s8+$0x10];
	v19 =	vadd.f32 v46, v19;
	v50 =	vperm.xlane v16, v9  }
0x3c9: {  	[tilespmem:s12+$0x0] =	vst.msk $0x1, v51  }
0x3ca: {  	v15 =	vld [tilespmem:s11+$0x10];
	[tilespmem:s9+$0x0] =	vst.msk $0x1, v19;
	v16 =	vadd.f32 v50, v16  }
0x3cb: {  	v53 =	vld [tilespmem:s10+$0x10]  }
0x3cc: {  	v49 =	vld [tilespmem:s28+$0x10];
	[tilespmem:s14+$0x0] =	vst.msk $0x1, v16  }
0x3cd: {  	v56 =	vperm.xlane v52, v6;
	v55 =	vld [tilespmem:s13+$0x10];
	_ =	sdelay $0x1  }
0x3ce: {  	v17 =	vadd.f32 v56, v52;
	v59 =	vperm.xlane v15, v6  }
0x3cf: {  	v57 =	vperm.xlane v53, v6  }
0x3d0: {  	v54 =	vperm.xlane v49, v6;
	v61 =	vperm.xlane v17, v7;
	v15 =	vadd.f32 v59, v15  }
0x3d1: {  	v18 =	vadd.f32 v57, v53;
	v60 =	vperm.xlane v55, v6  }
0x3d2: {  	v17 =	vadd.f32 v61, v17;
	v24 =	vperm.xlane v15, v7;
	v16 =	vadd.f32 v54, v49  }
0x3d3: {  	v13 =	vadd.f32 v14, v13;
	v62 =	vperm.xlane v18, v7;
	v19 =	vadd.f32 v60, v55  }
0x3d4: {  	v27 =	vperm.xlane v17, v8;
	v15 =	vadd.f32 v24, v15;
	v58 =	vperm.xlane v16, v7  }
0x3d5: {  	v25 =	vperm.xlane v13, v9;
	v14 =	vadd.f32 v62, v18;
	v26 =	vperm.xlane v19, v7  }
0x3d6: {  	v17 =	vadd.f32 v27, v17;
	v30 =	vperm.xlane v15, v8;
	v16 =	vadd.f32 v58, v16  }
0x3d7: {  	v13 =	vadd.f32 v25, v13;
	v29 =	vperm.xlane v14, v8;
	v18 =	vadd.f32 v26, v19  }
0x3d8: {  	v33 =	vperm.xlane v17, v9;
	v15 =	vadd.f32 v30, v15;
	v63 =	vperm.xlane v16, v8  }
0x3d9: {  	v28 =	vperm.xlane v12, v9;
	[tilespmem:s31+$0x1] =	vst.msk $0x1, v13;
	v14 =	vadd.f32 v29, v14;
	v32 =	vperm.xlane v18, v8  }
0x3da: {  	v34 =	vld [tilespmem:s18+$0x20];
	v36 =	vadd.f32 v33, v17;
	v37 =	vperm.xlane v15, v9;
	v16 =	vadd.f32 v63, v16  }
0x3db: {  	v12 =	vadd.f32 v28, v12;
	v35 =	vperm.xlane v14, v9;
	v18 =	vadd.f32 v32, v18  }
0x3dc: {  	[tilespmem:s29+$0x1] =	vst.msk $0x1, v36;
	v41 =	vadd.f32 v37, v15;
	v31 =	vperm.xlane v16, v9  }
0x3dd: {  	[tilespmem:s17+$0x2] =	vst.msk $0x1, v12;
	v42 =	vld [tilespmem:s8+$0x20];
	v14 =	vadd.f32 v35, v14;
	v39 =	vperm.xlane v18, v9  }
0x3de: {  	[tilespmem:s12+$0x1] =	vst.msk $0x1, v41;
	v16 =	vadd.f32 v31, v16  }
0x3df: {  	v44 =	vperm.xlane v34, v6;
	v12 =	vld [tilespmem:s11+$0x20];
	[tilespmem:s9+$0x1] =	vst.msk $0x1, v14;
	v43 =	vadd.f32 v39, v18  }
0x3e0: {  	v45 =	vld [tilespmem:s10+$0x20];
	[tilespmem:s26+$0x1] =	vst.msk $0x1, v16  }
0x3e1: {  	v46 =	vadd.f32 v44, v34;
	v40 =	vld [tilespmem:s28+$0x20];
	[tilespmem:s14+$0x1] =	vst.msk $0x1, v43  }
0x3e2: {  	v51 =	vperm.xlane v42, v6;
	v47 =	vld [tilespmem:s13+$0x20]  }
0x3e3: {  	v50 =	vperm.xlane v46, v7  }
0x3e4: {  	v13 =	vadd.f32 v51, v42;
	v54 =	vperm.xlane v12, v6  }
0x3e5: {  	v14 =	vadd.f32 v50, v46;
	v53 =	vperm.xlane v45, v6  }
0x3e6: {  	v58 =	vperm.xlane v13, v7;
	v12 =	vadd.f32 v54, v12;
	v49 =	vperm.xlane v40, v6  }
0x3e7: {  	v57 =	vperm.xlane v14, v8;
	v16 =	vadd.f32 v53, v45;
	v56 =	vperm.xlane v47, v6  }
0x3e8: {  	v13 =	vadd.f32 v58, v13;
	v60 =	vperm.xlane v12, v7;
	v52 =	vadd.f32 v49, v40  }
0x3e9: {  	v14 =	vadd.f32 v57, v14;
	v59 =	vperm.xlane v16, v7;
	v15 =	vadd.f32 v56, v47  }
0x3ea: {  	v63 =	vperm.xlane v13, v8;
	v12 =	vadd.f32 v60, v12;
	v55 =	vperm.xlane v52, v7  }
0x3eb: {  	v22 =	vperm.xlane v14, v9;
	v16 =	vadd.f32 v59, v16;
	v62 =	vperm.xlane v15, v7  }
0x3ec: {  	v38 =	vld [tilespmem:s7+$0x30];
	v13 =	vadd.f32 v63, v13;
	v25 =	vperm.xlane v12, v8;
	v18 =	vadd.f32 v55, v52  }
0x3ed: {  	v14 =	vadd.f32 v22, v14;
	v24 =	vperm.xlane v16, v8;
	v15 =	vadd.f32 v62, v15  }
0x3ee: {  	v29 =	vperm.xlane v13, v9;
	v12 =	vadd.f32 v25, v12;
	v61 =	vperm.xlane v18, v8  }
0x3ef: {  	[tilespmem:s31+$0x2] =	vst.msk $0x1, v14;
	v16 =	vadd.f32 v24, v16;
	v27 =	vperm.xlane v15, v8  }
0x3f0: {  	v13 =	vadd.f32 v29, v13;
	v32 =	vld [tilespmem:s18+$0x30];
	v31 =	vperm.xlane v12, v9;
	v18 =	vadd.f32 v61, v18  }
0x3f1: {  	v48 =	vperm.xlane v38, v6;
	v30 =	vperm.xlane v16, v9;
	v15 =	vadd.f32 v27, v15  }
0x3f2: {  	[tilespmem:s29+$0x2] =	vst.msk $0x1, v13;
	v12 =	vadd.f32 v31, v12;
	v26 =	vperm.xlane v18, v9  }
0x3f3: {  	v17 =	vadd.f32 v48, v38;
	v36 =	vld [tilespmem:s8+$0x30];
	v16 =	vadd.f32 v30, v16;
	v33 =	vperm.xlane v15, v9  }
0x3f4: {  	[tilespmem:s12+$0x2] =	vst.msk $0x1, v12;
	v18 =	vadd.f32 v26, v18  }
0x3f5: {  	v28 =	vperm.xlane v17, v7;
	v39 =	vperm.xlane v32, v6;
	v38 =	vld [tilespmem:s11+$0x30];
	[tilespmem:s9+$0x2] =	vst.msk $0x1, v16;
	v15 =	vadd.f32 v33, v15  }
0x3f6: {  	v10 =	vadd.f32 v11, v10;
	v16 =	vld [tilespmem:s10+$0x30];
	[tilespmem:s26+$0x2] =	vst.msk $0x1, v18  }
0x3f7: {  	v17 =	vadd.f32 v28, v17;
	v11 =	vadd.f32 v39, v32;
	v34 =	vld [tilespmem:s28+$0x30];
	[tilespmem:s14+$0x2] =	vst.msk $0x1, v15  }
0x3f8: {  	v43 =	vperm.xlane v36, v6;
	v40 =	vld [tilespmem:s13+$0x30]  }
0x3f9: {  	v35 =	vperm.xlane v17, v8;
	v46 =	vperm.xlane v11, v7  }
0x3fa: {  	v14 =	vadd.f32 v43, v36;
	v47 =	vperm.xlane v38, v6  }
0x3fb: {  	v37 =	vadd.f32 v35, v17;
	v11 =	vadd.f32 v46, v11;
	v45 =	vperm.xlane v16, v6  }
0x3fc: {  	v49 =	vperm.xlane v14, v7;
	v13 =	vadd.f32 v47, v38;
	v42 =	vperm.xlane v34, v6  }
0x3fd: {  	v52 =	vperm.xlane v11, v8;
	v16 =	vadd.f32 v45, v16;
	v48 =	vperm.xlane v40, v6  }
0x3fe: {  	v14 =	vadd.f32 v49, v14;
	v53 =	vperm.xlane v13, v7;
	v44 =	vadd.f32 v42, v34  }
0x3ff: {  	v11 =	vadd.f32 v52, v11;
	v51 =	vperm.xlane v16, v7;
	v17 =	vadd.f32 v48, v40  }
0x400: {  	v55 =	vperm.xlane v14, v8;
	v13 =	vadd.f32 v53, v13;
	v21 =	vperm.xlane v44, v7  }
0x401: {  	v57 =	vperm.xlane v11, v9;
	v16 =	vadd.f32 v51, v16;
	v54 =	vperm.xlane v17, v7  }
0x402: {  	v14 =	vadd.f32 v55, v14;
	v58 =	vperm.xlane v13, v8;
	v50 =	vadd.f32 v21, v44  }
0x403: {  	[tilespmem:s3+$0x3] =	vst.msk $0x1, v10;
	v10 =	vadd.f32 v57, v11;
	v56 =	vperm.xlane v16, v8;
	v17 =	vadd.f32 v54, v17  }
0x404: {  	v11 =	vperm.xlane v14, v9;
	v13 =	vadd.f32 v58, v13;
	v21 =	vperm.xlane v50, v8  }
0x405: {  	v41 =	vperm.xlane v37, v9;
	v16 =	vadd.f32 v56, v16;
	v59 =	vperm.xlane v17, v8  }
0x406: {  	[tilespmem:s31+$0x3] =	vst.msk $0x1, v10;
	v10 =	vadd.f32 v11, v14;
	v11 =	vperm.xlane v13, v9;
	v15 =	vadd.f32 v21, v50  }
0x407: {  	v12 =	vadd.f32 v41, v37;
	v61 =	vperm.xlane v16, v9;
	v17 =	vadd.f32 v59, v17  }
0x408: {  	[tilespmem:s29+$0x3] =	vst.msk $0x1, v10;
	v10 =	vadd.f32 v11, v13;
	v21 =	vperm.xlane v15, v9  }
0x409: {  	[tilespmem:s17+$0x3] =	vst.msk $0x1, v12;
	v62 =	vadd.f32 v61, v16;
	v63 =	vperm.xlane v17, v9  }
0x40a: {  	[tilespmem:s12+$0x3] =	vst.msk $0x1, v10;
	v60 =	vadd.f32 v21, v15  }
0x40b: {  	[tilespmem:s9+$0x3] =	vst.msk $0x1, v62;
	v11 =	vadd.f32 v63, v17  }
0x40c: {  	[tilespmem:s26+$0x3] =	vst.msk $0x1, v60  }
0x40d: {  	[tilespmem:s14+$0x3] =	vst.msk $0x1, v11  }
0x40e: {  	v10 =	vld [tilespmem:$0x10400];
	_ =	sdelay $0x4  }
0x40f: {  	v11 =	vperm.xlane v10, v6;
	_ =	sdelay $0x1  }
0x410: {  	v10 =	vadd.f32 v11, v10;
	_ =	sdelay $0x1  }
0x411: {  	v11 =	vperm.xlane v10, v2;
	_ =	sdelay $0x1  }
0x412: {  	v10 =	vadd.f32 v11, v10;
	_ =	sdelay $0x1  }
0x413: {  	v11 =	vperm.xlane v10, v3;
	_ =	sdelay $0x1  }
0x414: {  	v10 =	vadd.f32 v11, v10;
	_ =	sdelay $0x1  }
0x415: {  	v11 =	vperm.xlane v10, v4  }
0x416: {  	s0 =	scvt.s32.f32 s0  }
0x417: {  	v10 =	vadd.f32 v11, v10  }
0x418: {  	s18 =	simm.s32 $0x108C0;
	v11 =	vmov s0  }
0x419: {  	s5 =	simm.s32 $0x10480;
	[tilespmem:s18+$0x0] =	vst.msk $0x1, v10;
	v10 =	vnsel vm0, $0x0, v11  }
0x41a: {  	s28 =	simm.s32 $0x80;
	s29 =	simm.s32 $0x3;
	s26 =	rddreg [dreg:$0xc];
	[tilespmem:$0x108E0] =	vst v10  }
0x41b: {  	[hbm4b:s26+s28] =	stream.strided.scatter [tilespmem:s5], [sflag:$0x3], $0x480, s16, s28, $0x38;
	[tilespmem:$0x12980] =	vst v63  }
0x41c: {  	_ =	swait.ge [sflag:s29], $0x480  }
0x41d: {  	s30 =	rddreg [dreg:$0x5]  }
0x41e: {  	s31 =	rddreg [dreg:$0xd];
	s8 =	sadd.s32 $0x1, s30  }
0x41f: {  	p0 =	sne.s32 s8, s31  }
.Ltmp22:
0x420: {  	_ = 	snop;
	(pc) =	sbr.rel @p0 .LBB2_1-.Ltmp22, $3  }
0x421: {  	_ =	sdelay $0x1  }
0x422: {  	[sflag:s29] =	ssyncset.done $0x0  }
0x423: {  	[sflag:s29] =	ssyncadd.s32 $0xFFFFFB80  }
0x424: {  	_ =	sfence.sel $0x180000  }
0x425: {  	[bflag:$0x0] =	sbarrier.arrive $0xFFFF  }
0x426: {  	_ =	strace $0x90000047  }
0x427: {  	s0 =	stileid.u32;
	[bflag:$0x2] =	sbarrier.arrive $0xFFFF  }
0x428: {  	p0 =	sne.s32 s0, $0x0;
	s0 =	rddreg [dreg:$0x4]  }
0x429: {  	s0 =	sadd.s32 @!p0 $0x100000, s0  }
0x42a: {  	[sflag:s0] =	ssyncadd.tile.s32 @!p0 $0x1;
	_ =	shalt  }
.Lfunc_end2:
_tile_overlayer_lowered:
.L_overlay_start_2:
0x42b: {  	(tag) =	ssettag $0x2  }
0x42c: {  	s0 =	rddreg [dreg:$0x0];
	s2 =	stileid.u32  }
0x42d: {  	s1 =	rddreg [dreg:$0x1];
	p0 =	sne.s32 s2, $0x0  }
0x42e: {  	s3 =	rddreg [dreg:$0x2];
	[bflag:$0x3] =	sbarrier.arrive $0xFFFF;
	s2 =	simm.s32 @!p0 $0x1C03  }
0x42f: {  	[timem:s3], [sflag:s2] =	dma.local @!p0 [hbm:s0], s1  }
0x430: {  	s0 =	simm.s32 @!p0 $0x3  }
0x431: {  	_ =	swait.ge @!p0 [sflag:s0], s1  }
0x432: {  	s1 =	ssub.s32 @!p0 $0x0, s1;
	[sflag:s0] =	ssyncset.done @!p0 $0x0  }
0x433: {  	[sflag:s0] =	ssyncadd.s32 @!p0 s1  }
0x434: {  	[bflag:$0x3] =	sbarrier.arrive $0xFFFF  }
0x435: {  	_ =	shalt  }

</sc_bundles>
